<compile_context>
chip_gen: v7x
topology: tpu7x:2x2x1
jax: 0.10.2.dev20260603
libtpu: 0.0.44.dev20260713+nightly
codegen_flags: <defaults>
</compile_context>

<pallas_src>
import functools

import jax
import jax.numpy as jnp
from jax import lax
from jax.experimental import pallas as pl
from jax.experimental.pallas import tpu as pltpu
from jax.experimental.pallas import tpu_sc as plsc

DEPTH = 12
NG, C, L, M = 4, 8, 2, 512
GC = NG * C
NODES = 2 ** (DEPTH + 1) - 1
P = NODES + 1
HI = lax.Precision.HIGHEST


def _dot(x, y):
    return jnp.dot(x, y, precision=HI, preferred_element_type=jnp.float32)


def _it(shape, dim):
    return lax.broadcasted_iota(jnp.int32, shape, dim)


def _sc_gather_body(b_hbm, lab_hbm, braw_hbm, tab_loc, lab_loc, out_loc):
    w = P // 32
    wid = lax.axis_index("s") * 2 + lax.axis_index("c")
    base = wid * w
    pltpu.sync_copy(b_hbm, tab_loc)
    pltpu.sync_copy(lab_hbm.at[pl.ds(base, w)], lab_loc)

    def group(k, carry):
        labv = lab_loc[pl.ds(k * 16, 16)]
        for r in range(GC):
            out_loc[r, pl.ds(k * 16, 16)] = plsc.load_gather(
                tab_loc, [labv + r * M])
        return carry

    lax.fori_loop(0, w // 16, group, 0)
    pltpu.sync_copy(out_loc, braw_hbm.at[:, pl.ds(base, w)])


def _sc_gather(b_in, lab):
    mesh = plsc.VectorSubcoreMesh(core_axis_name="c", subcore_axis_name="s")
    f32 = jnp.float32
    kern = functools.partial(
        pl.kernel, mesh=mesh,
        compiler_params=pltpu.CompilerParams(
            needs_layout_passes=False, use_tc_tiling_on_sc=False),
        out_type=jax.ShapeDtypeStruct((GC, P), f32),
        scratch_types=[
            pltpu.VMEM((GC * M,), f32),
            pltpu.VMEM((P // 32,), jnp.int32),
            pltpu.VMEM((GC, P // 32), f32),
        ],
    )(_sc_gather_body)
    return kern(b_in.reshape(GC * M), lab)


def _body(a_ref, pi_ref, sp_ref, b_ref, braw_ref, out_ref,
          prior_ref, beta_ref, pb_ref, eps_ref, emis_ref):
    f32 = jnp.float32

    b_in = b_ref[...]
    b_mx = jnp.max(b_in, axis=1, keepdims=True)
    b_se = jnp.sum(jnp.exp(b_in - b_mx), axis=1, keepdims=True)
    b_corr = b_mx + jnp.log(b_se)
    braw = braw_ref[...]
    emis_ref[...] = jnp.exp(braw - b_mx) / b_se

    a_in = a_ref[...]
    a_mx = jnp.max(a_in, axis=0, keepdims=True)
    a_ex = jnp.exp(a_in - a_mx)
    a_se = jnp.sum(a_ex, axis=0, keepdims=True)
    sm_a = a_ex / a_se
    log_a = (a_in - a_mx) - jnp.log(a_se)

    pi_in = pi_ref[...]
    pi_mx = jnp.max(pi_in, axis=0, keepdims=True)
    pi_ex = jnp.exp(pi_in - pi_mx)
    pi_se = jnp.sum(pi_ex, axis=0, keepdims=True)
    sm_pi = pi_ex / pi_se
    log_pi = (pi_in - pi_mx) - jnp.log(pi_se)

    sp_in = sp_ref[...]
    sp_mx = jnp.max(sp_in, axis=1, keepdims=True)
    sp_ex = jnp.exp(sp_in - sp_mx)
    sp_se = jnp.sum(sp_ex, axis=1, keepdims=True)
    sm_sp = sp_ex / sp_se
    log_sp = (sp_in - sp_mx) - jnp.log(sp_se)

    E = (_it((512, 256), 0) == 2 * _it((512, 256), 1)).astype(f32)
    O = (_it((512, 256), 0) == 2 * _it((512, 256), 1) + 1).astype(f32)
    Et = (2 * _it((256, 512), 0) == _it((256, 512), 1)).astype(f32)
    Ot = (2 * _it((256, 512), 0) + 1 == _it((256, 512), 1)).astype(f32)
    Ones8 = ((_it((GC, GC), 0) // C) == (_it((GC, GC), 1) // C)).astype(f32)
    OnesG = (_it((NG, GC), 0) == (_it((NG, GC), 1) // C)).astype(f32)

    def blockdiag(blocks):
        rows = []
        for g in range(NG):
            parts = []
            if g:
                parts.append(jnp.zeros((C, C * g), f32))
            parts.append(blocks[g])
            if g < NG - 1:
                parts.append(jnp.zeros((C, C * (NG - 1 - g)), f32))
            rows.append(jnp.concatenate(parts, axis=1) if len(parts) > 1 else parts[0])
        return jnp.concatenate(rows, axis=0)

    def a_blk(g, l):
        return sm_a[:, l * 32 + g * 8:l * 32 + g * 8 + 8]

    def loga_blk(g, l):
        return log_a[:, l * 32 + g * 8:l * 32 + g * 8 + 8]

    A_big = [blockdiag([a_blk(g, l) * sm_sp[g:g + 1, l:l + 1] for g in range(NG)])
             for l in range(L)]
    Z32 = jnp.zeros((GC, GC), f32)
    W2 = jnp.concatenate(
        [jnp.concatenate([A_big[0], Z32, A_big[1], Z32], axis=1),
         jnp.concatenate([Z32, A_big[0], Z32, A_big[1]], axis=1)], axis=0)
    WD = jnp.concatenate(
        [jnp.concatenate([A_big[0], Z32], axis=1),
         jnp.concatenate([Z32, A_big[1]], axis=1)], axis=0)
    EOt = jnp.concatenate([Et, Ot], axis=0)

    def pi_col(src, l):
        return jnp.concatenate(
            [src[:, g * 2 + l:g * 2 + l + 1] for g in range(NG)], axis=0)

    def extract(X):
        w = X.shape[1]
        if w <= 512:
            return _dot(X, E[:w, :w // 2]), _dot(X, O[:w, :w // 2])
        e_parts, o_parts = [], []
        for c in range(w // 512):
            Xc = X[:, c * 512:(c + 1) * 512]
            e_parts.append(_dot(Xc, E))
            o_parts.append(_dot(Xc, O))
        return (jnp.concatenate(e_parts, axis=1),
                jnp.concatenate(o_parts, axis=1))

    def interleave(Y0, Y1):
        h = Y0.shape[1]
        if h <= 256:
            return _dot(jnp.concatenate([Y0, Y1], axis=1),
                        jnp.concatenate([Et[:h, :2 * h], Ot[:h, :2 * h]],
                                        axis=0))
        parts = []
        for c in range(h // 256):
            yc = jnp.concatenate([Y0[:, c * 256:(c + 1) * 256],
                                  Y1[:, c * 256:(c + 1) * 256]], axis=1)
            parts.append(_dot(yc, EOt))
        return jnp.concatenate(parts, axis=1)

    half = P // 2
    par_leaf = (_it((GC, half), 1) % 2) == 0
    pr_leaf = jnp.where(par_leaf, pi_col(sm_pi, 0), pi_col(sm_pi, 1))
    tmp = pr_leaf * emis_ref[:, half:]
    beta_leaf = tmp / _dot(Ones8, tmp)
    prior_ref[:, half:] = pr_leaf
    beta_ref[:, half:] = beta_leaf

    for lev in range(DEPTH - 1, -1, -1):
        m = 1 << lev
        S = jnp.concatenate([prior_ref[:, 2 * m:4 * m],
                             beta_ref[:, 2 * m:4 * m]], axis=0)
        S0, S1 = extract(S)
        R = _dot(W2, jnp.concatenate([S0, S1], axis=0))
        up = R[:GC]
        ub = R[GC:]
        tmp = emis_ref[:, m:2 * m] * ub
        prior_ref[:, m:2 * m] = up
        beta_ref[:, m:2 * m] = tmp / _dot(Ones8, tmp)
        pb_ref[:, m:2 * m] = ub

    eps_ref[:, 0:1] = jnp.zeros((GC, 1), f32)
    eps_ref[:, 1:2] = beta_ref[:, 1:2]
    ea_pair = jnp.zeros((GC, 2 * GC), f32)
    dn = (((1,), (1,)), ((), ()))
    for lev in range(DEPTH):
        m = 1 << lev
        F = eps_ref[:, m:2 * m] / pb_ref[:, m:2 * m]
        B0, B1 = extract(beta_ref[:, 2 * m:4 * m])
        BS = jnp.concatenate([B0, B1], axis=0)
        T = _dot(WD, BS)
        e0 = F * T[:GC]
        e1 = F * T[GC:]
        eps_ref[:, 2 * m:4 * m] = interleave(e0, e1)
        ea_pair = ea_pair + lax.dot_general(F, BS, dn, precision=HI,
                                            preferred_element_type=f32)
    Ea = [ea_pair[:, :GC], ea_pair[:, GC:]]

    ep = eps_ref[...]
    acc = (jnp.sum(ep * braw, axis=1, keepdims=True)
           - b_corr * jnp.sum(ep, axis=1, keepdims=True))
    lp_leaf = jnp.where(par_leaf, pi_col(log_pi, 0), pi_col(log_pi, 1))
    acc = acc + jnp.sum(ep[:, half:] * lp_leaf, axis=1, keepdims=True)
    for l in range(L):
        W = blockdiag([a_blk(g, l) * sm_sp[g:g + 1, l:l + 1]
                       * (loga_blk(g, l) + log_sp[g:g + 1, l:l + 1])
                       for g in range(NG)])
        acc = acc + jnp.sum(Ea[l] * W, axis=1, keepdims=True)
    out_ref[...] = _dot(OnesG, acc)


def _run_main(a_in, pi_in, sp_in, b_in, braw, interpret=False):
    return pl.pallas_call(
        _body,
        out_shape=jax.ShapeDtypeStruct((NG, 1), jnp.float32),
        scratch_shapes=[pltpu.VMEM((GC, P), jnp.float32) for _ in range(5)],
        interpret=interpret,
    )(a_in, pi_in, sp_in, b_in, braw)


def kernel(t, t_limits, a, b, pi, sp):
    lab = jnp.concatenate([jnp.zeros((1,), t.dtype), t[:, 0]])
    lab = lab.astype(jnp.int32)
    a_in = jnp.transpose(a, (1, 3, 0, 2)).reshape(C, L * NG * C).astype(jnp.float32)
    b_in = b.reshape(GC, M).astype(jnp.float32)
    pi_in = jnp.transpose(pi, (1, 0, 2)).reshape(C, NG * L).astype(jnp.float32)
    sp_in = sp.astype(jnp.float32)
    braw = _sc_gather(b_in, lab)
    return _run_main(a_in, pi_in, sp_in, b_in, braw).reshape(NG)

# --- scband reference (transcript-rebuilt; emitter-appended) ---
"""Pipeline reference for scband-bottom-up-htmm-39926015983659 (READ-ONLY COPY).

The authoritative reference and input builder live on the scoring server;
editing this copy changes nothing except your own understanding.
"""

import jax, jax.numpy as jnp
import numpy as np

N_GEN, C, L, M = 4, 8, 2, 512
DEPTH = 12  # full binary tree, levels 0..DEPTH


def _build_tree():
    real_levels = DEPTH + 1
    std = [2 ** k - 1 for k in range(real_levels + 1)]  # [0,1,3,...,8191]
    t_limits = np.array([0] + std, dtype=np.int64)      # leading 0 so downward lev=1 is the root level
    t_size = std[-1]
    rng = np.random.RandomState(0)
    t = np.zeros((t_size, 3 + L), dtype=np.int64)
    t[:, 0] = rng.randint(0, M, size=t_size)            # node labels
    for lev in range(1, real_levels):
        s, e = std[lev], std[lev + 1]
        t[s:e, 2] = np.arange(e - s) % L                # position among siblings
    for lev in range(real_levels - 1):
        s, e = std[lev], std[lev + 1]
        n_u = e - s
        base = std[lev + 1]
        t[s:e, 3:3 + L] = base + np.arange(n_u * L).reshape(n_u, L)  # children (leaves keep 0)
    return t, t_limits


def setup_inputs(seed: int = 0):
    key = jax.random.key(seed)
    ka, kb, kpi, ksp = jax.random.split(key, 4)
    t, t_limits = _build_tree()
    return {
        "t": jnp.asarray(t),
        "t_limits": jnp.asarray(t_limits),
        "a": jax.random.normal(ka, (N_GEN, C, C, L), dtype=jnp.float32),
        "b": jax.random.normal(kb, (N_GEN, C, M), dtype=jnp.float32),
        "pi": jax.random.normal(kpi, (N_GEN, C, L), dtype=jnp.float32),
        "sp": jax.random.normal(ksp, (N_GEN, L), dtype=jnp.float32),
    }


def _forward(t_np, t_limits, a, b, pi, sp):
    n_gen, hs = a.shape[0], a.shape[1]
    odeg = a.shape[3]
    n_levels = t_limits.shape[0] - 1
    tl_static = [0] + [2 ** k - 1 for k in range(n_levels)]
    t_size = t_np.shape[0]

    sm_a = jax.nn.softmax(a, axis=1)
    sm_b = jax.nn.softmax(b, axis=2)
    sm_pi = jax.nn.softmax(pi, axis=1)
    sm_sp = jax.nn.softmax(sp, axis=1)

    a_pos = sm_a * sm_sp[:, None, None, :]  # [g,i,j,l]

    prior = jnp.zeros((n_gen, t_size, hs), dtype=a.dtype)
    beta_i = jnp.zeros((n_gen, t_size, hs), dtype=a.dtype)
    beta_il = jnp.zeros((n_gen, t_size, hs), dtype=a.dtype)

    # ---- upward pass: leaves ----
    leaf_s, leaf_e = tl_static[-2], tl_static[-1]
    pos_leaves = t_np[leaf_s:leaf_e, 2]
    lab_leaves = t_np[leaf_s:leaf_e, 0]
    prior_leaves = jnp.transpose(sm_pi[:, :, pos_leaves], (0, 2, 1))  # [g,n,C]
    emis_leaves = jnp.transpose(sm_b[:, :, lab_leaves], (0, 2, 1))
    beta_leaves = prior_leaves * emis_leaves
    beta_leaves = beta_leaves / jnp.sum(beta_leaves, axis=2, keepdims=True)
    prior = prior.at[:, leaf_s:leaf_e, :].set(prior_leaves)
    beta_i = beta_i.at[:, leaf_s:leaf_e, :].set(beta_leaves)

    # ---- upward pass: internal levels (level-vectorized; full tree => n_children = L) ----
    for lev in range(n_levels - 2, -1, -1):
        s, e = tl_static[lev], tl_static[lev + 1]
        if s >= e:
            continue
        ch = t_np[s:e, 3:3 + odeg]  # [u,l]
        prior_c = jnp.transpose(prior[:, ch, :], (0, 1, 3, 2))   # [g,u,j,l]
        beta_c = jnp.transpose(beta_i[:, ch, :], (0, 1, 3, 2))   # [g,u,j,l]
        uth_prior = jnp.einsum('gijl,gujl->gui', a_pos, prior_c)
        uth_beta_il = jnp.einsum('gijl,gujl->gui', a_pos, beta_c) / uth_prior
        uth_emis = jnp.transpose(sm_b[:, :, t_np[s:e, 0]], (0, 2, 1))  # [g,u,i]
        tmp = uth_emis * uth_beta_il * uth_prior
        uth_beta_i = tmp / jnp.sum(tmp, axis=2, keepdims=True)
        prior = prior.at[:, s:e, :].set(uth_prior)
        beta_i = beta_i.at[:, s:e, :].set(uth_beta_i)
        beta_il = beta_il.at[:, s:e, :].set(uth_beta_il)

    # ---- downward pass ----
    eps_i = jnp.zeros((n_gen, t_size, hs), dtype=a.dtype)
    eps_ijl = jnp.zeros((n_gen, t_size, hs, hs, odeg), dtype=a.dtype)
    eps_i = eps_i.at[:, 0, :].set(beta_i[:, 0, :])
    for lev in range(1, n_levels):
        s, e = tl_static[lev], tl_static[lev + 1]
        if s >= e:
            continue
        if s >= leaf_s:
            break  # leaves have no children; their eps_ijl is zero (as in original final scatter)
        ch = t_np[s:e, 3:3 + odeg]
        n_u = e - s
        eps_par = eps_i[:, s:e, :]                                # [g,u,i]
        beta_c = jnp.transpose(beta_i[:, ch, :], (0, 1, 3, 2))    # [g,u,j,l]
        res = (eps_par[:, :, :, None, None]
               * a_pos[:, None, :, :, :]
               * beta_c[:, :, None, :, :])                        # [g,u,i,j,l]
        denom = prior[:, s:e, :] * beta_il[:, s:e, :]             # [g,u,i]
        res = res / denom[:, :, :, None, None]
        ce = jnp.sum(res, axis=3)                                 # [g,u,i,l] (sum over axis j, as original axis=2)
        ce_children = jnp.transpose(ce, (0, 1, 3, 2)).reshape(n_gen, n_u * odeg, hs)
        eps_i = eps_i.at[:, ch.reshape(-1), :].set(ce_children)
        eps_ijl = eps_ijl.at[:, s:e].set(res)

    # ---- log-likelihood ----
    a_lhood = jnp.sum(eps_ijl * jnp.log(sm_a)[:, None, :, :, :], axis=(1, 2, 3, 4))
    b_nodes = jnp.transpose(sm_b[:, :, t_np[:, 0]], (0, 2, 1))
    b_lhood = jnp.sum(eps_i * jnp.log(b_nodes), axis=(1, 2))
    pi_leaves = jnp.transpose(sm_pi[:, :, t_np[leaf_s:, 2]], (0, 2, 1))
    pi_lhood = jnp.sum(eps_i[:, leaf_s:, :] * jnp.log(pi_leaves), axis=(1, 2))
    eps_l = jnp.sum(eps_ijl, axis=(2, 3))
    sp_lhood = jnp.sum(eps_l * jnp.log(sm_sp)[:, None, :], axis=(1, 2))
    return a_lhood + b_lhood + pi_lhood + sp_lhood


def reference(t, t_limits, a, b, pi, sp):
    return _forward(t, t_limits, a, b, pi, sp)

if __name__ == "__main__":
    import jax
    _d = setup_inputs()
    print(jax.jit(kernel)(*tuple(_d.values())))

</pallas_src>

<mosaic_0001>
#map = affine_map<(d0, d1) -> (0)>
#map1 = affine_map<(d0, d1) -> (0, 0)>
module attributes {stable_mosaic.version = 14 : i64} {
  func.func @_sc_gather_body(%arg0: i32, %arg1: i32, %arg2: memref<16384xf32, #tpu.memory_space<hbm>>, %arg3: memref<8192xi32, #tpu.memory_space<hbm>>, %arg4: memref<32x8192xf32, #tpu.memory_space<hbm>>, %arg5: memref<16384xf32, #tpu.memory_space<vmem>>, %arg6: memref<256xi32, #tpu.memory_space<vmem>>, %arg7: memref<32x256xf32, #tpu.memory_space<vmem>>) attributes {dimension_semantics = [#tpu.dimension_semantics<core_parallel>, #tpu.dimension_semantics<subcore_parallel>], iteration_bounds = array<i64: 2, 16>, scalar_prefetch = 0 : i64, scratch_operands = 3 : i64, tpu.core_type = #tpu.core_type<sc_vector_subcore>, window_params = [{transform_indices = #map}, {transform_indices = #map}, {transform_indices = #map1}]} {
    %mul3A = arith.constant 2 : i32
    %mul3A_0 = arith.muli %arg1, %mul3A : i32
    %add3A = arith.addi %mul3A_0, %arg0 : i32
    %mul3A_1 = arith.constant 256 : i32
    %mul3A_2 = arith.muli %add3A, %mul3A_1 : i32
    "tpu.region"() ({
      %run_scoped3A = tpu.sem_alloc : memref<!tpu.dma_semaphore, #tpu.memory_space<semaphore_mem>>
      tpu.enqueue_dma source(%arg2 : memref<16384xf32, #tpu.memory_space<hbm>>) target(%arg5 : memref<16384xf32, #tpu.memory_space<vmem>>) target_semaphore(%run_scoped3A : memref<!tpu.dma_semaphore, #tpu.memory_space<semaphore_mem>>)
      tpu.wait_dma2 semaphore(%run_scoped3A : memref<!tpu.dma_semaphore, #tpu.memory_space<semaphore_mem>>) src(%arg2 : memref<16384xf32, #tpu.memory_space<hbm>>) dst(%arg5 : memref<16384xf32, #tpu.memory_space<vmem>>)
      tpu.yield
    }) : () -> ()
    "tpu.region"() ({
      %run_scoped3A = tpu.sem_alloc : memref<!tpu.dma_semaphore, #tpu.memory_space<semaphore_mem>>
      %dma_start3A = tpu.memref_slice %arg3[%mul3A_2] : memref<8192xi32, #tpu.memory_space<hbm>> -> memref<256xi32, #tpu.memory_space<hbm>>
      %dma_start3A_8 = tpu.memref_slice %arg3[%mul3A_2] : memref<8192xi32, #tpu.memory_space<hbm>> -> memref<256xi32, #tpu.memory_space<hbm>>
      tpu.enqueue_dma source(%dma_start3A_8 : memref<256xi32, #tpu.memory_space<hbm>>) target(%arg6 : memref<256xi32, #tpu.memory_space<vmem>>) target_semaphore(%run_scoped3A : memref<!tpu.dma_semaphore, #tpu.memory_space<semaphore_mem>>)
      %dma_wait3A = tpu.memref_slice %arg3[%mul3A_2] : memref<8192xi32, #tpu.memory_space<hbm>> -> memref<256xi32, #tpu.memory_space<hbm>>
      %dma_wait3A_9 = tpu.memref_slice %arg3[%mul3A_2] : memref<8192xi32, #tpu.memory_space<hbm>> -> memref<256xi32, #tpu.memory_space<hbm>>
      tpu.wait_dma2 semaphore(%run_scoped3A : memref<!tpu.dma_semaphore, #tpu.memory_space<semaphore_mem>>) src(%dma_wait3A_9 : memref<256xi32, #tpu.memory_space<hbm>>) dst(%arg6 : memref<256xi32, #tpu.memory_space<vmem>>)
      tpu.yield
    }) : () -> ()
    %scan3A = arith.constant 0 : i32
    %scan3A_3 = arith.constant 0 : i32
    %scan3A_4 = arith.constant 16 : i32
    %scan3A_5 = arith.addi %scan3A_3, %scan3A_4 : i32
    %scan3A_6 = arith.constant 1 : i32
    scf.for %scan3A_8 = %scan3A_3 to %scan3A_5 step %scan3A_6  : i32 {
      %mul3A_9 = arith.constant 16 : i32
      %mul3A_10 = arith.muli %scan3A_8, %mul3A_9 : i32
      %get3A = arith.index_cast %mul3A_10 : i32 to index
      %get3A_11 = tpu.vector_load %arg6[%get3A] {strides = array<i32>} : memref<256xi32, #tpu.memory_space<vmem>>, vector<16xi32>,
      %add3A_12 = arith.constant 0 : i32
      %add3A_13 = vector.broadcast %add3A_12 : i32 to vector<16xi32>
      %add3A_14 = arith.addi %get3A_11, %add3A_13 : vector<16xi32>
      %gather3A = tpu.vector_load_idx %arg5[%add3A_14] : memref<16384xf32, #tpu.memory_space<vmem>>[vector<16xi32>], vector<16xf32>,
      %mul3A_15 = arith.constant 16 : i32
      %mul3A_16 = arith.muli %scan3A_8, %mul3A_15 : i32
      %swap3A = arith.constant 0 : i32
      %swap3A_17 = arith.index_cast %swap3A : i32 to index
      %swap3A_18 = arith.index_cast %mul3A_16 : i32 to index
      %swap3A_19 = tpu.vector_load %arg7[%swap3A_17, %swap3A_18] {strides = array<i32>} : memref<32x256xf32, #tpu.memory_space<vmem>>, vector<16xf32>,
      tpu.vector_store %arg7[%swap3A_17, %swap3A_18], %gather3A {strides = array<i32>} : memref<32x256xf32, #tpu.memory_space<vmem>>, vector<16xf32>,
      %add3A_20 = arith.constant 512 : i32
      %add3A_21 = vector.broadcast %add3A_20 : i32 to vector<16xi32>
      %add3A_22 = arith.addi %get3A_11, %add3A_21 : vector<16xi32>
      %gather3A_23 = tpu.vector_load_idx %arg5[%add3A_22] : memref<16384xf32, #tpu.memory_space<vmem>>[vector<16xi32>], vector<16xf32>,
      %mul3A_24 = arith.constant 16 : i32
      %mul3A_25 = arith.muli %scan3A_8, %mul3A_24 : i32
      %swap3A_26 = arith.constant 1 : i32
      %swap3A_27 = arith.index_cast %swap3A_26 : i32 to index
      %swap3A_28 = arith.index_cast %mul3A_25 : i32 to index
      %swap3A_29 = tpu.vector_load %arg7[%swap3A_27, %swap3A_28] {strides = array<i32>} : memref<32x256xf32, #tpu.memory_space<vmem>>, vector<16xf32>,
      tpu.vector_store %arg7[%swap3A_27, %swap3A_28], %gather3A_23 {strides = array<i32>} : memref<32x256xf32, #tpu.memory_space<vmem>>, vector<16xf32>,
      %add3A_30 = arith.constant 1024 : i32
      %add3A_31 = vector.broadcast %add3A_30 : i32 to vector<16xi32>
      %add3A_32 = arith.addi %get3A_11, %add3A_31 : vector<16xi32>
      %gather3A_33 = tpu.vector_load_idx %arg5[%add3A_32] : memref<16384xf32, #tpu.memory_space<vmem>>[vector<16xi32>], vector<16xf32>,
      %mul3A_34 = arith.constant 16 : i32
      %mul3A_35 = arith.muli %scan3A_8, %mul3A_34 : i32
      %swap3A_36 = arith.constant 2 : i32
      %swap3A_37 = arith.index_cast %swap3A_36 : i32 to index
      %swap3A_38 = arith.index_cast %mul3A_35 : i32 to index
      %swap3A_39 = tpu.vector_load %arg7[%swap3A_37, %swap3A_38] {strides = array<i32>} : memref<32x256xf32, #tpu.memory_space<vmem>>, vector<16xf32>,
      tpu.vector_store %arg7[%swap3A_37, %swap3A_38], %gather3A_33 {strides = array<i32>} : memref<32x256xf32, #tpu.memory_space<vmem>>, vector<16xf32>,
      %add3A_40 = arith.constant 1536 : i32
      %add3A_41 = vector.broadcast %add3A_40 : i32 to vector<16xi32>
      %add3A_42 = arith.addi %get3A_11, %add3A_41 : vector<16xi32>
      %gather3A_43 = tpu.vector_load_idx %arg5[%add3A_42] : memref<16384xf32, #tpu.memory_space<vmem>>[vector<16xi32>], vector<16xf32>,
      %mul3A_44 = arith.constant 16 : i32
      %mul3A_45 = arith.muli %scan3A_8, %mul3A_44 : i32
      %swap3A_46 = arith.constant 3 : i32
      %swap3A_47 = arith.index_cast %swap3A_46 : i32 to index
      %swap3A_48 = arith.index_cast %mul3A_45 : i32 to index
      %swap3A_49 = tpu.vector_load %arg7[%swap3A_47, %swap3A_48] {strides = array<i32>} : memref<32x256xf32, #tpu.memory_space<vmem>>, vector<16xf32>,
      tpu.vector_store %arg7[%swap3A_47, %swap3A_48], %gather3A_43 {strides = array<i32>} : memref<32x256xf32, #tpu.memory_space<vmem>>, vector<16xf32>,
      %add3A_50 = arith.constant 2048 : i32
      %add3A_51 = vector.broadcast %add3A_50 : i32 to vector<16xi32>
      %add3A_52 = arith.addi %get3A_11, %add3A_51 : vector<16xi32>
      %gather3A_53 = tpu.vector_load_idx %arg5[%add3A_52] : memref<16384xf32, #tpu.memory_space<vmem>>[vector<16xi32>], vector<16xf32>,
      %mul3A_54 = arith.constant 16 : i32
      %mul3A_55 = arith.muli %scan3A_8, %mul3A_54 : i32
      %swap3A_56 = arith.constant 4 : i32
      %swap3A_57 = arith.index_cast %swap3A_56 : i32 to index
      %swap3A_58 = arith.index_cast %mul3A_55 : i32 to index
      %swap3A_59 = tpu.vector_load %arg7[%swap3A_57, %swap3A_58] {strides = array<i32>} : memref<32x256xf32, #tpu.memory_space<vmem>>, vector<16xf32>,
      tpu.vector_store %arg7[%swap3A_57, %swap3A_58], %gather3A_53 {strides = array<i32>} : memref<32x256xf32, #tpu.memory_space<vmem>>, vector<16xf32>,
      %add3A_60 = arith.constant 2560 : i32
      %add3A_61 = vector.broadcast %add3A_60 : i32 to vector<16xi32>
      %add3A_62 = arith.addi %get3A_11, %add3A_61 : vector<16xi32>
      %gather3A_63 = tpu.vector_load_idx %arg5[%add3A_62] : memref<16384xf32, #tpu.memory_space<vmem>>[vector<16xi32>], vector<16xf32>,
      %mul3A_64 = arith.constant 16 : i32
      %mul3A_65 = arith.muli %scan3A_8, %mul3A_64 : i32
      %swap3A_66 = arith.constant 5 : i32
      %swap3A_67 = arith.index_cast %swap3A_66 : i32 to index
      %swap3A_68 = arith.index_cast %mul3A_65 : i32 to index
      %swap3A_69 = tpu.vector_load %arg7[%swap3A_67, %swap3A_68] {strides = array<i32>} : memref<32x256xf32, #tpu.memory_space<vmem>>, vector<16xf32>,
      tpu.vector_store %arg7[%swap3A_67, %swap3A_68], %gather3A_63 {strides = array<i32>} : memref<32x256xf32, #tpu.memory_space<vmem>>, vector<16xf32>,
      %add3A_70 = arith.constant 3072 : i32
      %add3A_71 = vector.broadcast %add3A_70 : i32 to vector<16xi32>
      %add3A_72 = arith.addi %get3A_11, %add3A_71 : vector<16xi32>
      %gather3A_73 = tpu.vector_load_idx %arg5[%add3A_72] : memref<16384xf32, #tpu.memory_space<vmem>>[vector<16xi32>], vector<16xf32>,
      %mul3A_74 = arith.constant 16 : i32
      %mul3A_75 = arith.muli %scan3A_8, %mul3A_74 : i32
      %swap3A_76 = arith.constant 6 : i32
      %swap3A_77 = arith.index_cast %swap3A_76 : i32 to index
      %swap3A_78 = arith.index_cast %mul3A_75 : i32 to index
      %swap3A_79 = tpu.vector_load %arg7[%swap3A_77, %swap3A_78] {strides = array<i32>} : memref<32x256xf32, #tpu.memory_space<vmem>>, vector<16xf32>,
      tpu.vector_store %arg7[%swap3A_77, %swap3A_78], %gather3A_73 {strides = array<i32>} : memref<32x256xf32, #tpu.memory_space<vmem>>, vector<16xf32>,
      %add3A_80 = arith.constant 3584 : i32
      %add3A_81 = vector.broadcast %add3A_80 : i32 to vector<16xi32>
      %add3A_82 = arith.addi %get3A_11, %add3A_81 : vector<16xi32>
      %gather3A_83 = tpu.vector_load_idx %arg5[%add3A_82] : memref<16384xf32, #tpu.memory_space<vmem>>[vector<16xi32>], vector<16xf32>,
      %mul3A_84 = arith.constant 16 : i32
      %mul3A_85 = arith.muli %scan3A_8, %mul3A_84 : i32
      %swap3A_86 = arith.constant 7 : i32
      %swap3A_87 = arith.index_cast %swap3A_86 : i32 to index
      %swap3A_88 = arith.index_cast %mul3A_85 : i32 to index
      %swap3A_89 = tpu.vector_load %arg7[%swap3A_87, %swap3A_88] {strides = array<i32>} : memref<32x256xf32, #tpu.memory_space<vmem>>, vector<16xf32>,
      tpu.vector_store %arg7[%swap3A_87, %swap3A_88], %gather3A_83 {strides = array<i32>} : memref<32x256xf32, #tpu.memory_space<vmem>>, vector<16xf32>,
      %add3A_90 = arith.constant 4096 : i32
      %add3A_91 = vector.broadcast %add3A_90 : i32 to vector<16xi32>
      %add3A_92 = arith.addi %get3A_11, %add3A_91 : vector<16xi32>
      %gather3A_93 = tpu.vector_load_idx %arg5[%add3A_92] : memref<16384xf32, #tpu.memory_space<vmem>>[vector<16xi32>], vector<16xf32>,
      %mul3A_94 = arith.constant 16 : i32
      %mul3A_95 = arith.muli %scan3A_8, %mul3A_94 : i32
      %swap3A_96 = arith.constant 8 : i32
      %swap3A_97 = arith.index_cast %swap3A_96 : i32 to index
      %swap3A_98 = arith.index_cast %mul3A_95 : i32 to index
      %swap3A_99 = tpu.vector_load %arg7[%swap3A_97, %swap3A_98] {strides = array<i32>} : memref<32x256xf32, #tpu.memory_space<vmem>>, vector<16xf32>,
      tpu.vector_store %arg7[%swap3A_97, %swap3A_98], %gather3A_93 {strides = array<i32>} : memref<32x256xf32, #tpu.memory_space<vmem>>, vector<16xf32>,
      %add3A_100 = arith.constant 4608 : i32
      %add3A_101 = vector.broadcast %add3A_100 : i32 to vector<16xi32>
      %add3A_102 = arith.addi %get3A_11, %add3A_101 : vector<16xi32>
      %gather3A_103 = tpu.vector_load_idx %arg5[%add3A_102] : memref<16384xf32, #tpu.memory_space<vmem>>[vector<16xi32>], vector<16xf32>,
      %mul3A_104 = arith.constant 16 : i32
      %mul3A_105 = arith.muli %scan3A_8, %mul3A_104 : i32
      %swap3A_106 = arith.constant 9 : i32
      %swap3A_107 = arith.index_cast %swap3A_106 : i32 to index
      %swap3A_108 = arith.index_cast %mul3A_105 : i32 to index
      %swap3A_109 = tpu.vector_load %arg7[%swap3A_107, %swap3A_108] {strides = array<i32>} : memref<32x256xf32, #tpu.memory_space<vmem>>, vector<16xf32>,
      tpu.vector_store %arg7[%swap3A_107, %swap3A_108], %gather3A_103 {strides = array<i32>} : memref<32x256xf32, #tpu.memory_space<vmem>>, vector<16xf32>,
      %add3A_110 = arith.constant 5120 : i32
      %add3A_111 = vector.broadcast %add3A_110 : i32 to vector<16xi32>
      %add3A_112 = arith.addi %get3A_11, %add3A_111 : vector<16xi32>
      %gather3A_113 = tpu.vector_load_idx %arg5[%add3A_112] : memref<16384xf32, #tpu.memory_space<vmem>>[vector<16xi32>], vector<16xf32>,
      %mul3A_114 = arith.constant 16 : i32
      %mul3A_115 = arith.muli %scan3A_8, %mul3A_114 : i32
      %swap3A_116 = arith.constant 10 : i32
      %swap3A_117 = arith.index_cast %swap3A_116 : i32 to index
      %swap3A_118 = arith.index_cast %mul3A_115 : i32 to index
      %swap3A_119 = tpu.vector_load %arg7[%swap3A_117, %swap3A_118] {strides = array<i32>} : memref<32x256xf32, #tpu.memory_space<vmem>>, vector<16xf32>,
      tpu.vector_store %arg7[%swap3A_117, %swap3A_118], %gather3A_113 {strides = array<i32>} : memref<32x256xf32, #tpu.memory_space<vmem>>, vector<16xf32>,
      %add3A_120 = arith.constant 5632 : i32
      %add3A_121 = vector.broadcast %add3A_120 : i32 to vector<16xi32>
      %add3A_122 = arith.addi %get3A_11, %add3A_121 : vector<16xi32>
      %gather3A_123 = tpu.vector_load_idx %arg5[%add3A_122] : memref<16384xf32, #tpu.memory_space<vmem>>[vector<16xi32>], vector<16xf32>,
      %mul3A_124 = arith.constant 16 : i32
      %mul3A_125 = arith.muli %scan3A_8, %mul3A_124 : i32
      %swap3A_126 = arith.constant 11 : i32
      %swap3A_127 = arith.index_cast %swap3A_126 : i32 to index
      %swap3A_128 = arith.index_cast %mul3A_125 : i32 to index
      %swap3A_129 = tpu.vector_load %arg7[%swap3A_127, %swap3A_128] {strides = array<i32>} : memref<32x256xf32, #tpu.memory_space<vmem>>, vector<16xf32>,
      tpu.vector_store %arg7[%swap3A_127, %swap3A_128], %gather3A_123 {strides = array<i32>} : memref<32x256xf32, #tpu.memory_space<vmem>>, vector<16xf32>,
      %add3A_130 = arith.constant 6144 : i32
      %add3A_131 = vector.broadcast %add3A_130 : i32 to vector<16xi32>
      %add3A_132 = arith.addi %get3A_11, %add3A_131 : vector<16xi32>
      %gather3A_133 = tpu.vector_load_idx %arg5[%add3A_132] : memref<16384xf32, #tpu.memory_space<vmem>>[vector<16xi32>], vector<16xf32>,
      %mul3A_134 = arith.constant 16 : i32
      %mul3A_135 = arith.muli %scan3A_8, %mul3A_134 : i32
      %swap3A_136 = arith.constant 12 : i32
      %swap3A_137 = arith.index_cast %swap3A_136 : i32 to index
      %swap3A_138 = arith.index_cast %mul3A_135 : i32 to index
      %swap3A_139 = tpu.vector_load %arg7[%swap3A_137, %swap3A_138] {strides = array<i32>} : memref<32x256xf32, #tpu.memory_space<vmem>>, vector<16xf32>,
      tpu.vector_store %arg7[%swap3A_137, %swap3A_138], %gather3A_133 {strides = array<i32>} : memref<32x256xf32, #tpu.memory_space<vmem>>, vector<16xf32>,
      %add3A_140 = arith.constant 6656 : i32
      %add3A_141 = vector.broadcast %add3A_140 : i32 to vector<16xi32>
      %add3A_142 = arith.addi %get3A_11, %add3A_141 : vector<16xi32>
      %gather3A_143 = tpu.vector_load_idx %arg5[%add3A_142] : memref<16384xf32, #tpu.memory_space<vmem>>[vector<16xi32>], vector<16xf32>,
      %mul3A_144 = arith.constant 16 : i32
      %mul3A_145 = arith.muli %scan3A_8, %mul3A_144 : i32
      %swap3A_146 = arith.constant 13 : i32
      %swap3A_147 = arith.index_cast %swap3A_146 : i32 to index
      %swap3A_148 = arith.index_cast %mul3A_145 : i32 to index
      %swap3A_149 = tpu.vector_load %arg7[%swap3A_147, %swap3A_148] {strides = array<i32>} : memref<32x256xf32, #tpu.memory_space<vmem>>, vector<16xf32>,
      tpu.vector_store %arg7[%swap3A_147, %swap3A_148], %gather3A_143 {strides = array<i32>} : memref<32x256xf32, #tpu.memory_space<vmem>>, vector<16xf32>,
      %add3A_150 = arith.constant 7168 : i32
      %add3A_151 = vector.broadcast %add3A_150 : i32 to vector<16xi32>
      %add3A_152 = arith.addi %get3A_11, %add3A_151 : vector<16xi32>
      %gather3A_153 = tpu.vector_load_idx %arg5[%add3A_152] : memref<16384xf32, #tpu.memory_space<vmem>>[vector<16xi32>], vector<16xf32>,
      %mul3A_154 = arith.constant 16 : i32
      %mul3A_155 = arith.muli %scan3A_8, %mul3A_154 : i32
      %swap3A_156 = arith.constant 14 : i32
      %swap3A_157 = arith.index_cast %swap3A_156 : i32 to index
      %swap3A_158 = arith.index_cast %mul3A_155 : i32 to index
      %swap3A_159 = tpu.vector_load %arg7[%swap3A_157, %swap3A_158] {strides = array<i32>} : memref<32x256xf32, #tpu.memory_space<vmem>>, vector<16xf32>,
      tpu.vector_store %arg7[%swap3A_157, %swap3A_158], %gather3A_153 {strides = array<i32>} : memref<32x256xf32, #tpu.memory_space<vmem>>, vector<16xf32>,
      %add3A_160 = arith.constant 7680 : i32
      %add3A_161 = vector.broadcast %add3A_160 : i32 to vector<16xi32>
      %add3A_162 = arith.addi %get3A_11, %add3A_161 : vector<16xi32>
      %gather3A_163 = tpu.vector_load_idx %arg5[%add3A_162] : memref<16384xf32, #tpu.memory_space<vmem>>[vector<16xi32>], vector<16xf32>,
      %mul3A_164 = arith.constant 16 : i32
      %mul3A_165 = arith.muli %scan3A_8, %mul3A_164 : i32
      %swap3A_166 = arith.constant 15 : i32
      %swap3A_167 = arith.index_cast %swap3A_166 : i32 to index
      %swap3A_168 = arith.index_cast %mul3A_165 : i32 to index
      %swap3A_169 = tpu.vector_load %arg7[%swap3A_167, %swap3A_168] {strides = array<i32>} : memref<32x256xf32, #tpu.memory_space<vmem>>, vector<16xf32>,
      tpu.vector_store %arg7[%swap3A_167, %swap3A_168], %gather3A_163 {strides = array<i32>} : memref<32x256xf32, #tpu.memory_space<vmem>>, vector<16xf32>,
      %add3A_170 = arith.constant 8192 : i32
      %add3A_171 = vector.broadcast %add3A_170 : i32 to vector<16xi32>
      %add3A_172 = arith.addi %get3A_11, %add3A_171 : vector<16xi32>
      %gather3A_173 = tpu.vector_load_idx %arg5[%add3A_172] : memref<16384xf32, #tpu.memory_space<vmem>>[vector<16xi32>], vector<16xf32>,
      %mul3A_174 = arith.constant 16 : i32
      %mul3A_175 = arith.muli %scan3A_8, %mul3A_174 : i32
      %swap3A_176 = arith.constant 16 : i32
      %swap3A_177 = arith.index_cast %swap3A_176 : i32 to index
      %swap3A_178 = arith.index_cast %mul3A_175 : i32 to index
      %swap3A_179 = tpu.vector_load %arg7[%swap3A_177, %swap3A_178] {strides = array<i32>} : memref<32x256xf32, #tpu.memory_space<vmem>>, vector<16xf32>,
      tpu.vector_store %arg7[%swap3A_177, %swap3A_178], %gather3A_173 {strides = array<i32>} : memref<32x256xf32, #tpu.memory_space<vmem>>, vector<16xf32>,
      %add3A_180 = arith.constant 8704 : i32
      %add3A_181 = vector.broadcast %add3A_180 : i32 to vector<16xi32>
      %add3A_182 = arith.addi %get3A_11, %add3A_181 : vector<16xi32>
      %gather3A_183 = tpu.vector_load_idx %arg5[%add3A_182] : memref<16384xf32, #tpu.memory_space<vmem>>[vector<16xi32>], vector<16xf32>,
      %mul3A_184 = arith.constant 16 : i32
      %mul3A_185 = arith.muli %scan3A_8, %mul3A_184 : i32
      %swap3A_186 = arith.constant 17 : i32
      %swap3A_187 = arith.index_cast %swap3A_186 : i32 to index
      %swap3A_188 = arith.index_cast %mul3A_185 : i32 to index
      %swap3A_189 = tpu.vector_load %arg7[%swap3A_187, %swap3A_188] {strides = array<i32>} : memref<32x256xf32, #tpu.memory_space<vmem>>, vector<16xf32>,
      tpu.vector_store %arg7[%swap3A_187, %swap3A_188], %gather3A_183 {strides = array<i32>} : memref<32x256xf32, #tpu.memory_space<vmem>>, vector<16xf32>,
      %add3A_190 = arith.constant 9216 : i32
      %add3A_191 = vector.broadcast %add3A_190 : i32 to vector<16xi32>
      %add3A_192 = arith.addi %get3A_11, %add3A_191 : vector<16xi32>
      %gather3A_193 = tpu.vector_load_idx %arg5[%add3A_192] : memref<16384xf32, #tpu.memory_space<vmem>>[vector<16xi32>], vector<16xf32>,
      %mul3A_194 = arith.constant 16 : i32
      %mul3A_195 = arith.muli %scan3A_8, %mul3A_194 : i32
      %swap3A_196 = arith.constant 18 : i32
      %swap3A_197 = arith.index_cast %swap3A_196 : i32 to index
      %swap3A_198 = arith.index_cast %mul3A_195 : i32 to index
      %swap3A_199 = tpu.vector_load %arg7[%swap3A_197, %swap3A_198] {strides = array<i32>} : memref<32x256xf32, #tpu.memory_space<vmem>>, vector<16xf32>,
      tpu.vector_store %arg7[%swap3A_197, %swap3A_198], %gather3A_193 {strides = array<i32>} : memref<32x256xf32, #tpu.memory_space<vmem>>, vector<16xf32>,
      %add3A_200 = arith.constant 9728 : i32
      %add3A_201 = vector.broadcast %add3A_200 : i32 to vector<16xi32>
      %add3A_202 = arith.addi %get3A_11, %add3A_201 : vector<16xi32>
      %gather3A_203 = tpu.vector_load_idx %arg5[%add3A_202] : memref<16384xf32, #tpu.memory_space<vmem>>[vector<16xi32>], vector<16xf32>,
      %mul3A_204 = arith.constant 16 : i32
      %mul3A_205 = arith.muli %scan3A_8, %mul3A_204 : i32
      %swap3A_206 = arith.constant 19 : i32
      %swap3A_207 = arith.index_cast %swap3A_206 : i32 to index
      %swap3A_208 = arith.index_cast %mul3A_205 : i32 to index
      %swap3A_209 = tpu.vector_load %arg7[%swap3A_207, %swap3A_208] {strides = array<i32>} : memref<32x256xf32, #tpu.memory_space<vmem>>, vector<16xf32>,
      tpu.vector_store %arg7[%swap3A_207, %swap3A_208], %gather3A_203 {strides = array<i32>} : memref<32x256xf32, #tpu.memory_space<vmem>>, vector<16xf32>,
      %add3A_210 = arith.constant 10240 : i32
      %add3A_211 = vector.broadcast %add3A_210 : i32 to vector<16xi32>
      %add3A_212 = arith.addi %get3A_11, %add3A_211 : vector<16xi32>
      %gather3A_213 = tpu.vector_load_idx %arg5[%add3A_212] : memref<16384xf32, #tpu.memory_space<vmem>>[vector<16xi32>], vector<16xf32>,
      %mul3A_214 = arith.constant 16 : i32
      %mul3A_215 = arith.muli %scan3A_8, %mul3A_214 : i32
      %swap3A_216 = arith.constant 20 : i32
      %swap3A_217 = arith.index_cast %swap3A_216 : i32 to index
      %swap3A_218 = arith.index_cast %mul3A_215 : i32 to index
      %swap3A_219 = tpu.vector_load %arg7[%swap3A_217, %swap3A_218] {strides = array<i32>} : memref<32x256xf32, #tpu.memory_space<vmem>>, vector<16xf32>,
      tpu.vector_store %arg7[%swap3A_217, %swap3A_218], %gather3A_213 {strides = array<i32>} : memref<32x256xf32, #tpu.memory_space<vmem>>, vector<16xf32>,
      %add3A_220 = arith.constant 10752 : i32
      %add3A_221 = vector.broadcast %add3A_220 : i32 to vector<16xi32>
      %add3A_222 = arith.addi %get3A_11, %add3A_221 : vector<16xi32>
      %gather3A_223 = tpu.vector_load_idx %arg5[%add3A_222] : memref<16384xf32, #tpu.memory_space<vmem>>[vector<16xi32>], vector<16xf32>,
      %mul3A_224 = arith.constant 16 : i32
      %mul3A_225 = arith.muli %scan3A_8, %mul3A_224 : i32
      %swap3A_226 = arith.constant 21 : i32
      %swap3A_227 = arith.index_cast %swap3A_226 : i32 to index
      %swap3A_228 = arith.index_cast %mul3A_225 : i32 to index
      %swap3A_229 = tpu.vector_load %arg7[%swap3A_227, %swap3A_228] {strides = array<i32>} : memref<32x256xf32, #tpu.memory_space<vmem>>, vector<16xf32>,
      tpu.vector_store %arg7[%swap3A_227, %swap3A_228], %gather3A_223 {strides = array<i32>} : memref<32x256xf32, #tpu.memory_space<vmem>>, vector<16xf32>,
      %add3A_230 = arith.constant 11264 : i32
      %add3A_231 = vector.broadcast %add3A_230 : i32 to vector<16xi32>
      %add3A_232 = arith.addi %get3A_11, %add3A_231 : vector<16xi32>
      %gather3A_233 = tpu.vector_load_idx %arg5[%add3A_232] : memref<16384xf32, #tpu.memory_space<vmem>>[vector<16xi32>], vector<16xf32>,
      %mul3A_234 = arith.constant 16 : i32
      %mul3A_235 = arith.muli %scan3A_8, %mul3A_234 : i32
      %swap3A_236 = arith.constant 22 : i32
      %swap3A_237 = arith.index_cast %swap3A_236 : i32 to index
      %swap3A_238 = arith.index_cast %mul3A_235 : i32 to index
      %swap3A_239 = tpu.vector_load %arg7[%swap3A_237, %swap3A_238] {strides = array<i32>} : memref<32x256xf32, #tpu.memory_space<vmem>>, vector<16xf32>,
      tpu.vector_store %arg7[%swap3A_237, %swap3A_238], %gather3A_233 {strides = array<i32>} : memref<32x256xf32, #tpu.memory_space<vmem>>, vector<16xf32>,
      %add3A_240 = arith.constant 11776 : i32
      %add3A_241 = vector.broadcast %add3A_240 : i32 to vector<16xi32>
      %add3A_242 = arith.addi %get3A_11, %add3A_241 : vector<16xi32>
      %gather3A_243 = tpu.vector_load_idx %arg5[%add3A_242] : memref<16384xf32, #tpu.memory_space<vmem>>[vector<16xi32>], vector<16xf32>,
      %mul3A_244 = arith.constant 16 : i32
      %mul3A_245 = arith.muli %scan3A_8, %mul3A_244 : i32
      %swap3A_246 = arith.constant 23 : i32
      %swap3A_247 = arith.index_cast %swap3A_246 : i32 to index
      %swap3A_248 = arith.index_cast %mul3A_245 : i32 to index
      %swap3A_249 = tpu.vector_load %arg7[%swap3A_247, %swap3A_248] {strides = array<i32>} : memref<32x256xf32, #tpu.memory_space<vmem>>, vector<16xf32>,
      tpu.vector_store %arg7[%swap3A_247, %swap3A_248], %gather3A_243 {strides = array<i32>} : memref<32x256xf32, #tpu.memory_space<vmem>>, vector<16xf32>,
      %add3A_250 = arith.constant 12288 : i32
      %add3A_251 = vector.broadcast %add3A_250 : i32 to vector<16xi32>
      %add3A_252 = arith.addi %get3A_11, %add3A_251 : vector<16xi32>
      %gather3A_253 = tpu.vector_load_idx %arg5[%add3A_252] : memref<16384xf32, #tpu.memory_space<vmem>>[vector<16xi32>], vector<16xf32>,
      %mul3A_254 = arith.constant 16 : i32
      %mul3A_255 = arith.muli %scan3A_8, %mul3A_254 : i32
      %swap3A_256 = arith.constant 24 : i32
      %swap3A_257 = arith.index_cast %swap3A_256 : i32 to index
      %swap3A_258 = arith.index_cast %mul3A_255 : i32 to index
      %swap3A_259 = tpu.vector_load %arg7[%swap3A_257, %swap3A_258] {strides = array<i32>} : memref<32x256xf32, #tpu.memory_space<vmem>>, vector<16xf32>,
      tpu.vector_store %arg7[%swap3A_257, %swap3A_258], %gather3A_253 {strides = array<i32>} : memref<32x256xf32, #tpu.memory_space<vmem>>, vector<16xf32>,
      %add3A_260 = arith.constant 12800 : i32
      %add3A_261 = vector.broadcast %add3A_260 : i32 to vector<16xi32>
      %add3A_262 = arith.addi %get3A_11, %add3A_261 : vector<16xi32>
      %gather3A_263 = tpu.vector_load_idx %arg5[%add3A_262] : memref<16384xf32, #tpu.memory_space<vmem>>[vector<16xi32>], vector<16xf32>,
      %mul3A_264 = arith.constant 16 : i32
      %mul3A_265 = arith.muli %scan3A_8, %mul3A_264 : i32
      %swap3A_266 = arith.constant 25 : i32
      %swap3A_267 = arith.index_cast %swap3A_266 : i32 to index
      %swap3A_268 = arith.index_cast %mul3A_265 : i32 to index
      %swap3A_269 = tpu.vector_load %arg7[%swap3A_267, %swap3A_268] {strides = array<i32>} : memref<32x256xf32, #tpu.memory_space<vmem>>, vector<16xf32>,
      tpu.vector_store %arg7[%swap3A_267, %swap3A_268], %gather3A_263 {strides = array<i32>} : memref<32x256xf32, #tpu.memory_space<vmem>>, vector<16xf32>,
      %add3A_270 = arith.constant 13312 : i32
      %add3A_271 = vector.broadcast %add3A_270 : i32 to vector<16xi32>
      %add3A_272 = arith.addi %get3A_11, %add3A_271 : vector<16xi32>
      %gather3A_273 = tpu.vector_load_idx %arg5[%add3A_272] : memref<16384xf32, #tpu.memory_space<vmem>>[vector<16xi32>], vector<16xf32>,
      %mul3A_274 = arith.constant 16 : i32
      %mul3A_275 = arith.muli %scan3A_8, %mul3A_274 : i32
      %swap3A_276 = arith.constant 26 : i32
      %swap3A_277 = arith.index_cast %swap3A_276 : i32 to index
      %swap3A_278 = arith.index_cast %mul3A_275 : i32 to index
      %swap3A_279 = tpu.vector_load %arg7[%swap3A_277, %swap3A_278] {strides = array<i32>} : memref<32x256xf32, #tpu.memory_space<vmem>>, vector<16xf32>,
      tpu.vector_store %arg7[%swap3A_277, %swap3A_278], %gather3A_273 {strides = array<i32>} : memref<32x256xf32, #tpu.memory_space<vmem>>, vector<16xf32>,
      %add3A_280 = arith.constant 13824 : i32
      %add3A_281 = vector.broadcast %add3A_280 : i32 to vector<16xi32>
      %add3A_282 = arith.addi %get3A_11, %add3A_281 : vector<16xi32>
      %gather3A_283 = tpu.vector_load_idx %arg5[%add3A_282] : memref<16384xf32, #tpu.memory_space<vmem>>[vector<16xi32>], vector<16xf32>,
      %mul3A_284 = arith.constant 16 : i32
      %mul3A_285 = arith.muli %scan3A_8, %mul3A_284 : i32
      %swap3A_286 = arith.constant 27 : i32
      %swap3A_287 = arith.index_cast %swap3A_286 : i32 to index
      %swap3A_288 = arith.index_cast %mul3A_285 : i32 to index
      %swap3A_289 = tpu.vector_load %arg7[%swap3A_287, %swap3A_288] {strides = array<i32>} : memref<32x256xf32, #tpu.memory_space<vmem>>, vector<16xf32>,
      tpu.vector_store %arg7[%swap3A_287, %swap3A_288], %gather3A_283 {strides = array<i32>} : memref<32x256xf32, #tpu.memory_space<vmem>>, vector<16xf32>,
      %add3A_290 = arith.constant 14336 : i32
      %add3A_291 = vector.broadcast %add3A_290 : i32 to vector<16xi32>
      %add3A_292 = arith.addi %get3A_11, %add3A_291 : vector<16xi32>
      %gather3A_293 = tpu.vector_load_idx %arg5[%add3A_292] : memref<16384xf32, #tpu.memory_space<vmem>>[vector<16xi32>], vector<16xf32>,
      %mul3A_294 = arith.constant 16 : i32
      %mul3A_295 = arith.muli %scan3A_8, %mul3A_294 : i32
      %swap3A_296 = arith.constant 28 : i32
      %swap3A_297 = arith.index_cast %swap3A_296 : i32 to index
      %swap3A_298 = arith.index_cast %mul3A_295 : i32 to index
      %swap3A_299 = tpu.vector_load %arg7[%swap3A_297, %swap3A_298] {strides = array<i32>} : memref<32x256xf32, #tpu.memory_space<vmem>>, vector<16xf32>,
      tpu.vector_store %arg7[%swap3A_297, %swap3A_298], %gather3A_293 {strides = array<i32>} : memref<32x256xf32, #tpu.memory_space<vmem>>, vector<16xf32>,
      %add3A_300 = arith.constant 14848 : i32
      %add3A_301 = vector.broadcast %add3A_300 : i32 to vector<16xi32>
      %add3A_302 = arith.addi %get3A_11, %add3A_301 : vector<16xi32>
      %gather3A_303 = tpu.vector_load_idx %arg5[%add3A_302] : memref<16384xf32, #tpu.memory_space<vmem>>[vector<16xi32>], vector<16xf32>,
      %mul3A_304 = arith.constant 16 : i32
      %mul3A_305 = arith.muli %scan3A_8, %mul3A_304 : i32
      %swap3A_306 = arith.constant 29 : i32
      %swap3A_307 = arith.index_cast %swap3A_306 : i32 to index
      %swap3A_308 = arith.index_cast %mul3A_305 : i32 to index
      %swap3A_309 = tpu.vector_load %arg7[%swap3A_307, %swap3A_308] {strides = array<i32>} : memref<32x256xf32, #tpu.memory_space<vmem>>, vector<16xf32>,
      tpu.vector_store %arg7[%swap3A_307, %swap3A_308], %gather3A_303 {strides = array<i32>} : memref<32x256xf32, #tpu.memory_space<vmem>>, vector<16xf32>,
      %add3A_310 = arith.constant 15360 : i32
      %add3A_311 = vector.broadcast %add3A_310 : i32 to vector<16xi32>
      %add3A_312 = arith.addi %get3A_11, %add3A_311 : vector<16xi32>
      %gather3A_313 = tpu.vector_load_idx %arg5[%add3A_312] : memref<16384xf32, #tpu.memory_space<vmem>>[vector<16xi32>], vector<16xf32>,
      %mul3A_314 = arith.constant 16 : i32
      %mul3A_315 = arith.muli %scan3A_8, %mul3A_314 : i32
      %swap3A_316 = arith.constant 30 : i32
      %swap3A_317 = arith.index_cast %swap3A_316 : i32 to index
      %swap3A_318 = arith.index_cast %mul3A_315 : i32 to index
      %swap3A_319 = tpu.vector_load %arg7[%swap3A_317, %swap3A_318] {strides = array<i32>} : memref<32x256xf32, #tpu.memory_space<vmem>>, vector<16xf32>,
      tpu.vector_store %arg7[%swap3A_317, %swap3A_318], %gather3A_313 {strides = array<i32>} : memref<32x256xf32, #tpu.memory_space<vmem>>, vector<16xf32>,
      %add3A_320 = arith.constant 15872 : i32
      %add3A_321 = vector.broadcast %add3A_320 : i32 to vector<16xi32>
      %add3A_322 = arith.addi %get3A_11, %add3A_321 : vector<16xi32>
      %gather3A_323 = tpu.vector_load_idx %arg5[%add3A_322] : memref<16384xf32, #tpu.memory_space<vmem>>[vector<16xi32>], vector<16xf32>,
      %mul3A_324 = arith.constant 16 : i32
      %mul3A_325 = arith.muli %scan3A_8, %mul3A_324 : i32
      %swap3A_326 = arith.constant 31 : i32
      %swap3A_327 = arith.index_cast %swap3A_326 : i32 to index
      %swap3A_328 = arith.index_cast %mul3A_325 : i32 to index
      %swap3A_329 = tpu.vector_load %arg7[%swap3A_327, %swap3A_328] {strides = array<i32>} : memref<32x256xf32, #tpu.memory_space<vmem>>, vector<16xf32>,
      tpu.vector_store %arg7[%swap3A_327, %swap3A_328], %gather3A_323 {strides = array<i32>} : memref<32x256xf32, #tpu.memory_space<vmem>>, vector<16xf32>,
    }
    %scan3A_7 = arith.constant 16 : i32
    "tpu.region"() ({
      %run_scoped3A = tpu.sem_alloc : memref<!tpu.dma_semaphore, #tpu.memory_space<semaphore_mem>>
      %dma_start3A = arith.constant 0 : i32
      %dma_start3A_8 = tpu.memref_slice %arg4[%dma_start3A, %mul3A_2] : memref<32x8192xf32, #tpu.memory_space<hbm>> -> memref<32x256xf32, #tpu.memory_space<hbm>>
      %dma_start3A_9 = arith.constant 0 : i32
      %dma_start3A_10 = tpu.memref_slice %arg4[%dma_start3A_9, %mul3A_2] : memref<32x8192xf32, #tpu.memory_space<hbm>> -> memref<32x256xf32, #tpu.memory_space<hbm>>
      tpu.enqueue_dma source(%arg7 : memref<32x256xf32, #tpu.memory_space<vmem>>) target(%dma_start3A_10 : memref<32x256xf32, #tpu.memory_space<hbm>>) target_semaphore(%run_scoped3A : memref<!tpu.dma_semaphore, #tpu.memory_space<semaphore_mem>>)
      %dma_wait3A = arith.constant 0 : i32
      %dma_wait3A_11 = tpu.memref_slice %arg4[%dma_wait3A, %mul3A_2] : memref<32x8192xf32, #tpu.memory_space<hbm>> -> memref<32x256xf32, #tpu.memory_space<hbm>>
      %dma_wait3A_12 = arith.constant 0 : i32
      %dma_wait3A_13 = tpu.memref_slice %arg4[%dma_wait3A_12, %mul3A_2] : memref<32x8192xf32, #tpu.memory_space<hbm>> -> memref<32x256xf32, #tpu.memory_space<hbm>>
      tpu.wait_dma2 semaphore(%run_scoped3A : memref<!tpu.dma_semaphore, #tpu.memory_space<semaphore_mem>>) src(%arg7 : memref<32x256xf32, #tpu.memory_space<vmem>>) dst(%dma_wait3A_13 : memref<32x256xf32, #tpu.memory_space<hbm>>)
      tpu.yield
    }) : () -> ()
    return
  }
}

module attributes {stable_mosaic.version = 14 : i64} {
  func.func @_body(%arg0: memref<8x64xf32, #tpu.memory_space<vmem>>, %arg1: memref<8x8xf32, #tpu.memory_space<vmem>>, %arg2: memref<4x2xf32, #tpu.memory_space<vmem>>, %arg3: memref<32x512xf32, #tpu.memory_space<vmem>>, %arg4: memref<32x8192xf32, #tpu.memory_space<vmem>>, %arg5: memref<4x1xf32, #tpu.memory_space<vmem>>, %arg6: memref<32x8192xf32, #tpu.memory_space<vmem>>, %arg7: memref<32x8192xf32, #tpu.memory_space<vmem>>, %arg8: memref<32x8192xf32, #tpu.memory_space<vmem>>, %arg9: memref<32x8192xf32, #tpu.memory_space<vmem>>, %arg10: memref<32x8192xf32, #tpu.memory_space<vmem>>) attributes {dimension_semantics = [], scalar_prefetch = 0 : i64, scratch_operands = 5 : i64, tpu.core_type = #tpu.core_type<tc>} {
    %get3A = arith.constant 0 : index
    %get3A_0 = arith.constant 0 : index
    %get3A_1 = vector.load %arg3[%get3A, %get3A_0] : memref<32x512xf32, #tpu.memory_space<vmem>>, vector<32x512xf32>
    %reduce_max3A = arith.constant dense<0xFF800000> : vector<32xf32>
    %reduce_max3A_2 = vector.multi_reduction <maximumf>, %get3A_1, %reduce_max3A [1] : vector<32x512xf32> to vector<32xf32>
    %broadcast_in_dim3A = vector.shape_cast %reduce_max3A_2 : vector<32xf32> to vector<32x1xf32>
    %sub3A = vector.broadcast %broadcast_in_dim3A : vector<32x1xf32> to vector<32x512xf32>
    %sub3A_3 = arith.subf %get3A_1, %sub3A : vector<32x512xf32>
    %exp3A = math.exp %sub3A_3 : vector<32x512xf32>
    %reduce_sum3A = arith.constant dense<0.000000e+00> : vector<32xf32>
    %reduce_sum3A_4 = vector.multi_reduction <add>, %exp3A, %reduce_sum3A [1] : vector<32x512xf32> to vector<32xf32>
    %broadcast_in_dim3A_5 = vector.shape_cast %reduce_sum3A_4 : vector<32xf32> to vector<32x1xf32>
    %log3A = math.log %broadcast_in_dim3A_5 : vector<32x1xf32>
    %add3A = arith.addf %broadcast_in_dim3A, %log3A : vector<32x1xf32>
    %get3A_6 = arith.constant 0 : index
    %get3A_7 = arith.constant 0 : index
    %get3A_8 = vector.load %arg4[%get3A_6, %get3A_7] : memref<32x8192xf32, #tpu.memory_space<vmem>>, vector<32x8192xf32>
    %sub3A_9 = vector.broadcast %broadcast_in_dim3A : vector<32x1xf32> to vector<32x8192xf32>
    %sub3A_10 = arith.subf %get3A_8, %sub3A_9 : vector<32x8192xf32>
    %exp3A_11 = math.exp %sub3A_10 : vector<32x8192xf32>
    %div3A = vector.broadcast %broadcast_in_dim3A_5 : vector<32x1xf32> to vector<32x8192xf32>
    %div3A_12 = arith.divf %exp3A_11, %div3A : vector<32x8192xf32>
    %swap3A = arith.constant 0 : index
    %swap3A_13 = arith.constant 0 : index
    %swap3A_14 = vector.load %arg10[%swap3A, %swap3A_13] : memref<32x8192xf32, #tpu.memory_space<vmem>>, vector<32x8192xf32>
    tpu.vector_store %arg10[%swap3A, %swap3A_13], %div3A_12 {strides = array<i32>} : memref<32x8192xf32, #tpu.memory_space<vmem>>, vector<32x8192xf32>,
    %get3A_15 = arith.constant 0 : index
    %get3A_16 = arith.constant 0 : index
    %get3A_17 = vector.load %arg0[%get3A_15, %get3A_16] : memref<8x64xf32, #tpu.memory_space<vmem>>, vector<8x64xf32>
    %reduce_max3A_18 = arith.constant dense<0xFF800000> : vector<64xf32>
    %reduce_max3A_19 = vector.multi_reduction <maximumf>, %get3A_17, %reduce_max3A_18 [0] : vector<8x64xf32> to vector<64xf32>
    %broadcast_in_dim3A_20 = vector.shape_cast %reduce_max3A_19 : vector<64xf32> to vector<1x64xf32>
    %sub3A_21 = vector.broadcast %broadcast_in_dim3A_20 : vector<1x64xf32> to vector<8x64xf32>
    %sub3A_22 = arith.subf %get3A_17, %sub3A_21 : vector<8x64xf32>
    %exp3A_23 = math.exp %sub3A_22 : vector<8x64xf32>
    %reduce_sum3A_24 = arith.constant dense<0.000000e+00> : vector<64xf32>
    %reduce_sum3A_25 = vector.multi_reduction <add>, %exp3A_23, %reduce_sum3A_24 [0] : vector<8x64xf32> to vector<64xf32>
    %broadcast_in_dim3A_26 = vector.shape_cast %reduce_sum3A_25 : vector<64xf32> to vector<1x64xf32>
    %div3A_27 = vector.broadcast %broadcast_in_dim3A_26 : vector<1x64xf32> to vector<8x64xf32>
    %div3A_28 = arith.divf %exp3A_23, %div3A_27 : vector<8x64xf32>
    %sub3A_29 = vector.broadcast %broadcast_in_dim3A_20 : vector<1x64xf32> to vector<8x64xf32>
    %sub3A_30 = arith.subf %get3A_17, %sub3A_29 : vector<8x64xf32>
    %log3A_31 = math.log %broadcast_in_dim3A_26 : vector<1x64xf32>
    %sub3A_32 = vector.broadcast %log3A_31 : vector<1x64xf32> to vector<8x64xf32>
    %sub3A_33 = arith.subf %sub3A_30, %sub3A_32 : vector<8x64xf32>
    %get3A_34 = arith.constant 0 : index
    %get3A_35 = arith.constant 0 : index
    %get3A_36 = vector.load %arg1[%get3A_34, %get3A_35] : memref<8x8xf32, #tpu.memory_space<vmem>>, vector<8x8xf32>
    %reduce_max3A_37 = arith.constant dense<0xFF800000> : vector<8xf32>
    %reduce_max3A_38 = vector.multi_reduction <maximumf>, %get3A_36, %reduce_max3A_37 [0] : vector<8x8xf32> to vector<8xf32>
    %broadcast_in_dim3A_39 = vector.shape_cast %reduce_max3A_38 : vector<8xf32> to vector<1x8xf32>
    %sub3A_40 = vector.broadcast %broadcast_in_dim3A_39 : vector<1x8xf32> to vector<8x8xf32>
    %sub3A_41 = arith.subf %get3A_36, %sub3A_40 : vector<8x8xf32>
    %exp3A_42 = math.exp %sub3A_41 : vector<8x8xf32>
    %reduce_sum3A_43 = arith.constant dense<0.000000e+00> : vector<8xf32>
    %reduce_sum3A_44 = vector.multi_reduction <add>, %exp3A_42, %reduce_sum3A_43 [0] : vector<8x8xf32> to vector<8xf32>
    %broadcast_in_dim3A_45 = vector.shape_cast %reduce_sum3A_44 : vector<8xf32> to vector<1x8xf32>
    %div3A_46 = vector.broadcast %broadcast_in_dim3A_45 : vector<1x8xf32> to vector<8x8xf32>
    %div3A_47 = arith.divf %exp3A_42, %div3A_46 : vector<8x8xf32>
    %sub3A_48 = vector.broadcast %broadcast_in_dim3A_39 : vector<1x8xf32> to vector<8x8xf32>
    %sub3A_49 = arith.subf %get3A_36, %sub3A_48 : vector<8x8xf32>
    %log3A_50 = math.log %broadcast_in_dim3A_45 : vector<1x8xf32>
    %sub3A_51 = vector.broadcast %log3A_50 : vector<1x8xf32> to vector<8x8xf32>
    %sub3A_52 = arith.subf %sub3A_49, %sub3A_51 : vector<8x8xf32>
    %get3A_53 = arith.constant 0 : index
    %get3A_54 = arith.constant 0 : index
    %get3A_55 = vector.load %arg2[%get3A_53, %get3A_54] : memref<4x2xf32, #tpu.memory_space<vmem>>, vector<4x2xf32>
    %reduce_max3A_56 = arith.constant dense<0xFF800000> : vector<4xf32>
    %reduce_max3A_57 = vector.multi_reduction <maximumf>, %get3A_55, %reduce_max3A_56 [1] : vector<4x2xf32> to vector<4xf32>
    %broadcast_in_dim3A_58 = vector.shape_cast %reduce_max3A_57 : vector<4xf32> to vector<4x1xf32>
    %sub3A_59 = vector.broadcast %broadcast_in_dim3A_58 : vector<4x1xf32> to vector<4x2xf32>
    %sub3A_60 = arith.subf %get3A_55, %sub3A_59 : vector<4x2xf32>
    %exp3A_61 = math.exp %sub3A_60 : vector<4x2xf32>
    %reduce_sum3A_62 = arith.constant dense<0.000000e+00> : vector<4xf32>
    %reduce_sum3A_63 = vector.multi_reduction <add>, %exp3A_61, %reduce_sum3A_62 [1] : vector<4x2xf32> to vector<4xf32>
    %broadcast_in_dim3A_64 = vector.shape_cast %reduce_sum3A_63 : vector<4xf32> to vector<4x1xf32>
    %div3A_65 = vector.broadcast %broadcast_in_dim3A_64 : vector<4x1xf32> to vector<4x2xf32>
    %div3A_66 = arith.divf %exp3A_61, %div3A_65 : vector<4x2xf32>
    %sub3A_67 = vector.broadcast %broadcast_in_dim3A_58 : vector<4x1xf32> to vector<4x2xf32>
    %sub3A_68 = arith.subf %get3A_55, %sub3A_67 : vector<4x2xf32>
    %log3A_69 = math.log %broadcast_in_dim3A_64 : vector<4x1xf32>
    %sub3A_70 = vector.broadcast %log3A_69 : vector<4x1xf32> to vector<4x2xf32>
    %sub3A_71 = arith.subf %sub3A_68, %sub3A_70 : vector<4x2xf32>
    %iota3A = tpu.iota {dimensions = array<i32: 0>} : vector<512x256xi32>
    %iota3A_72 = tpu.iota {dimensions = array<i32: 1>} : vector<512x256xi32>
    %mul3A = arith.constant 2 : i32
    %mul3A_73 = vector.broadcast %mul3A : i32 to vector<512x256xi32>
    %mul3A_74 = arith.muli %mul3A_73, %iota3A_72 : vector<512x256xi32>
    %eq3A = arith.cmpi eq, %iota3A, %mul3A_74 : vector<512x256xi32>
    %convert_element_type3A = arith.extui %eq3A : vector<512x256xi1> to vector<512x256xi32>
    %convert_element_type3A_75 = arith.sitofp %convert_element_type3A : vector<512x256xi32> to vector<512x256xf32>
    %iota3A_76 = tpu.iota {dimensions = array<i32: 0>} : vector<512x256xi32>
    %iota3A_77 = tpu.iota {dimensions = array<i32: 1>} : vector<512x256xi32>
    %mul3A_78 = arith.constant 2 : i32
    %mul3A_79 = vector.broadcast %mul3A_78 : i32 to vector<512x256xi32>
    %mul3A_80 = arith.muli %mul3A_79, %iota3A_77 : vector<512x256xi32>
    %add3A_81 = arith.constant 1 : i32
    %add3A_82 = vector.broadcast %add3A_81 : i32 to vector<512x256xi32>
    %add3A_83 = arith.addi %mul3A_80, %add3A_82 : vector<512x256xi32>
    %eq3A_84 = arith.cmpi eq, %iota3A_76, %add3A_83 : vector<512x256xi32>
    %convert_element_type3A_85 = arith.extui %eq3A_84 : vector<512x256xi1> to vector<512x256xi32>
    %convert_element_type3A_86 = arith.sitofp %convert_element_type3A_85 : vector<512x256xi32> to vector<512x256xf32>
    %iota3A_87 = tpu.iota {dimensions = array<i32: 0>} : vector<256x512xi32>
    %mul3A_88 = arith.constant 2 : i32
    %mul3A_89 = vector.broadcast %mul3A_88 : i32 to vector<256x512xi32>
    %mul3A_90 = arith.muli %mul3A_89, %iota3A_87 : vector<256x512xi32>
    %iota3A_91 = tpu.iota {dimensions = array<i32: 1>} : vector<256x512xi32>
    %eq3A_92 = arith.cmpi eq, %mul3A_90, %iota3A_91 : vector<256x512xi32>
    %convert_element_type3A_93 = arith.extui %eq3A_92 : vector<256x512xi1> to vector<256x512xi32>
    %convert_element_type3A_94 = arith.sitofp %convert_element_type3A_93 : vector<256x512xi32> to vector<256x512xf32>
    %iota3A_95 = tpu.iota {dimensions = array<i32: 0>} : vector<256x512xi32>
    %mul3A_96 = arith.constant 2 : i32
    %mul3A_97 = vector.broadcast %mul3A_96 : i32 to vector<256x512xi32>
    %mul3A_98 = arith.muli %mul3A_97, %iota3A_95 : vector<256x512xi32>
    %add3A_99 = arith.constant 1 : i32
    %add3A_100 = vector.broadcast %add3A_99 : i32 to vector<256x512xi32>
    %add3A_101 = arith.addi %mul3A_98, %add3A_100 : vector<256x512xi32>
    %iota3A_102 = tpu.iota {dimensions = array<i32: 1>} : vector<256x512xi32>
    %eq3A_103 = arith.cmpi eq, %add3A_101, %iota3A_102 : vector<256x512xi32>
    %convert_element_type3A_104 = arith.extui %eq3A_103 : vector<256x512xi1> to vector<256x512xi32>
    %convert_element_type3A_105 = arith.sitofp %convert_element_type3A_104 : vector<256x512xi32> to vector<256x512xf32>
    %iota3A_106 = tpu.iota {dimensions = array<i32: 0>} : vector<32x32xi32>
    %jit3A = arith.constant 8 : i32
    %div3A_107 = vector.broadcast %jit3A : i32 to vector<32x32xi32>
    %div3A_108 = arith.divsi %iota3A_106, %div3A_107 : vector<32x32xi32>
    %sign3A = arith.constant 0 : i32
    %sign3A_109 = vector.broadcast %sign3A : i32 to vector<32x32xi32>
    %sign3A_110 = arith.cmpi sgt, %iota3A_106, %sign3A_109 : vector<32x32xi32>
    %sign3A_111 = arith.extui %sign3A_110 : vector<32x32xi1> to vector<32x32xi32>
    %sign3A_112 = arith.constant 0 : i32
    %sign3A_113 = vector.broadcast %sign3A_112 : i32 to vector<32x32xi32>
    %sign3A_114 = arith.cmpi slt, %iota3A_106, %sign3A_113 : vector<32x32xi32>
    %sign3A_115 = arith.extui %sign3A_114 : vector<32x32xi1> to vector<32x32xi32>
    %sign3A_116 = arith.subi %sign3A_111, %sign3A_115 : vector<32x32xi32>
    %sign3A_117 = arith.constant 0 : i32
    %sign3A_118 = arith.cmpi sgt, %jit3A, %sign3A_117 : i32
    %sign3A_119 = arith.extui %sign3A_118 : i1 to i32
    %sign3A_120 = arith.constant 0 : i32
    %sign3A_121 = arith.cmpi slt, %jit3A, %sign3A_120 : i32
    %sign3A_122 = arith.extui %sign3A_121 : i1 to i32
    %sign3A_123 = arith.subi %sign3A_119, %sign3A_122 : i32
    %ne3A = vector.broadcast %sign3A_123 : i32 to vector<32x32xi32>
    %ne3A_124 = arith.cmpi ne, %sign3A_116, %ne3A : vector<32x32xi32>
    %rem3A = vector.broadcast %jit3A : i32 to vector<32x32xi32>
    %rem3A_125 = arith.remsi %iota3A_106, %rem3A : vector<32x32xi32>
    %ne3A_126 = arith.constant 0 : i32
    %ne3A_127 = vector.broadcast %ne3A_126 : i32 to vector<32x32xi32>
    %ne3A_128 = arith.cmpi ne, %rem3A_125, %ne3A_127 : vector<32x32xi32>
    %and3A = arith.andi %ne3A_124, %ne3A_128 : vector<32x32xi1>
    %sub3A_129 = arith.constant 1 : i32
    %sub3A_130 = vector.broadcast %sub3A_129 : i32 to vector<32x32xi32>
    %sub3A_131 = arith.subi %div3A_108, %sub3A_130 : vector<32x32xi32>
    %select_n3A = arith.select %and3A, %sub3A_131, %div3A_108 : vector<32x32xi1>, vector<32x32xi32>
    %iota3A_132 = tpu.iota {dimensions = array<i32: 1>} : vector<32x32xi32>
    %jit3A_133 = arith.constant 8 : i32
    %div3A_134 = vector.broadcast %jit3A_133 : i32 to vector<32x32xi32>
    %div3A_135 = arith.divsi %iota3A_132, %div3A_134 : vector<32x32xi32>
    %sign3A_136 = arith.constant 0 : i32
    %sign3A_137 = vector.broadcast %sign3A_136 : i32 to vector<32x32xi32>
    %sign3A_138 = arith.cmpi sgt, %iota3A_132, %sign3A_137 : vector<32x32xi32>
    %sign3A_139 = arith.extui %sign3A_138 : vector<32x32xi1> to vector<32x32xi32>
    %sign3A_140 = arith.constant 0 : i32
    %sign3A_141 = vector.broadcast %sign3A_140 : i32 to vector<32x32xi32>
    %sign3A_142 = arith.cmpi slt, %iota3A_132, %sign3A_141 : vector<32x32xi32>
    %sign3A_143 = arith.extui %sign3A_142 : vector<32x32xi1> to vector<32x32xi32>
    %sign3A_144 = arith.subi %sign3A_139, %sign3A_143 : vector<32x32xi32>
    %sign3A_145 = arith.constant 0 : i32
    %sign3A_146 = arith.cmpi sgt, %jit3A_133, %sign3A_145 : i32
    %sign3A_147 = arith.extui %sign3A_146 : i1 to i32
    %sign3A_148 = arith.constant 0 : i32
    %sign3A_149 = arith.cmpi slt, %jit3A_133, %sign3A_148 : i32
    %sign3A_150 = arith.extui %sign3A_149 : i1 to i32
    %sign3A_151 = arith.subi %sign3A_147, %sign3A_150 : i32
    %ne3A_152 = vector.broadcast %sign3A_151 : i32 to vector<32x32xi32>
    %ne3A_153 = arith.cmpi ne, %sign3A_144, %ne3A_152 : vector<32x32xi32>
    %rem3A_154 = vector.broadcast %jit3A_133 : i32 to vector<32x32xi32>
    %rem3A_155 = arith.remsi %iota3A_132, %rem3A_154 : vector<32x32xi32>
    %ne3A_156 = arith.constant 0 : i32
    %ne3A_157 = vector.broadcast %ne3A_156 : i32 to vector<32x32xi32>
    %ne3A_158 = arith.cmpi ne, %rem3A_155, %ne3A_157 : vector<32x32xi32>
    %and3A_159 = arith.andi %ne3A_153, %ne3A_158 : vector<32x32xi1>
    %sub3A_160 = arith.constant 1 : i32
    %sub3A_161 = vector.broadcast %sub3A_160 : i32 to vector<32x32xi32>
    %sub3A_162 = arith.subi %div3A_135, %sub3A_161 : vector<32x32xi32>
    %select_n3A_163 = arith.select %and3A_159, %sub3A_162, %div3A_135 : vector<32x32xi1>, vector<32x32xi32>
    %eq3A_164 = arith.cmpi eq, %select_n3A, %select_n3A_163 : vector<32x32xi32>
    %convert_element_type3A_165 = arith.extui %eq3A_164 : vector<32x32xi1> to vector<32x32xi32>
    %convert_element_type3A_166 = arith.sitofp %convert_element_type3A_165 : vector<32x32xi32> to vector<32x32xf32>
    %iota3A_167 = tpu.iota {dimensions = array<i32: 0>} : vector<4x32xi32>
    %iota3A_168 = tpu.iota {dimensions = array<i32: 1>} : vector<4x32xi32>
    %jit3A_169 = arith.constant 8 : i32
    %div3A_170 = vector.broadcast %jit3A_169 : i32 to vector<4x32xi32>
    %div3A_171 = arith.divsi %iota3A_168, %div3A_170 : vector<4x32xi32>
    %sign3A_172 = arith.constant 0 : i32
    %sign3A_173 = vector.broadcast %sign3A_172 : i32 to vector<4x32xi32>
    %sign3A_174 = arith.cmpi sgt, %iota3A_168, %sign3A_173 : vector<4x32xi32>
    %sign3A_175 = arith.extui %sign3A_174 : vector<4x32xi1> to vector<4x32xi32>
    %sign3A_176 = arith.constant 0 : i32
    %sign3A_177 = vector.broadcast %sign3A_176 : i32 to vector<4x32xi32>
    %sign3A_178 = arith.cmpi slt, %iota3A_168, %sign3A_177 : vector<4x32xi32>
    %sign3A_179 = arith.extui %sign3A_178 : vector<4x32xi1> to vector<4x32xi32>
    %sign3A_180 = arith.subi %sign3A_175, %sign3A_179 : vector<4x32xi32>
    %sign3A_181 = arith.constant 0 : i32
    %sign3A_182 = arith.cmpi sgt, %jit3A_169, %sign3A_181 : i32
    %sign3A_183 = arith.extui %sign3A_182 : i1 to i32
    %sign3A_184 = arith.constant 0 : i32
    %sign3A_185 = arith.cmpi slt, %jit3A_169, %sign3A_184 : i32
    %sign3A_186 = arith.extui %sign3A_185 : i1 to i32
    %sign3A_187 = arith.subi %sign3A_183, %sign3A_186 : i32
    %ne3A_188 = vector.broadcast %sign3A_187 : i32 to vector<4x32xi32>
    %ne3A_189 = arith.cmpi ne, %sign3A_180, %ne3A_188 : vector<4x32xi32>
    %rem3A_190 = vector.broadcast %jit3A_169 : i32 to vector<4x32xi32>
    %rem3A_191 = arith.remsi %iota3A_168, %rem3A_190 : vector<4x32xi32>
    %ne3A_192 = arith.constant 0 : i32
    %ne3A_193 = vector.broadcast %ne3A_192 : i32 to vector<4x32xi32>
    %ne3A_194 = arith.cmpi ne, %rem3A_191, %ne3A_193 : vector<4x32xi32>
    %and3A_195 = arith.andi %ne3A_189, %ne3A_194 : vector<4x32xi1>
    %sub3A_196 = arith.constant 1 : i32
    %sub3A_197 = vector.broadcast %sub3A_196 : i32 to vector<4x32xi32>
    %sub3A_198 = arith.subi %div3A_171, %sub3A_197 : vector<4x32xi32>
    %select_n3A_199 = arith.select %and3A_195, %sub3A_198, %div3A_171 : vector<4x32xi1>, vector<4x32xi32>
    %eq3A_200 = arith.cmpi eq, %iota3A_167, %select_n3A_199 : vector<4x32xi32>
    %convert_element_type3A_201 = arith.extui %eq3A_200 : vector<4x32xi1> to vector<4x32xi32>
    %convert_element_type3A_202 = arith.sitofp %convert_element_type3A_201 : vector<4x32xi32> to vector<4x32xf32>
    %slice3A = vector.extract_strided_slice %div3A_28 {offsets = [0, 0], sizes = [8, 8], strides = [1, 1]} : vector<8x64xf32> to vector<8x8xf32>
    %slice3A_203 = vector.extract_strided_slice %div3A_66 {offsets = [0, 0], sizes = [1, 1], strides = [1, 1]} : vector<4x2xf32> to vector<1x1xf32>
    %mul3A_204 = vector.broadcast %slice3A_203 : vector<1x1xf32> to vector<8x8xf32>
    %mul3A_205 = arith.mulf %slice3A, %mul3A_204 : vector<8x8xf32>
    %slice3A_206 = vector.extract_strided_slice %div3A_28 {offsets = [0, 8], sizes = [8, 8], strides = [1, 1]} : vector<8x64xf32> to vector<8x8xf32>
    %slice3A_207 = vector.extract_strided_slice %div3A_66 {offsets = [1, 0], sizes = [1, 1], strides = [1, 1]} : vector<4x2xf32> to vector<1x1xf32>
    %mul3A_208 = vector.broadcast %slice3A_207 : vector<1x1xf32> to vector<8x8xf32>
    %mul3A_209 = arith.mulf %slice3A_206, %mul3A_208 : vector<8x8xf32>
    %slice3A_210 = vector.extract_strided_slice %div3A_28 {offsets = [0, 16], sizes = [8, 8], strides = [1, 1]} : vector<8x64xf32> to vector<8x8xf32>
    %slice3A_211 = vector.extract_strided_slice %div3A_66 {offsets = [2, 0], sizes = [1, 1], strides = [1, 1]} : vector<4x2xf32> to vector<1x1xf32>
    %mul3A_212 = vector.broadcast %slice3A_211 : vector<1x1xf32> to vector<8x8xf32>
    %mul3A_213 = arith.mulf %slice3A_210, %mul3A_212 : vector<8x8xf32>
    %slice3A_214 = vector.extract_strided_slice %div3A_28 {offsets = [0, 24], sizes = [8, 8], strides = [1, 1]} : vector<8x64xf32> to vector<8x8xf32>
    %slice3A_215 = vector.extract_strided_slice %div3A_66 {offsets = [3, 0], sizes = [1, 1], strides = [1, 1]} : vector<4x2xf32> to vector<1x1xf32>
    %mul3A_216 = vector.broadcast %slice3A_215 : vector<1x1xf32> to vector<8x8xf32>
    %mul3A_217 = arith.mulf %slice3A_214, %mul3A_216 : vector<8x8xf32>
    %broadcast_in_dim3A_218 = arith.constant 0.000000e+00 : f32
    %broadcast_in_dim3A_219 = vector.broadcast %broadcast_in_dim3A_218 : f32 to vector<8x24xf32>
    %concatenate3A = tpu.concatenate %mul3A_205, %broadcast_in_dim3A_219 in 1 : vector<8x8xf32>, vector<8x24xf32> -> vector<8x32xf32>
    %broadcast_in_dim3A_220 = arith.constant 0.000000e+00 : f32
    %broadcast_in_dim3A_221 = vector.broadcast %broadcast_in_dim3A_220 : f32 to vector<8x8xf32>
    %broadcast_in_dim3A_222 = arith.constant 0.000000e+00 : f32
    %broadcast_in_dim3A_223 = vector.broadcast %broadcast_in_dim3A_222 : f32 to vector<8x16xf32>
    %concatenate3A_224 = tpu.concatenate %broadcast_in_dim3A_221, %mul3A_209, %broadcast_in_dim3A_223 in 1 : vector<8x8xf32>, vector<8x8xf32>, vector<8x16xf32> -> vector<8x32xf32>
    %broadcast_in_dim3A_225 = arith.constant 0.000000e+00 : f32
    %broadcast_in_dim3A_226 = vector.broadcast %broadcast_in_dim3A_225 : f32 to vector<8x16xf32>
    %broadcast_in_dim3A_227 = arith.constant 0.000000e+00 : f32
    %broadcast_in_dim3A_228 = vector.broadcast %broadcast_in_dim3A_227 : f32 to vector<8x8xf32>
    %concatenate3A_229 = tpu.concatenate %broadcast_in_dim3A_226, %mul3A_213, %broadcast_in_dim3A_228 in 1 : vector<8x16xf32>, vector<8x8xf32>, vector<8x8xf32> -> vector<8x32xf32>
    %broadcast_in_dim3A_230 = arith.constant 0.000000e+00 : f32
    %broadcast_in_dim3A_231 = vector.broadcast %broadcast_in_dim3A_230 : f32 to vector<8x24xf32>
    %concatenate3A_232 = tpu.concatenate %broadcast_in_dim3A_231, %mul3A_217 in 1 : vector<8x24xf32>, vector<8x8xf32> -> vector<8x32xf32>
    %concatenate3A_233 = tpu.concatenate %concatenate3A, %concatenate3A_224, %concatenate3A_229, %concatenate3A_232 in 0 : vector<8x32xf32>, vector<8x32xf32>, vector<8x32xf32>, vector<8x32xf32> -> vector<32x32xf32>
    %slice3A_234 = vector.extract_strided_slice %div3A_28 {offsets = [0, 32], sizes = [8, 8], strides = [1, 1]} : vector<8x64xf32> to vector<8x8xf32>
    %slice3A_235 = vector.extract_strided_slice %div3A_66 {offsets = [0, 1], sizes = [1, 1], strides = [1, 1]} : vector<4x2xf32> to vector<1x1xf32>
    %mul3A_236 = vector.broadcast %slice3A_235 : vector<1x1xf32> to vector<8x8xf32>
    %mul3A_237 = arith.mulf %slice3A_234, %mul3A_236 : vector<8x8xf32>
    %slice3A_238 = vector.extract_strided_slice %div3A_28 {offsets = [0, 40], sizes = [8, 8], strides = [1, 1]} : vector<8x64xf32> to vector<8x8xf32>
    %slice3A_239 = vector.extract_strided_slice %div3A_66 {offsets = [1, 1], sizes = [1, 1], strides = [1, 1]} : vector<4x2xf32> to vector<1x1xf32>
    %mul3A_240 = vector.broadcast %slice3A_239 : vector<1x1xf32> to vector<8x8xf32>
    %mul3A_241 = arith.mulf %slice3A_238, %mul3A_240 : vector<8x8xf32>
    %slice3A_242 = vector.extract_strided_slice %div3A_28 {offsets = [0, 48], sizes = [8, 8], strides = [1, 1]} : vector<8x64xf32> to vector<8x8xf32>
    %slice3A_243 = vector.extract_strided_slice %div3A_66 {offsets = [2, 1], sizes = [1, 1], strides = [1, 1]} : vector<4x2xf32> to vector<1x1xf32>
    %mul3A_244 = vector.broadcast %slice3A_243 : vector<1x1xf32> to vector<8x8xf32>
    %mul3A_245 = arith.mulf %slice3A_242, %mul3A_244 : vector<8x8xf32>
    %slice3A_246 = vector.extract_strided_slice %div3A_28 {offsets = [0, 56], sizes = [8, 8], strides = [1, 1]} : vector<8x64xf32> to vector<8x8xf32>
    %slice3A_247 = vector.extract_strided_slice %div3A_66 {offsets = [3, 1], sizes = [1, 1], strides = [1, 1]} : vector<4x2xf32> to vector<1x1xf32>
    %mul3A_248 = vector.broadcast %slice3A_247 : vector<1x1xf32> to vector<8x8xf32>
    %mul3A_249 = arith.mulf %slice3A_246, %mul3A_248 : vector<8x8xf32>
    %broadcast_in_dim3A_250 = arith.constant 0.000000e+00 : f32
    %broadcast_in_dim3A_251 = vector.broadcast %broadcast_in_dim3A_250 : f32 to vector<8x24xf32>
    %concatenate3A_252 = tpu.concatenate %mul3A_237, %broadcast_in_dim3A_251 in 1 : vector<8x8xf32>, vector<8x24xf32> -> vector<8x32xf32>
    %broadcast_in_dim3A_253 = arith.constant 0.000000e+00 : f32
    %broadcast_in_dim3A_254 = vector.broadcast %broadcast_in_dim3A_253 : f32 to vector<8x8xf32>
    %broadcast_in_dim3A_255 = arith.constant 0.000000e+00 : f32
    %broadcast_in_dim3A_256 = vector.broadcast %broadcast_in_dim3A_255 : f32 to vector<8x16xf32>
    %concatenate3A_257 = tpu.concatenate %broadcast_in_dim3A_254, %mul3A_241, %broadcast_in_dim3A_256 in 1 : vector<8x8xf32>, vector<8x8xf32>, vector<8x16xf32> -> vector<8x32xf32>
    %broadcast_in_dim3A_258 = arith.constant 0.000000e+00 : f32
    %broadcast_in_dim3A_259 = vector.broadcast %broadcast_in_dim3A_258 : f32 to vector<8x16xf32>
    %broadcast_in_dim3A_260 = arith.constant 0.000000e+00 : f32
    %broadcast_in_dim3A_261 = vector.broadcast %broadcast_in_dim3A_260 : f32 to vector<8x8xf32>
    %concatenate3A_262 = tpu.concatenate %broadcast_in_dim3A_259, %mul3A_245, %broadcast_in_dim3A_261 in 1 : vector<8x16xf32>, vector<8x8xf32>, vector<8x8xf32> -> vector<8x32xf32>
    %broadcast_in_dim3A_263 = arith.constant 0.000000e+00 : f32
    %broadcast_in_dim3A_264 = vector.broadcast %broadcast_in_dim3A_263 : f32 to vector<8x24xf32>
    %concatenate3A_265 = tpu.concatenate %broadcast_in_dim3A_264, %mul3A_249 in 1 : vector<8x24xf32>, vector<8x8xf32> -> vector<8x32xf32>
    %concatenate3A_266 = tpu.concatenate %concatenate3A_252, %concatenate3A_257, %concatenate3A_262, %concatenate3A_265 in 0 : vector<8x32xf32>, vector<8x32xf32>, vector<8x32xf32>, vector<8x32xf32> -> vector<32x32xf32>
    %broadcast_in_dim3A_267 = arith.constant 0.000000e+00 : f32
    %broadcast_in_dim3A_268 = vector.broadcast %broadcast_in_dim3A_267 : f32 to vector<32x32xf32>
    %concatenate3A_269 = tpu.concatenate %concatenate3A_233, %broadcast_in_dim3A_268, %concatenate3A_266, %broadcast_in_dim3A_268 in 1 : vector<32x32xf32>, vector<32x32xf32>, vector<32x32xf32>, vector<32x32xf32> -> vector<32x128xf32>
    %concatenate3A_270 = tpu.concatenate %broadcast_in_dim3A_268, %concatenate3A_233, %broadcast_in_dim3A_268, %concatenate3A_266 in 1 : vector<32x32xf32>, vector<32x32xf32>, vector<32x32xf32>, vector<32x32xf32> -> vector<32x128xf32>
    %concatenate3A_271 = tpu.concatenate %concatenate3A_269, %concatenate3A_270 in 0 : vector<32x128xf32>, vector<32x128xf32> -> vector<64x128xf32>
    %concatenate3A_272 = tpu.concatenate %concatenate3A_233, %broadcast_in_dim3A_268 in 1 : vector<32x32xf32>, vector<32x32xf32> -> vector<32x64xf32>
    %concatenate3A_273 = tpu.concatenate %broadcast_in_dim3A_268, %concatenate3A_266 in 1 : vector<32x32xf32>, vector<32x32xf32> -> vector<32x64xf32>
    %concatenate3A_274 = tpu.concatenate %concatenate3A_272, %concatenate3A_273 in 0 : vector<32x64xf32>, vector<32x64xf32> -> vector<64x64xf32>
    %concatenate3A_275 = tpu.concatenate %convert_element_type3A_94, %convert_element_type3A_105 in 0 : vector<256x512xf32>, vector<256x512xf32> -> vector<512x512xf32>
    %iota3A_276 = tpu.iota {dimensions = array<i32: 1>} : vector<32x4096xi32>
    %jit3A_277 = arith.constant 2 : i32
    %eq3A_278 = arith.constant 0 : i32
    %eq3A_279 = arith.cmpi eq, %jit3A_277, %eq3A_278 : i32
    %jit3A_280 = arith.constant 1 : i32
    %select_n3A_281 = arith.select %eq3A_279, %jit3A_280, %jit3A_277 : i32
    %rem3A_282 = vector.broadcast %select_n3A_281 : i32 to vector<32x4096xi32>
    %rem3A_283 = arith.remsi %iota3A_276, %rem3A_282 : vector<32x4096xi32>
    %ne3A_284 = arith.constant 0 : i32
    %ne3A_285 = vector.broadcast %ne3A_284 : i32 to vector<32x4096xi32>
    %ne3A_286 = arith.cmpi ne, %rem3A_283, %ne3A_285 : vector<32x4096xi32>
    %lt3A = arith.constant 0 : i32
    %lt3A_287 = vector.broadcast %lt3A : i32 to vector<32x4096xi32>
    %lt3A_288 = arith.cmpi slt, %rem3A_283, %lt3A_287 : vector<32x4096xi32>
    %lt3A_289 = arith.constant 0 : i32
    %lt3A_290 = arith.cmpi slt, %select_n3A_281, %lt3A_289 : i32
    %ne3A_291 = vector.broadcast %lt3A_290 : i1 to vector<32x4096xi1>
    %ne3A_292 = vector.broadcast %ne3A_291 : vector<32x4096xi1> to vector<32x4096xi1>
    %ne3A_293 = arith.xori %lt3A_288, %ne3A_292 : vector<32x4096xi1>
    %and3A_294 = arith.andi %ne3A_293, %ne3A_286 : vector<32x4096xi1>
    %add3A_295 = vector.broadcast %select_n3A_281 : i32 to vector<32x4096xi32>
    %add3A_296 = arith.addi %rem3A_283, %add3A_295 : vector<32x4096xi32>
    %select_n3A_297 = arith.select %and3A_294, %add3A_296, %rem3A_283 : vector<32x4096xi1>, vector<32x4096xi32>
    %eq3A_298 = arith.constant 0 : i32
    %eq3A_299 = vector.broadcast %eq3A_298 : i32 to vector<32x4096xi32>
    %eq3A_300 = arith.cmpi eq, %select_n3A_297, %eq3A_299 : vector<32x4096xi32>
    %slice3A_301 = vector.extract_strided_slice %div3A_47 {offsets = [0, 0], sizes = [8, 1], strides = [1, 1]} : vector<8x8xf32> to vector<8x1xf32>
    %slice3A_302 = vector.extract_strided_slice %div3A_47 {offsets = [0, 2], sizes = [8, 1], strides = [1, 1]} : vector<8x8xf32> to vector<8x1xf32>
    %slice3A_303 = vector.extract_strided_slice %div3A_47 {offsets = [0, 4], sizes = [8, 1], strides = [1, 1]} : vector<8x8xf32> to vector<8x1xf32>
    %slice3A_304 = vector.extract_strided_slice %div3A_47 {offsets = [0, 6], sizes = [8, 1], strides = [1, 1]} : vector<8x8xf32> to vector<8x1xf32>
    %concatenate3A_305 = tpu.concatenate %slice3A_301, %slice3A_302, %slice3A_303, %slice3A_304 in 0 : vector<8x1xf32>, vector<8x1xf32>, vector<8x1xf32>, vector<8x1xf32> -> vector<32x1xf32>
    %slice3A_306 = vector.extract_strided_slice %div3A_47 {offsets = [0, 1], sizes = [8, 1], strides = [1, 1]} : vector<8x8xf32> to vector<8x1xf32>
    %slice3A_307 = vector.extract_strided_slice %div3A_47 {offsets = [0, 3], sizes = [8, 1], strides = [1, 1]} : vector<8x8xf32> to vector<8x1xf32>
    %slice3A_308 = vector.extract_strided_slice %div3A_47 {offsets = [0, 5], sizes = [8, 1], strides = [1, 1]} : vector<8x8xf32> to vector<8x1xf32>
    %slice3A_309 = vector.extract_strided_slice %div3A_47 {offsets = [0, 7], sizes = [8, 1], strides = [1, 1]} : vector<8x8xf32> to vector<8x1xf32>
    %concatenate3A_310 = tpu.concatenate %slice3A_306, %slice3A_307, %slice3A_308, %slice3A_309 in 0 : vector<8x1xf32>, vector<8x1xf32>, vector<8x1xf32>, vector<8x1xf32> -> vector<32x1xf32>
    %broadcast_in_dim3A_311 = vector.shape_cast %concatenate3A_305 : vector<32x1xf32> to vector<32x1xf32>
    %broadcast_in_dim3A_312 = vector.broadcast %broadcast_in_dim3A_311 : vector<32x1xf32> to vector<32x4096xf32>
    %broadcast_in_dim3A_313 = vector.shape_cast %concatenate3A_310 : vector<32x1xf32> to vector<32x1xf32>
    %broadcast_in_dim3A_314 = vector.broadcast %broadcast_in_dim3A_313 : vector<32x1xf32> to vector<32x4096xf32>
    %select_n3A_315 = arith.select %eq3A_300, %broadcast_in_dim3A_312, %broadcast_in_dim3A_314 : vector<32x4096xi1>, vector<32x4096xf32>
    %get3A_316 = arith.constant 0 : index
    %get3A_317 = arith.constant 4096 : index
    %get3A_318 = vector.load %arg10[%get3A_316, %get3A_317] : memref<32x8192xf32, #tpu.memory_space<vmem>>, vector<32x4096xf32>
    %mul3A_319 = arith.mulf %select_n3A_315, %get3A_318 : vector<32x4096xf32>
    %dot_general3A = arith.constant dense<0.000000e+00> : vector<32x4096xf32>
    %dot_general3A_320 = tpu.matmul %convert_element_type3A_166, %mul3A_319, %dot_general3A {dimension_numbers = #tpu.dot_dimension_numbers<[1], [0], [0], [1], [0, 0, 1, 1], [], []>, precision = #tpu.contract_precision<fp32>, transpose_lhs_hint = false} : vector<32x32xf32>, vector<32x4096xf32>, vector<32x4096xf32> -> vector<32x4096xf32>
    %div3A_321 = arith.divf %mul3A_319, %dot_general3A_320 : vector<32x4096xf32>
    %swap3A_322 = arith.constant 0 : index
    %swap3A_323 = arith.constant 4096 : index
    %swap3A_324 = vector.load %arg6[%swap3A_322, %swap3A_323] : memref<32x8192xf32, #tpu.memory_space<vmem>>, vector<32x4096xf32>
    tpu.vector_store %arg6[%swap3A_322, %swap3A_323], %select_n3A_315 {strides = array<i32>} : memref<32x8192xf32, #tpu.memory_space<vmem>>, vector<32x4096xf32>,
    %swap3A_325 = arith.constant 0 : index
    %swap3A_326 = arith.constant 4096 : index
    %swap3A_327 = vector.load %arg7[%swap3A_325, %swap3A_326] : memref<32x8192xf32, #tpu.memory_space<vmem>>, vector<32x4096xf32>
    tpu.vector_store %arg7[%swap3A_325, %swap3A_326], %div3A_321 {strides = array<i32>} : memref<32x8192xf32, #tpu.memory_space<vmem>>, vector<32x4096xf32>,
    %get3A_328 = arith.constant 0 : index
    %get3A_329 = arith.constant 4096 : index
    %get3A_330 = vector.load %arg6[%get3A_328, %get3A_329] : memref<32x8192xf32, #tpu.memory_space<vmem>>, vector<32x4096xf32>
    %get3A_331 = arith.constant 0 : index
    %get3A_332 = arith.constant 4096 : index
    %get3A_333 = vector.load %arg7[%get3A_331, %get3A_332] : memref<32x8192xf32, #tpu.memory_space<vmem>>, vector<32x4096xf32>
    %concatenate3A_334 = tpu.concatenate %get3A_330, %get3A_333 in 0 : vector<32x4096xf32>, vector<32x4096xf32> -> vector<64x4096xf32>
    %slice3A_335 = vector.extract_strided_slice %concatenate3A_334 {offsets = [0, 0], sizes = [64, 512], strides = [1, 1]} : vector<64x4096xf32> to vector<64x512xf32>
    %dot_general3A_336 = arith.constant dense<0.000000e+00> : vector<64x256xf32>
    %dot_general3A_337 = tpu.matmul %slice3A_335, %convert_element_type3A_75, %dot_general3A_336 {dimension_numbers = #tpu.dot_dimension_numbers<[1], [0], [0], [1], [0, 0, 1, 1], [], []>, precision = #tpu.contract_precision<fp32>, transpose_lhs_hint = false} : vector<64x512xf32>, vector<512x256xf32>, vector<64x256xf32> -> vector<64x256xf32>
    %dot_general3A_338 = arith.constant dense<0.000000e+00> : vector<64x256xf32>
    %dot_general3A_339 = tpu.matmul %slice3A_335, %convert_element_type3A_86, %dot_general3A_338 {dimension_numbers = #tpu.dot_dimension_numbers<[1], [0], [0], [1], [0, 0, 1, 1], [], []>, precision = #tpu.contract_precision<fp32>, transpose_lhs_hint = false} : vector<64x512xf32>, vector<512x256xf32>, vector<64x256xf32> -> vector<64x256xf32>
    %slice3A_340 = vector.extract_strided_slice %concatenate3A_334 {offsets = [0, 512], sizes = [64, 512], strides = [1, 1]} : vector<64x4096xf32> to vector<64x512xf32>
    %dot_general3A_341 = arith.constant dense<0.000000e+00> : vector<64x256xf32>
    %dot_general3A_342 = tpu.matmul %slice3A_340, %convert_element_type3A_75, %dot_general3A_341 {dimension_numbers = #tpu.dot_dimension_numbers<[1], [0], [0], [1], [0, 0, 1, 1], [], []>, precision = #tpu.contract_precision<fp32>, transpose_lhs_hint = false} : vector<64x512xf32>, vector<512x256xf32>, vector<64x256xf32> -> vector<64x256xf32>
    %dot_general3A_343 = arith.constant dense<0.000000e+00> : vector<64x256xf32>
    %dot_general3A_344 = tpu.matmul %slice3A_340, %convert_element_type3A_86, %dot_general3A_343 {dimension_numbers = #tpu.dot_dimension_numbers<[1], [0], [0], [1], [0, 0, 1, 1], [], []>, precision = #tpu.contract_precision<fp32>, transpose_lhs_hint = false} : vector<64x512xf32>, vector<512x256xf32>, vector<64x256xf32> -> vector<64x256xf32>
    %slice3A_345 = vector.extract_strided_slice %concatenate3A_334 {offsets = [0, 1024], sizes = [64, 512], strides = [1, 1]} : vector<64x4096xf32> to vector<64x512xf32>
    %dot_general3A_346 = arith.constant dense<0.000000e+00> : vector<64x256xf32>
    %dot_general3A_347 = tpu.matmul %slice3A_345, %convert_element_type3A_75, %dot_general3A_346 {dimension_numbers = #tpu.dot_dimension_numbers<[1], [0], [0], [1], [0, 0, 1, 1], [], []>, precision = #tpu.contract_precision<fp32>, transpose_lhs_hint = false} : vector<64x512xf32>, vector<512x256xf32>, vector<64x256xf32> -> vector<64x256xf32>
    %dot_general3A_348 = arith.constant dense<0.000000e+00> : vector<64x256xf32>
    %dot_general3A_349 = tpu.matmul %slice3A_345, %convert_element_type3A_86, %dot_general3A_348 {dimension_numbers = #tpu.dot_dimension_numbers<[1], [0], [0], [1], [0, 0, 1, 1], [], []>, precision = #tpu.contract_precision<fp32>, transpose_lhs_hint = false} : vector<64x512xf32>, vector<512x256xf32>, vector<64x256xf32> -> vector<64x256xf32>
    %slice3A_350 = vector.extract_strided_slice %concatenate3A_334 {offsets = [0, 1536], sizes = [64, 512], strides = [1, 1]} : vector<64x4096xf32> to vector<64x512xf32>
    %dot_general3A_351 = arith.constant dense<0.000000e+00> : vector<64x256xf32>
    %dot_general3A_352 = tpu.matmul %slice3A_350, %convert_element_type3A_75, %dot_general3A_351 {dimension_numbers = #tpu.dot_dimension_numbers<[1], [0], [0], [1], [0, 0, 1, 1], [], []>, precision = #tpu.contract_precision<fp32>, transpose_lhs_hint = false} : vector<64x512xf32>, vector<512x256xf32>, vector<64x256xf32> -> vector<64x256xf32>
    %dot_general3A_353 = arith.constant dense<0.000000e+00> : vector<64x256xf32>
    %dot_general3A_354 = tpu.matmul %slice3A_350, %convert_element_type3A_86, %dot_general3A_353 {dimension_numbers = #tpu.dot_dimension_numbers<[1], [0], [0], [1], [0, 0, 1, 1], [], []>, precision = #tpu.contract_precision<fp32>, transpose_lhs_hint = false} : vector<64x512xf32>, vector<512x256xf32>, vector<64x256xf32> -> vector<64x256xf32>
    %slice3A_355 = vector.extract_strided_slice %concatenate3A_334 {offsets = [0, 2048], sizes = [64, 512], strides = [1, 1]} : vector<64x4096xf32> to vector<64x512xf32>
    %dot_general3A_356 = arith.constant dense<0.000000e+00> : vector<64x256xf32>
    %dot_general3A_357 = tpu.matmul %slice3A_355, %convert_element_type3A_75, %dot_general3A_356 {dimension_numbers = #tpu.dot_dimension_numbers<[1], [0], [0], [1], [0, 0, 1, 1], [], []>, precision = #tpu.contract_precision<fp32>, transpose_lhs_hint = false} : vector<64x512xf32>, vector<512x256xf32>, vector<64x256xf32> -> vector<64x256xf32>
    %dot_general3A_358 = arith.constant dense<0.000000e+00> : vector<64x256xf32>
    %dot_general3A_359 = tpu.matmul %slice3A_355, %convert_element_type3A_86, %dot_general3A_358 {dimension_numbers = #tpu.dot_dimension_numbers<[1], [0], [0], [1], [0, 0, 1, 1], [], []>, precision = #tpu.contract_precision<fp32>, transpose_lhs_hint = false} : vector<64x512xf32>, vector<512x256xf32>, vector<64x256xf32> -> vector<64x256xf32>
    %slice3A_360 = vector.extract_strided_slice %concatenate3A_334 {offsets = [0, 2560], sizes = [64, 512], strides = [1, 1]} : vector<64x4096xf32> to vector<64x512xf32>
    %dot_general3A_361 = arith.constant dense<0.000000e+00> : vector<64x256xf32>
    %dot_general3A_362 = tpu.matmul %slice3A_360, %convert_element_type3A_75, %dot_general3A_361 {dimension_numbers = #tpu.dot_dimension_numbers<[1], [0], [0], [1], [0, 0, 1, 1], [], []>, precision = #tpu.contract_precision<fp32>, transpose_lhs_hint = false} : vector<64x512xf32>, vector<512x256xf32>, vector<64x256xf32> -> vector<64x256xf32>
    %dot_general3A_363 = arith.constant dense<0.000000e+00> : vector<64x256xf32>
    %dot_general3A_364 = tpu.matmul %slice3A_360, %convert_element_type3A_86, %dot_general3A_363 {dimension_numbers = #tpu.dot_dimension_numbers<[1], [0], [0], [1], [0, 0, 1, 1], [], []>, precision = #tpu.contract_precision<fp32>, transpose_lhs_hint = false} : vector<64x512xf32>, vector<512x256xf32>, vector<64x256xf32> -> vector<64x256xf32>
    %slice3A_365 = vector.extract_strided_slice %concatenate3A_334 {offsets = [0, 3072], sizes = [64, 512], strides = [1, 1]} : vector<64x4096xf32> to vector<64x512xf32>
    %dot_general3A_366 = arith.constant dense<0.000000e+00> : vector<64x256xf32>
    %dot_general3A_367 = tpu.matmul %slice3A_365, %convert_element_type3A_75, %dot_general3A_366 {dimension_numbers = #tpu.dot_dimension_numbers<[1], [0], [0], [1], [0, 0, 1, 1], [], []>, precision = #tpu.contract_precision<fp32>, transpose_lhs_hint = false} : vector<64x512xf32>, vector<512x256xf32>, vector<64x256xf32> -> vector<64x256xf32>
    %dot_general3A_368 = arith.constant dense<0.000000e+00> : vector<64x256xf32>
    %dot_general3A_369 = tpu.matmul %slice3A_365, %convert_element_type3A_86, %dot_general3A_368 {dimension_numbers = #tpu.dot_dimension_numbers<[1], [0], [0], [1], [0, 0, 1, 1], [], []>, precision = #tpu.contract_precision<fp32>, transpose_lhs_hint = false} : vector<64x512xf32>, vector<512x256xf32>, vector<64x256xf32> -> vector<64x256xf32>
    %slice3A_370 = vector.extract_strided_slice %concatenate3A_334 {offsets = [0, 3584], sizes = [64, 512], strides = [1, 1]} : vector<64x4096xf32> to vector<64x512xf32>
    %dot_general3A_371 = arith.constant dense<0.000000e+00> : vector<64x256xf32>
    %dot_general3A_372 = tpu.matmul %slice3A_370, %convert_element_type3A_75, %dot_general3A_371 {dimension_numbers = #tpu.dot_dimension_numbers<[1], [0], [0], [1], [0, 0, 1, 1], [], []>, precision = #tpu.contract_precision<fp32>, transpose_lhs_hint = false} : vector<64x512xf32>, vector<512x256xf32>, vector<64x256xf32> -> vector<64x256xf32>
    %dot_general3A_373 = arith.constant dense<0.000000e+00> : vector<64x256xf32>
    %dot_general3A_374 = tpu.matmul %slice3A_370, %convert_element_type3A_86, %dot_general3A_373 {dimension_numbers = #tpu.dot_dimension_numbers<[1], [0], [0], [1], [0, 0, 1, 1], [], []>, precision = #tpu.contract_precision<fp32>, transpose_lhs_hint = false} : vector<64x512xf32>, vector<512x256xf32>, vector<64x256xf32> -> vector<64x256xf32>
    %concatenate3A_375 = tpu.concatenate %dot_general3A_337, %dot_general3A_342, %dot_general3A_347, %dot_general3A_352, %dot_general3A_357, %dot_general3A_362, %dot_general3A_367, %dot_general3A_372 in 1 : vector<64x256xf32>, vector<64x256xf32>, vector<64x256xf32>, vector<64x256xf32>, vector<64x256xf32>, vector<64x256xf32>, vector<64x256xf32>, vector<64x256xf32> -> vector<64x2048xf32>
    %concatenate3A_376 = tpu.concatenate %dot_general3A_339, %dot_general3A_344, %dot_general3A_349, %dot_general3A_354, %dot_general3A_359, %dot_general3A_364, %dot_general3A_369, %dot_general3A_374 in 1 : vector<64x256xf32>, vector<64x256xf32>, vector<64x256xf32>, vector<64x256xf32>, vector<64x256xf32>, vector<64x256xf32>, vector<64x256xf32>, vector<64x256xf32> -> vector<64x2048xf32>
    %concatenate3A_377 = tpu.concatenate %concatenate3A_375, %concatenate3A_376 in 0 : vector<64x2048xf32>, vector<64x2048xf32> -> vector<128x2048xf32>
    %dot_general3A_378 = arith.constant dense<0.000000e+00> : vector<64x2048xf32>
    %dot_general3A_379 = tpu.matmul %concatenate3A_271, %concatenate3A_377, %dot_general3A_378 {dimension_numbers = #tpu.dot_dimension_numbers<[1], [0], [0], [1], [0, 0, 1, 1], [], []>, precision = #tpu.contract_precision<fp32>, transpose_lhs_hint = false} : vector<64x128xf32>, vector<128x2048xf32>, vector<64x2048xf32> -> vector<64x2048xf32>
    %slice3A_380 = vector.extract_strided_slice %dot_general3A_379 {offsets = [0, 0], sizes = [32, 2048], strides = [1, 1]} : vector<64x2048xf32> to vector<32x2048xf32>
    %slice3A_381 = vector.extract_strided_slice %dot_general3A_379 {offsets = [32, 0], sizes = [32, 2048], strides = [1, 1]} : vector<64x2048xf32> to vector<32x2048xf32>
    %get3A_382 = arith.constant 0 : index
    %get3A_383 = arith.constant 2048 : index
    %get3A_384 = vector.load %arg10[%get3A_382, %get3A_383] : memref<32x8192xf32, #tpu.memory_space<vmem>>, vector<32x2048xf32>
    %mul3A_385 = arith.mulf %get3A_384, %slice3A_381 : vector<32x2048xf32>
    %swap3A_386 = arith.constant 0 : index
    %swap3A_387 = arith.constant 2048 : index
    %swap3A_388 = vector.load %arg6[%swap3A_386, %swap3A_387] : memref<32x8192xf32, #tpu.memory_space<vmem>>, vector<32x2048xf32>
    tpu.vector_store %arg6[%swap3A_386, %swap3A_387], %slice3A_380 {strides = array<i32>} : memref<32x8192xf32, #tpu.memory_space<vmem>>, vector<32x2048xf32>,
    %dot_general3A_389 = arith.constant dense<0.000000e+00> : vector<32x2048xf32>
    %dot_general3A_390 = tpu.matmul %convert_element_type3A_166, %mul3A_385, %dot_general3A_389 {dimension_numbers = #tpu.dot_dimension_numbers<[1], [0], [0], [1], [0, 0, 1, 1], [], []>, precision = #tpu.contract_precision<fp32>, transpose_lhs_hint = false} : vector<32x32xf32>, vector<32x2048xf32>, vector<32x2048xf32> -> vector<32x2048xf32>
    %div3A_391 = arith.divf %mul3A_385, %dot_general3A_390 : vector<32x2048xf32>
    %swap3A_392 = arith.constant 0 : index
    %swap3A_393 = arith.constant 2048 : index
    %swap3A_394 = vector.load %arg7[%swap3A_392, %swap3A_393] : memref<32x8192xf32, #tpu.memory_space<vmem>>, vector<32x2048xf32>
    tpu.vector_store %arg7[%swap3A_392, %swap3A_393], %div3A_391 {strides = array<i32>} : memref<32x8192xf32, #tpu.memory_space<vmem>>, vector<32x2048xf32>,
    %swap3A_395 = arith.constant 0 : index
    %swap3A_396 = arith.constant 2048 : index
    %swap3A_397 = vector.load %arg8[%swap3A_395, %swap3A_396] : memref<32x8192xf32, #tpu.memory_space<vmem>>, vector<32x2048xf32>
    tpu.vector_store %arg8[%swap3A_395, %swap3A_396], %slice3A_381 {strides = array<i32>} : memref<32x8192xf32, #tpu.memory_space<vmem>>, vector<32x2048xf32>,
    %get3A_398 = arith.constant 0 : index
    %get3A_399 = arith.constant 2048 : index
    %get3A_400 = vector.load %arg6[%get3A_398, %get3A_399] : memref<32x8192xf32, #tpu.memory_space<vmem>>, vector<32x2048xf32>
    %get3A_401 = arith.constant 0 : index
    %get3A_402 = arith.constant 2048 : index
    %get3A_403 = vector.load %arg7[%get3A_401, %get3A_402] : memref<32x8192xf32, #tpu.memory_space<vmem>>, vector<32x2048xf32>
    %concatenate3A_404 = tpu.concatenate %get3A_400, %get3A_403 in 0 : vector<32x2048xf32>, vector<32x2048xf32> -> vector<64x2048xf32>
    %slice3A_405 = vector.extract_strided_slice %concatenate3A_404 {offsets = [0, 0], sizes = [64, 512], strides = [1, 1]} : vector<64x2048xf32> to vector<64x512xf32>
    %dot_general3A_406 = arith.constant dense<0.000000e+00> : vector<64x256xf32>
    %dot_general3A_407 = tpu.matmul %slice3A_405, %convert_element_type3A_75, %dot_general3A_406 {dimension_numbers = #tpu.dot_dimension_numbers<[1], [0], [0], [1], [0, 0, 1, 1], [], []>, precision = #tpu.contract_precision<fp32>, transpose_lhs_hint = false} : vector<64x512xf32>, vector<512x256xf32>, vector<64x256xf32> -> vector<64x256xf32>
    %dot_general3A_408 = arith.constant dense<0.000000e+00> : vector<64x256xf32>
    %dot_general3A_409 = tpu.matmul %slice3A_405, %convert_element_type3A_86, %dot_general3A_408 {dimension_numbers = #tpu.dot_dimension_numbers<[1], [0], [0], [1], [0, 0, 1, 1], [], []>, precision = #tpu.contract_precision<fp32>, transpose_lhs_hint = false} : vector<64x512xf32>, vector<512x256xf32>, vector<64x256xf32> -> vector<64x256xf32>
    %slice3A_410 = vector.extract_strided_slice %concatenate3A_404 {offsets = [0, 512], sizes = [64, 512], strides = [1, 1]} : vector<64x2048xf32> to vector<64x512xf32>
    %dot_general3A_411 = arith.constant dense<0.000000e+00> : vector<64x256xf32>
    %dot_general3A_412 = tpu.matmul %slice3A_410, %convert_element_type3A_75, %dot_general3A_411 {dimension_numbers = #tpu.dot_dimension_numbers<[1], [0], [0], [1], [0, 0, 1, 1], [], []>, precision = #tpu.contract_precision<fp32>, transpose_lhs_hint = false} : vector<64x512xf32>, vector<512x256xf32>, vector<64x256xf32> -> vector<64x256xf32>
    %dot_general3A_413 = arith.constant dense<0.000000e+00> : vector<64x256xf32>
    %dot_general3A_414 = tpu.matmul %slice3A_410, %convert_element_type3A_86, %dot_general3A_413 {dimension_numbers = #tpu.dot_dimension_numbers<[1], [0], [0], [1], [0, 0, 1, 1], [], []>, precision = #tpu.contract_precision<fp32>, transpose_lhs_hint = false} : vector<64x512xf32>, vector<512x256xf32>, vector<64x256xf32> -> vector<64x256xf32>
    %slice3A_415 = vector.extract_strided_slice %concatenate3A_404 {offsets = [0, 1024], sizes = [64, 512], strides = [1, 1]} : vector<64x2048xf32> to vector<64x512xf32>
    %dot_general3A_416 = arith.constant dense<0.000000e+00> : vector<64x256xf32>
    %dot_general3A_417 = tpu.matmul %slice3A_415, %convert_element_type3A_75, %dot_general3A_416 {dimension_numbers = #tpu.dot_dimension_numbers<[1], [0], [0], [1], [0, 0, 1, 1], [], []>, precision = #tpu.contract_precision<fp32>, transpose_lhs_hint = false} : vector<64x512xf32>, vector<512x256xf32>, vector<64x256xf32> -> vector<64x256xf32>
    %dot_general3A_418 = arith.constant dense<0.000000e+00> : vector<64x256xf32>
    %dot_general3A_419 = tpu.matmul %slice3A_415, %convert_element_type3A_86, %dot_general3A_418 {dimension_numbers = #tpu.dot_dimension_numbers<[1], [0], [0], [1], [0, 0, 1, 1], [], []>, precision = #tpu.contract_precision<fp32>, transpose_lhs_hint = false} : vector<64x512xf32>, vector<512x256xf32>, vector<64x256xf32> -> vector<64x256xf32>
    %slice3A_420 = vector.extract_strided_slice %concatenate3A_404 {offsets = [0, 1536], sizes = [64, 512], strides = [1, 1]} : vector<64x2048xf32> to vector<64x512xf32>
    %dot_general3A_421 = arith.constant dense<0.000000e+00> : vector<64x256xf32>
    %dot_general3A_422 = tpu.matmul %slice3A_420, %convert_element_type3A_75, %dot_general3A_421 {dimension_numbers = #tpu.dot_dimension_numbers<[1], [0], [0], [1], [0, 0, 1, 1], [], []>, precision = #tpu.contract_precision<fp32>, transpose_lhs_hint = false} : vector<64x512xf32>, vector<512x256xf32>, vector<64x256xf32> -> vector<64x256xf32>
    %dot_general3A_423 = arith.constant dense<0.000000e+00> : vector<64x256xf32>
    %dot_general3A_424 = tpu.matmul %slice3A_420, %convert_element_type3A_86, %dot_general3A_423 {dimension_numbers = #tpu.dot_dimension_numbers<[1], [0], [0], [1], [0, 0, 1, 1], [], []>, precision = #tpu.contract_precision<fp32>, transpose_lhs_hint = false} : vector<64x512xf32>, vector<512x256xf32>, vector<64x256xf32> -> vector<64x256xf32>
    %concatenate3A_425 = tpu.concatenate %dot_general3A_407, %dot_general3A_412, %dot_general3A_417, %dot_general3A_422 in 1 : vector<64x256xf32>, vector<64x256xf32>, vector<64x256xf32>, vector<64x256xf32> -> vector<64x1024xf32>
    %concatenate3A_426 = tpu.concatenate %dot_general3A_409, %dot_general3A_414, %dot_general3A_419, %dot_general3A_424 in 1 : vector<64x256xf32>, vector<64x256xf32>, vector<64x256xf32>, vector<64x256xf32> -> vector<64x1024xf32>
    %concatenate3A_427 = tpu.concatenate %concatenate3A_425, %concatenate3A_426 in 0 : vector<64x1024xf32>, vector<64x1024xf32> -> vector<128x1024xf32>
    %dot_general3A_428 = arith.constant dense<0.000000e+00> : vector<64x1024xf32>
    %dot_general3A_429 = tpu.matmul %concatenate3A_271, %concatenate3A_427, %dot_general3A_428 {dimension_numbers = #tpu.dot_dimension_numbers<[1], [0], [0], [1], [0, 0, 1, 1], [], []>, precision = #tpu.contract_precision<fp32>, transpose_lhs_hint = false} : vector<64x128xf32>, vector<128x1024xf32>, vector<64x1024xf32> -> vector<64x1024xf32>
    %slice3A_430 = vector.extract_strided_slice %dot_general3A_429 {offsets = [0, 0], sizes = [32, 1024], strides = [1, 1]} : vector<64x1024xf32> to vector<32x1024xf32>
    %slice3A_431 = vector.extract_strided_slice %dot_general3A_429 {offsets = [32, 0], sizes = [32, 1024], strides = [1, 1]} : vector<64x1024xf32> to vector<32x1024xf32>
    %get3A_432 = arith.constant 0 : index
    %get3A_433 = arith.constant 1024 : index
    %get3A_434 = vector.load %arg10[%get3A_432, %get3A_433] : memref<32x8192xf32, #tpu.memory_space<vmem>>, vector<32x1024xf32>
    %mul3A_435 = arith.mulf %get3A_434, %slice3A_431 : vector<32x1024xf32>
    %swap3A_436 = arith.constant 0 : index
    %swap3A_437 = arith.constant 1024 : index
    %swap3A_438 = vector.load %arg6[%swap3A_436, %swap3A_437] : memref<32x8192xf32, #tpu.memory_space<vmem>>, vector<32x1024xf32>
    tpu.vector_store %arg6[%swap3A_436, %swap3A_437], %slice3A_430 {strides = array<i32>} : memref<32x8192xf32, #tpu.memory_space<vmem>>, vector<32x1024xf32>,
    %dot_general3A_439 = arith.constant dense<0.000000e+00> : vector<32x1024xf32>
    %dot_general3A_440 = tpu.matmul %convert_element_type3A_166, %mul3A_435, %dot_general3A_439 {dimension_numbers = #tpu.dot_dimension_numbers<[1], [0], [0], [1], [0, 0, 1, 1], [], []>, precision = #tpu.contract_precision<fp32>, transpose_lhs_hint = false} : vector<32x32xf32>, vector<32x1024xf32>, vector<32x1024xf32> -> vector<32x1024xf32>
    %div3A_441 = arith.divf %mul3A_435, %dot_general3A_440 : vector<32x1024xf32>
    %swap3A_442 = arith.constant 0 : index
    %swap3A_443 = arith.constant 1024 : index
    %swap3A_444 = vector.load %arg7[%swap3A_442, %swap3A_443] : memref<32x8192xf32, #tpu.memory_space<vmem>>, vector<32x1024xf32>
    tpu.vector_store %arg7[%swap3A_442, %swap3A_443], %div3A_441 {strides = array<i32>} : memref<32x8192xf32, #tpu.memory_space<vmem>>, vector<32x1024xf32>,
    %swap3A_445 = arith.constant 0 : index
    %swap3A_446 = arith.constant 1024 : index
    %swap3A_447 = vector.load %arg8[%swap3A_445, %swap3A_446] : memref<32x8192xf32, #tpu.memory_space<vmem>>, vector<32x1024xf32>
    tpu.vector_store %arg8[%swap3A_445, %swap3A_446], %slice3A_431 {strides = array<i32>} : memref<32x8192xf32, #tpu.memory_space<vmem>>, vector<32x1024xf32>,
    %get3A_448 = arith.constant 0 : index
    %get3A_449 = arith.constant 1024 : index
    %get3A_450 = vector.load %arg6[%get3A_448, %get3A_449] : memref<32x8192xf32, #tpu.memory_space<vmem>>, vector<32x1024xf32>
    %get3A_451 = arith.constant 0 : index
    %get3A_452 = arith.constant 1024 : index
    %get3A_453 = vector.load %arg7[%get3A_451, %get3A_452] : memref<32x8192xf32, #tpu.memory_space<vmem>>, vector<32x1024xf32>
    %concatenate3A_454 = tpu.concatenate %get3A_450, %get3A_453 in 0 : vector<32x1024xf32>, vector<32x1024xf32> -> vector<64x1024xf32>
    %slice3A_455 = vector.extract_strided_slice %concatenate3A_454 {offsets = [0, 0], sizes = [64, 512], strides = [1, 1]} : vector<64x1024xf32> to vector<64x512xf32>
    %dot_general3A_456 = arith.constant dense<0.000000e+00> : vector<64x256xf32>
    %dot_general3A_457 = tpu.matmul %slice3A_455, %convert_element_type3A_75, %dot_general3A_456 {dimension_numbers = #tpu.dot_dimension_numbers<[1], [0], [0], [1], [0, 0, 1, 1], [], []>, precision = #tpu.contract_precision<fp32>, transpose_lhs_hint = false} : vector<64x512xf32>, vector<512x256xf32>, vector<64x256xf32> -> vector<64x256xf32>
    %dot_general3A_458 = arith.constant dense<0.000000e+00> : vector<64x256xf32>
    %dot_general3A_459 = tpu.matmul %slice3A_455, %convert_element_type3A_86, %dot_general3A_458 {dimension_numbers = #tpu.dot_dimension_numbers<[1], [0], [0], [1], [0, 0, 1, 1], [], []>, precision = #tpu.contract_precision<fp32>, transpose_lhs_hint = false} : vector<64x512xf32>, vector<512x256xf32>, vector<64x256xf32> -> vector<64x256xf32>
    %slice3A_460 = vector.extract_strided_slice %concatenate3A_454 {offsets = [0, 512], sizes = [64, 512], strides = [1, 1]} : vector<64x1024xf32> to vector<64x512xf32>
    %dot_general3A_461 = arith.constant dense<0.000000e+00> : vector<64x256xf32>
    %dot_general3A_462 = tpu.matmul %slice3A_460, %convert_element_type3A_75, %dot_general3A_461 {dimension_numbers = #tpu.dot_dimension_numbers<[1], [0], [0], [1], [0, 0, 1, 1], [], []>, precision = #tpu.contract_precision<fp32>, transpose_lhs_hint = false} : vector<64x512xf32>, vector<512x256xf32>, vector<64x256xf32> -> vector<64x256xf32>
    %dot_general3A_463 = arith.constant dense<0.000000e+00> : vector<64x256xf32>
    %dot_general3A_464 = tpu.matmul %slice3A_460, %convert_element_type3A_86, %dot_general3A_463 {dimension_numbers = #tpu.dot_dimension_numbers<[1], [0], [0], [1], [0, 0, 1, 1], [], []>, precision = #tpu.contract_precision<fp32>, transpose_lhs_hint = false} : vector<64x512xf32>, vector<512x256xf32>, vector<64x256xf32> -> vector<64x256xf32>
    %concatenate3A_465 = tpu.concatenate %dot_general3A_457, %dot_general3A_462 in 1 : vector<64x256xf32>, vector<64x256xf32> -> vector<64x512xf32>
    %concatenate3A_466 = tpu.concatenate %dot_general3A_459, %dot_general3A_464 in 1 : vector<64x256xf32>, vector<64x256xf32> -> vector<64x512xf32>
    %concatenate3A_467 = tpu.concatenate %concatenate3A_465, %concatenate3A_466 in 0 : vector<64x512xf32>, vector<64x512xf32> -> vector<128x512xf32>
    %dot_general3A_468 = arith.constant dense<0.000000e+00> : vector<64x512xf32>
    %dot_general3A_469 = tpu.matmul %concatenate3A_271, %concatenate3A_467, %dot_general3A_468 {dimension_numbers = #tpu.dot_dimension_numbers<[1], [0], [0], [1], [0, 0, 1, 1], [], []>, precision = #tpu.contract_precision<fp32>, transpose_lhs_hint = false} : vector<64x128xf32>, vector<128x512xf32>, vector<64x512xf32> -> vector<64x512xf32>
    %slice3A_470 = vector.extract_strided_slice %dot_general3A_469 {offsets = [0, 0], sizes = [32, 512], strides = [1, 1]} : vector<64x512xf32> to vector<32x512xf32>
    %slice3A_471 = vector.extract_strided_slice %dot_general3A_469 {offsets = [32, 0], sizes = [32, 512], strides = [1, 1]} : vector<64x512xf32> to vector<32x512xf32>
    %get3A_472 = arith.constant 0 : index
    %get3A_473 = arith.constant 512 : index
    %get3A_474 = vector.load %arg10[%get3A_472, %get3A_473] : memref<32x8192xf32, #tpu.memory_space<vmem>>, vector<32x512xf32>
    %mul3A_475 = arith.mulf %get3A_474, %slice3A_471 : vector<32x512xf32>
    %swap3A_476 = arith.constant 0 : index
    %swap3A_477 = arith.constant 512 : index
    %swap3A_478 = vector.load %arg6[%swap3A_476, %swap3A_477] : memref<32x8192xf32, #tpu.memory_space<vmem>>, vector<32x512xf32>
    tpu.vector_store %arg6[%swap3A_476, %swap3A_477], %slice3A_470 {strides = array<i32>} : memref<32x8192xf32, #tpu.memory_space<vmem>>, vector<32x512xf32>,
    %dot_general3A_479 = arith.constant dense<0.000000e+00> : vector<32x512xf32>
    %dot_general3A_480 = tpu.matmul %convert_element_type3A_166, %mul3A_475, %dot_general3A_479 {dimension_numbers = #tpu.dot_dimension_numbers<[1], [0], [0], [1], [0, 0, 1, 1], [], []>, precision = #tpu.contract_precision<fp32>, transpose_lhs_hint = false} : vector<32x32xf32>, vector<32x512xf32>, vector<32x512xf32> -> vector<32x512xf32>
    %div3A_481 = arith.divf %mul3A_475, %dot_general3A_480 : vector<32x512xf32>
    %swap3A_482 = arith.constant 0 : index
    %swap3A_483 = arith.constant 512 : index
    %swap3A_484 = vector.load %arg7[%swap3A_482, %swap3A_483] : memref<32x8192xf32, #tpu.memory_space<vmem>>, vector<32x512xf32>
    tpu.vector_store %arg7[%swap3A_482, %swap3A_483], %div3A_481 {strides = array<i32>} : memref<32x8192xf32, #tpu.memory_space<vmem>>, vector<32x512xf32>,
    %swap3A_485 = arith.constant 0 : index
    %swap3A_486 = arith.constant 512 : index
    %swap3A_487 = vector.load %arg8[%swap3A_485, %swap3A_486] : memref<32x8192xf32, #tpu.memory_space<vmem>>, vector<32x512xf32>
    tpu.vector_store %arg8[%swap3A_485, %swap3A_486], %slice3A_471 {strides = array<i32>} : memref<32x8192xf32, #tpu.memory_space<vmem>>, vector<32x512xf32>,
    %get3A_488 = arith.constant 0 : index
    %get3A_489 = arith.constant 512 : index
    %get3A_490 = vector.load %arg6[%get3A_488, %get3A_489] : memref<32x8192xf32, #tpu.memory_space<vmem>>, vector<32x512xf32>
    %get3A_491 = arith.constant 0 : index
    %get3A_492 = arith.constant 512 : index
    %get3A_493 = vector.load %arg7[%get3A_491, %get3A_492] : memref<32x8192xf32, #tpu.memory_space<vmem>>, vector<32x512xf32>
    %concatenate3A_494 = tpu.concatenate %get3A_490, %get3A_493 in 0 : vector<32x512xf32>, vector<32x512xf32> -> vector<64x512xf32>
    %dot_general3A_495 = arith.constant dense<0.000000e+00> : vector<64x256xf32>
    %dot_general3A_496 = tpu.matmul %concatenate3A_494, %convert_element_type3A_75, %dot_general3A_495 {dimension_numbers = #tpu.dot_dimension_numbers<[1], [0], [0], [1], [0, 0, 1, 1], [], []>, precision = #tpu.contract_precision<fp32>, transpose_lhs_hint = false} : vector<64x512xf32>, vector<512x256xf32>, vector<64x256xf32> -> vector<64x256xf32>
    %dot_general3A_497 = arith.constant dense<0.000000e+00> : vector<64x256xf32>
    %dot_general3A_498 = tpu.matmul %concatenate3A_494, %convert_element_type3A_86, %dot_general3A_497 {dimension_numbers = #tpu.dot_dimension_numbers<[1], [0], [0], [1], [0, 0, 1, 1], [], []>, precision = #tpu.contract_precision<fp32>, transpose_lhs_hint = false} : vector<64x512xf32>, vector<512x256xf32>, vector<64x256xf32> -> vector<64x256xf32>
    %concatenate3A_499 = tpu.concatenate %dot_general3A_496, %dot_general3A_498 in 0 : vector<64x256xf32>, vector<64x256xf32> -> vector<128x256xf32>
    %dot_general3A_500 = arith.constant dense<0.000000e+00> : vector<64x256xf32>
    %dot_general3A_501 = tpu.matmul %concatenate3A_271, %concatenate3A_499, %dot_general3A_500 {dimension_numbers = #tpu.dot_dimension_numbers<[1], [0], [0], [1], [0, 0, 1, 1], [], []>, precision = #tpu.contract_precision<fp32>, transpose_lhs_hint = false} : vector<64x128xf32>, vector<128x256xf32>, vector<64x256xf32> -> vector<64x256xf32>
    %slice3A_502 = vector.extract_strided_slice %dot_general3A_501 {offsets = [0, 0], sizes = [32, 256], strides = [1, 1]} : vector<64x256xf32> to vector<32x256xf32>
    %slice3A_503 = vector.extract_strided_slice %dot_general3A_501 {offsets = [32, 0], sizes = [32, 256], strides = [1, 1]} : vector<64x256xf32> to vector<32x256xf32>
    %get3A_504 = arith.constant 0 : index
    %get3A_505 = arith.constant 256 : index
    %get3A_506 = vector.load %arg10[%get3A_504, %get3A_505] : memref<32x8192xf32, #tpu.memory_space<vmem>>, vector<32x256xf32>
    %mul3A_507 = arith.mulf %get3A_506, %slice3A_503 : vector<32x256xf32>
    %swap3A_508 = arith.constant 0 : index
    %swap3A_509 = arith.constant 256 : index
    %swap3A_510 = vector.load %arg6[%swap3A_508, %swap3A_509] : memref<32x8192xf32, #tpu.memory_space<vmem>>, vector<32x256xf32>
    tpu.vector_store %arg6[%swap3A_508, %swap3A_509], %slice3A_502 {strides = array<i32>} : memref<32x8192xf32, #tpu.memory_space<vmem>>, vector<32x256xf32>,
    %dot_general3A_511 = arith.constant dense<0.000000e+00> : vector<32x256xf32>
    %dot_general3A_512 = tpu.matmul %convert_element_type3A_166, %mul3A_507, %dot_general3A_511 {dimension_numbers = #tpu.dot_dimension_numbers<[1], [0], [0], [1], [0, 0, 1, 1], [], []>, precision = #tpu.contract_precision<fp32>, transpose_lhs_hint = false} : vector<32x32xf32>, vector<32x256xf32>, vector<32x256xf32> -> vector<32x256xf32>
    %div3A_513 = arith.divf %mul3A_507, %dot_general3A_512 : vector<32x256xf32>
    %swap3A_514 = arith.constant 0 : index
    %swap3A_515 = arith.constant 256 : index
    %swap3A_516 = vector.load %arg7[%swap3A_514, %swap3A_515] : memref<32x8192xf32, #tpu.memory_space<vmem>>, vector<32x256xf32>
    tpu.vector_store %arg7[%swap3A_514, %swap3A_515], %div3A_513 {strides = array<i32>} : memref<32x8192xf32, #tpu.memory_space<vmem>>, vector<32x256xf32>,
    %swap3A_517 = arith.constant 0 : index
    %swap3A_518 = arith.constant 256 : index
    %swap3A_519 = vector.load %arg8[%swap3A_517, %swap3A_518] : memref<32x8192xf32, #tpu.memory_space<vmem>>, vector<32x256xf32>
    tpu.vector_store %arg8[%swap3A_517, %swap3A_518], %slice3A_503 {strides = array<i32>} : memref<32x8192xf32, #tpu.memory_space<vmem>>, vector<32x256xf32>,
    %get3A_520 = arith.constant 0 : index
    %get3A_521 = arith.constant 256 : index
    %get3A_522 = vector.load %arg6[%get3A_520, %get3A_521] : memref<32x8192xf32, #tpu.memory_space<vmem>>, vector<32x256xf32>
    %get3A_523 = arith.constant 0 : index
    %get3A_524 = arith.constant 256 : index
    %get3A_525 = vector.load %arg7[%get3A_523, %get3A_524] : memref<32x8192xf32, #tpu.memory_space<vmem>>, vector<32x256xf32>
    %concatenate3A_526 = tpu.concatenate %get3A_522, %get3A_525 in 0 : vector<32x256xf32>, vector<32x256xf32> -> vector<64x256xf32>
    %slice3A_527 = vector.extract_strided_slice %convert_element_type3A_75 {offsets = [0, 0], sizes = [256, 128], strides = [1, 1]} : vector<512x256xf32> to vector<256x128xf32>
    %dot_general3A_528 = arith.constant dense<0.000000e+00> : vector<64x128xf32>
    %dot_general3A_529 = tpu.matmul %concatenate3A_526, %slice3A_527, %dot_general3A_528 {dimension_numbers = #tpu.dot_dimension_numbers<[1], [0], [0], [1], [0, 0, 1, 1], [], []>, precision = #tpu.contract_precision<fp32>, transpose_lhs_hint = false} : vector<64x256xf32>, vector<256x128xf32>, vector<64x128xf32> -> vector<64x128xf32>
    %slice3A_530 = vector.extract_strided_slice %convert_element_type3A_86 {offsets = [0, 0], sizes = [256, 128], strides = [1, 1]} : vector<512x256xf32> to vector<256x128xf32>
    %dot_general3A_531 = arith.constant dense<0.000000e+00> : vector<64x128xf32>
    %dot_general3A_532 = tpu.matmul %concatenate3A_526, %slice3A_530, %dot_general3A_531 {dimension_numbers = #tpu.dot_dimension_numbers<[1], [0], [0], [1], [0, 0, 1, 1], [], []>, precision = #tpu.contract_precision<fp32>, transpose_lhs_hint = false} : vector<64x256xf32>, vector<256x128xf32>, vector<64x128xf32> -> vector<64x128xf32>
    %concatenate3A_533 = tpu.concatenate %dot_general3A_529, %dot_general3A_532 in 0 : vector<64x128xf32>, vector<64x128xf32> -> vector<128x128xf32>
    %dot_general3A_534 = arith.constant dense<0.000000e+00> : vector<64x128xf32>
    %dot_general3A_535 = tpu.matmul %concatenate3A_271, %concatenate3A_533, %dot_general3A_534 {dimension_numbers = #tpu.dot_dimension_numbers<[1], [0], [0], [1], [0, 0, 1, 1], [], []>, precision = #tpu.contract_precision<fp32>, transpose_lhs_hint = false} : vector<64x128xf32>, vector<128x128xf32>, vector<64x128xf32> -> vector<64x128xf32>
    %slice3A_536 = vector.extract_strided_slice %dot_general3A_535 {offsets = [0, 0], sizes = [32, 128], strides = [1, 1]} : vector<64x128xf32> to vector<32x128xf32>
    %slice3A_537 = vector.extract_strided_slice %dot_general3A_535 {offsets = [32, 0], sizes = [32, 128], strides = [1, 1]} : vector<64x128xf32> to vector<32x128xf32>
    %get3A_538 = arith.constant 0 : index
    %get3A_539 = arith.constant 128 : index
    %get3A_540 = vector.load %arg10[%get3A_538, %get3A_539] : memref<32x8192xf32, #tpu.memory_space<vmem>>, vector<32x128xf32>
    %mul3A_541 = arith.mulf %get3A_540, %slice3A_537 : vector<32x128xf32>
    %swap3A_542 = arith.constant 0 : index
    %swap3A_543 = arith.constant 128 : index
    %swap3A_544 = vector.load %arg6[%swap3A_542, %swap3A_543] : memref<32x8192xf32, #tpu.memory_space<vmem>>, vector<32x128xf32>
    tpu.vector_store %arg6[%swap3A_542, %swap3A_543], %slice3A_536 {strides = array<i32>} : memref<32x8192xf32, #tpu.memory_space<vmem>>, vector<32x128xf32>,
    %dot_general3A_545 = arith.constant dense<0.000000e+00> : vector<32x128xf32>
    %dot_general3A_546 = tpu.matmul %convert_element_type3A_166, %mul3A_541, %dot_general3A_545 {dimension_numbers = #tpu.dot_dimension_numbers<[1], [0], [0], [1], [0, 0, 1, 1], [], []>, precision = #tpu.contract_precision<fp32>, transpose_lhs_hint = false} : vector<32x32xf32>, vector<32x128xf32>, vector<32x128xf32> -> vector<32x128xf32>
    %div3A_547 = arith.divf %mul3A_541, %dot_general3A_546 : vector<32x128xf32>
    %swap3A_548 = arith.constant 0 : index
    %swap3A_549 = arith.constant 128 : index
    %swap3A_550 = vector.load %arg7[%swap3A_548, %swap3A_549] : memref<32x8192xf32, #tpu.memory_space<vmem>>, vector<32x128xf32>
    tpu.vector_store %arg7[%swap3A_548, %swap3A_549], %div3A_547 {strides = array<i32>} : memref<32x8192xf32, #tpu.memory_space<vmem>>, vector<32x128xf32>,
    %swap3A_551 = arith.constant 0 : index
    %swap3A_552 = arith.constant 128 : index
    %swap3A_553 = vector.load %arg8[%swap3A_551, %swap3A_552] : memref<32x8192xf32, #tpu.memory_space<vmem>>, vector<32x128xf32>
    tpu.vector_store %arg8[%swap3A_551, %swap3A_552], %slice3A_537 {strides = array<i32>} : memref<32x8192xf32, #tpu.memory_space<vmem>>, vector<32x128xf32>,
    %get3A_554 = arith.constant 0 : index
    %get3A_555 = arith.constant 128 : index
    %get3A_556 = vector.load %arg6[%get3A_554, %get3A_555] : memref<32x8192xf32, #tpu.memory_space<vmem>>, vector<32x128xf32>
    %get3A_557 = arith.constant 0 : index
    %get3A_558 = arith.constant 128 : index
    %get3A_559 = vector.load %arg7[%get3A_557, %get3A_558] : memref<32x8192xf32, #tpu.memory_space<vmem>>, vector<32x128xf32>
    %concatenate3A_560 = tpu.concatenate %get3A_556, %get3A_559 in 0 : vector<32x128xf32>, vector<32x128xf32> -> vector<64x128xf32>
    %slice3A_561 = vector.extract_strided_slice %convert_element_type3A_75 {offsets = [0, 0], sizes = [128, 64], strides = [1, 1]} : vector<512x256xf32> to vector<128x64xf32>
    %dot_general3A_562 = arith.constant dense<0.000000e+00> : vector<64x64xf32>
    %dot_general3A_563 = tpu.matmul %concatenate3A_560, %slice3A_561, %dot_general3A_562 {dimension_numbers = #tpu.dot_dimension_numbers<[1], [0], [0], [1], [0, 0, 1, 1], [], []>, precision = #tpu.contract_precision<fp32>, transpose_lhs_hint = false} : vector<64x128xf32>, vector<128x64xf32>, vector<64x64xf32> -> vector<64x64xf32>
    %slice3A_564 = vector.extract_strided_slice %convert_element_type3A_86 {offsets = [0, 0], sizes = [128, 64], strides = [1, 1]} : vector<512x256xf32> to vector<128x64xf32>
    %dot_general3A_565 = arith.constant dense<0.000000e+00> : vector<64x64xf32>
    %dot_general3A_566 = tpu.matmul %concatenate3A_560, %slice3A_564, %dot_general3A_565 {dimension_numbers = #tpu.dot_dimension_numbers<[1], [0], [0], [1], [0, 0, 1, 1], [], []>, precision = #tpu.contract_precision<fp32>, transpose_lhs_hint = false} : vector<64x128xf32>, vector<128x64xf32>, vector<64x64xf32> -> vector<64x64xf32>
    %concatenate3A_567 = tpu.concatenate %dot_general3A_563, %dot_general3A_566 in 0 : vector<64x64xf32>, vector<64x64xf32> -> vector<128x64xf32>
    %dot_general3A_568 = arith.constant dense<0.000000e+00> : vector<64x64xf32>
    %dot_general3A_569 = tpu.matmul %concatenate3A_271, %concatenate3A_567, %dot_general3A_568 {dimension_numbers = #tpu.dot_dimension_numbers<[1], [0], [0], [1], [0, 0, 1, 1], [], []>, precision = #tpu.contract_precision<fp32>, transpose_lhs_hint = false} : vector<64x128xf32>, vector<128x64xf32>, vector<64x64xf32> -> vector<64x64xf32>
    %slice3A_570 = vector.extract_strided_slice %dot_general3A_569 {offsets = [0, 0], sizes = [32, 64], strides = [1, 1]} : vector<64x64xf32> to vector<32x64xf32>
    %slice3A_571 = vector.extract_strided_slice %dot_general3A_569 {offsets = [32, 0], sizes = [32, 64], strides = [1, 1]} : vector<64x64xf32> to vector<32x64xf32>
    %get3A_572 = arith.constant 0 : index
    %get3A_573 = arith.constant 64 : index
    %get3A_574 = vector.load %arg10[%get3A_572, %get3A_573] : memref<32x8192xf32, #tpu.memory_space<vmem>>, vector<32x64xf32>
    %mul3A_575 = arith.mulf %get3A_574, %slice3A_571 : vector<32x64xf32>
    %swap3A_576 = arith.constant 0 : index
    %swap3A_577 = arith.constant 64 : index
    %swap3A_578 = vector.load %arg6[%swap3A_576, %swap3A_577] : memref<32x8192xf32, #tpu.memory_space<vmem>>, vector<32x64xf32>
    tpu.vector_store %arg6[%swap3A_576, %swap3A_577], %slice3A_570 {strides = array<i32>} : memref<32x8192xf32, #tpu.memory_space<vmem>>, vector<32x64xf32>,
    %dot_general3A_579 = arith.constant dense<0.000000e+00> : vector<32x64xf32>
    %dot_general3A_580 = tpu.matmul %convert_element_type3A_166, %mul3A_575, %dot_general3A_579 {dimension_numbers = #tpu.dot_dimension_numbers<[1], [0], [0], [1], [0, 0, 1, 1], [], []>, precision = #tpu.contract_precision<fp32>, transpose_lhs_hint = false} : vector<32x32xf32>, vector<32x64xf32>, vector<32x64xf32> -> vector<32x64xf32>
    %div3A_581 = arith.divf %mul3A_575, %dot_general3A_580 : vector<32x64xf32>
    %swap3A_582 = arith.constant 0 : index
    %swap3A_583 = arith.constant 64 : index
    %swap3A_584 = vector.load %arg7[%swap3A_582, %swap3A_583] : memref<32x8192xf32, #tpu.memory_space<vmem>>, vector<32x64xf32>
    tpu.vector_store %arg7[%swap3A_582, %swap3A_583], %div3A_581 {strides = array<i32>} : memref<32x8192xf32, #tpu.memory_space<vmem>>, vector<32x64xf32>,
    %swap3A_585 = arith.constant 0 : index
    %swap3A_586 = arith.constant 64 : index
    %swap3A_587 = vector.load %arg8[%swap3A_585, %swap3A_586] : memref<32x8192xf32, #tpu.memory_space<vmem>>, vector<32x64xf32>
    tpu.vector_store %arg8[%swap3A_585, %swap3A_586], %slice3A_571 {strides = array<i32>} : memref<32x8192xf32, #tpu.memory_space<vmem>>, vector<32x64xf32>,
    %get3A_588 = arith.constant 0 : index
    %get3A_589 = arith.constant 64 : index
    %get3A_590 = vector.load %arg6[%get3A_588, %get3A_589] : memref<32x8192xf32, #tpu.memory_space<vmem>>, vector<32x64xf32>
    %get3A_591 = arith.constant 0 : index
    %get3A_592 = arith.constant 64 : index
    %get3A_593 = vector.load %arg7[%get3A_591, %get3A_592] : memref<32x8192xf32, #tpu.memory_space<vmem>>, vector<32x64xf32>
    %concatenate3A_594 = tpu.concatenate %get3A_590, %get3A_593 in 0 : vector<32x64xf32>, vector<32x64xf32> -> vector<64x64xf32>
    %slice3A_595 = vector.extract_strided_slice %convert_element_type3A_75 {offsets = [0, 0], sizes = [64, 32], strides = [1, 1]} : vector<512x256xf32> to vector<64x32xf32>
    %dot_general3A_596 = arith.constant dense<0.000000e+00> : vector<64x32xf32>
    %dot_general3A_597 = tpu.matmul %concatenate3A_594, %slice3A_595, %dot_general3A_596 {dimension_numbers = #tpu.dot_dimension_numbers<[1], [0], [0], [1], [0, 0, 1, 1], [], []>, precision = #tpu.contract_precision<fp32>, transpose_lhs_hint = false} : vector<64x64xf32>, vector<64x32xf32>, vector<64x32xf32> -> vector<64x32xf32>
    %slice3A_598 = vector.extract_strided_slice %convert_element_type3A_86 {offsets = [0, 0], sizes = [64, 32], strides = [1, 1]} : vector<512x256xf32> to vector<64x32xf32>
    %dot_general3A_599 = arith.constant dense<0.000000e+00> : vector<64x32xf32>
    %dot_general3A_600 = tpu.matmul %concatenate3A_594, %slice3A_598, %dot_general3A_599 {dimension_numbers = #tpu.dot_dimension_numbers<[1], [0], [0], [1], [0, 0, 1, 1], [], []>, precision = #tpu.contract_precision<fp32>, transpose_lhs_hint = false} : vector<64x64xf32>, vector<64x32xf32>, vector<64x32xf32> -> vector<64x32xf32>
    %concatenate3A_601 = tpu.concatenate %dot_general3A_597, %dot_general3A_600 in 0 : vector<64x32xf32>, vector<64x32xf32> -> vector<128x32xf32>
    %dot_general3A_602 = arith.constant dense<0.000000e+00> : vector<64x32xf32>
    %dot_general3A_603 = tpu.matmul %concatenate3A_271, %concatenate3A_601, %dot_general3A_602 {dimension_numbers = #tpu.dot_dimension_numbers<[1], [0], [0], [1], [0, 0, 1, 1], [], []>, precision = #tpu.contract_precision<fp32>, transpose_lhs_hint = false} : vector<64x128xf32>, vector<128x32xf32>, vector<64x32xf32> -> vector<64x32xf32>
    %slice3A_604 = vector.extract_strided_slice %dot_general3A_603 {offsets = [0, 0], sizes = [32, 32], strides = [1, 1]} : vector<64x32xf32> to vector<32x32xf32>
    %slice3A_605 = vector.extract_strided_slice %dot_general3A_603 {offsets = [32, 0], sizes = [32, 32], strides = [1, 1]} : vector<64x32xf32> to vector<32x32xf32>
    %get3A_606 = arith.constant 0 : index
    %get3A_607 = arith.constant 32 : index
    %get3A_608 = vector.load %arg10[%get3A_606, %get3A_607] : memref<32x8192xf32, #tpu.memory_space<vmem>>, vector<32x32xf32>
    %mul3A_609 = arith.mulf %get3A_608, %slice3A_605 : vector<32x32xf32>
    %swap3A_610 = arith.constant 0 : index
    %swap3A_611 = arith.constant 32 : index
    %swap3A_612 = vector.load %arg6[%swap3A_610, %swap3A_611] : memref<32x8192xf32, #tpu.memory_space<vmem>>, vector<32x32xf32>
    tpu.vector_store %arg6[%swap3A_610, %swap3A_611], %slice3A_604 {strides = array<i32>} : memref<32x8192xf32, #tpu.memory_space<vmem>>, vector<32x32xf32>,
    %dot_general3A_613 = arith.constant dense<0.000000e+00> : vector<32x32xf32>
    %dot_general3A_614 = tpu.matmul %convert_element_type3A_166, %mul3A_609, %dot_general3A_613 {dimension_numbers = #tpu.dot_dimension_numbers<[1], [0], [0], [1], [0, 0, 1, 1], [], []>, precision = #tpu.contract_precision<fp32>, transpose_lhs_hint = false} : vector<32x32xf32>, vector<32x32xf32>, vector<32x32xf32> -> vector<32x32xf32>
    %div3A_615 = arith.divf %mul3A_609, %dot_general3A_614 : vector<32x32xf32>
    %swap3A_616 = arith.constant 0 : index
    %swap3A_617 = arith.constant 32 : index
    %swap3A_618 = vector.load %arg7[%swap3A_616, %swap3A_617] : memref<32x8192xf32, #tpu.memory_space<vmem>>, vector<32x32xf32>
    tpu.vector_store %arg7[%swap3A_616, %swap3A_617], %div3A_615 {strides = array<i32>} : memref<32x8192xf32, #tpu.memory_space<vmem>>, vector<32x32xf32>,
    %swap3A_619 = arith.constant 0 : index
    %swap3A_620 = arith.constant 32 : index
    %swap3A_621 = vector.load %arg8[%swap3A_619, %swap3A_620] : memref<32x8192xf32, #tpu.memory_space<vmem>>, vector<32x32xf32>
    tpu.vector_store %arg8[%swap3A_619, %swap3A_620], %slice3A_605 {strides = array<i32>} : memref<32x8192xf32, #tpu.memory_space<vmem>>, vector<32x32xf32>,
    %get3A_622 = arith.constant 0 : index
    %get3A_623 = arith.constant 32 : index
    %get3A_624 = vector.load %arg6[%get3A_622, %get3A_623] : memref<32x8192xf32, #tpu.memory_space<vmem>>, vector<32x32xf32>
    %get3A_625 = arith.constant 0 : index
    %get3A_626 = arith.constant 32 : index
    %get3A_627 = vector.load %arg7[%get3A_625, %get3A_626] : memref<32x8192xf32, #tpu.memory_space<vmem>>, vector<32x32xf32>
    %concatenate3A_628 = tpu.concatenate %get3A_624, %get3A_627 in 0 : vector<32x32xf32>, vector<32x32xf32> -> vector<64x32xf32>
    %slice3A_629 = vector.extract_strided_slice %convert_element_type3A_75 {offsets = [0, 0], sizes = [32, 16], strides = [1, 1]} : vector<512x256xf32> to vector<32x16xf32>
    %dot_general3A_630 = arith.constant dense<0.000000e+00> : vector<64x16xf32>
    %dot_general3A_631 = tpu.matmul %concatenate3A_628, %slice3A_629, %dot_general3A_630 {dimension_numbers = #tpu.dot_dimension_numbers<[1], [0], [0], [1], [0, 0, 1, 1], [], []>, precision = #tpu.contract_precision<fp32>, transpose_lhs_hint = false} : vector<64x32xf32>, vector<32x16xf32>, vector<64x16xf32> -> vector<64x16xf32>
    %slice3A_632 = vector.extract_strided_slice %convert_element_type3A_86 {offsets = [0, 0], sizes = [32, 16], strides = [1, 1]} : vector<512x256xf32> to vector<32x16xf32>
    %dot_general3A_633 = arith.constant dense<0.000000e+00> : vector<64x16xf32>
    %dot_general3A_634 = tpu.matmul %concatenate3A_628, %slice3A_632, %dot_general3A_633 {dimension_numbers = #tpu.dot_dimension_numbers<[1], [0], [0], [1], [0, 0, 1, 1], [], []>, precision = #tpu.contract_precision<fp32>, transpose_lhs_hint = false} : vector<64x32xf32>, vector<32x16xf32>, vector<64x16xf32> -> vector<64x16xf32>
    %concatenate3A_635 = tpu.concatenate %dot_general3A_631, %dot_general3A_634 in 0 : vector<64x16xf32>, vector<64x16xf32> -> vector<128x16xf32>
    %dot_general3A_636 = arith.constant dense<0.000000e+00> : vector<64x16xf32>
    %dot_general3A_637 = tpu.matmul %concatenate3A_271, %concatenate3A_635, %dot_general3A_636 {dimension_numbers = #tpu.dot_dimension_numbers<[1], [0], [0], [1], [0, 0, 1, 1], [], []>, precision = #tpu.contract_precision<fp32>, transpose_lhs_hint = false} : vector<64x128xf32>, vector<128x16xf32>, vector<64x16xf32> -> vector<64x16xf32>
    %slice3A_638 = vector.extract_strided_slice %dot_general3A_637 {offsets = [0, 0], sizes = [32, 16], strides = [1, 1]} : vector<64x16xf32> to vector<32x16xf32>
    %slice3A_639 = vector.extract_strided_slice %dot_general3A_637 {offsets = [32, 0], sizes = [32, 16], strides = [1, 1]} : vector<64x16xf32> to vector<32x16xf32>
    %get3A_640 = arith.constant 0 : index
    %get3A_641 = arith.constant 16 : index
    %get3A_642 = vector.load %arg10[%get3A_640, %get3A_641] : memref<32x8192xf32, #tpu.memory_space<vmem>>, vector<32x16xf32>
    %mul3A_643 = arith.mulf %get3A_642, %slice3A_639 : vector<32x16xf32>
    %swap3A_644 = arith.constant 0 : index
    %swap3A_645 = arith.constant 16 : index
    %swap3A_646 = vector.load %arg6[%swap3A_644, %swap3A_645] : memref<32x8192xf32, #tpu.memory_space<vmem>>, vector<32x16xf32>
    tpu.vector_store %arg6[%swap3A_644, %swap3A_645], %slice3A_638 {strides = array<i32>} : memref<32x8192xf32, #tpu.memory_space<vmem>>, vector<32x16xf32>,
    %dot_general3A_647 = arith.constant dense<0.000000e+00> : vector<32x16xf32>
    %dot_general3A_648 = tpu.matmul %convert_element_type3A_166, %mul3A_643, %dot_general3A_647 {dimension_numbers = #tpu.dot_dimension_numbers<[1], [0], [0], [1], [0, 0, 1, 1], [], []>, precision = #tpu.contract_precision<fp32>, transpose_lhs_hint = false} : vector<32x32xf32>, vector<32x16xf32>, vector<32x16xf32> -> vector<32x16xf32>
    %div3A_649 = arith.divf %mul3A_643, %dot_general3A_648 : vector<32x16xf32>
    %swap3A_650 = arith.constant 0 : index
    %swap3A_651 = arith.constant 16 : index
    %swap3A_652 = vector.load %arg7[%swap3A_650, %swap3A_651] : memref<32x8192xf32, #tpu.memory_space<vmem>>, vector<32x16xf32>
    tpu.vector_store %arg7[%swap3A_650, %swap3A_651], %div3A_649 {strides = array<i32>} : memref<32x8192xf32, #tpu.memory_space<vmem>>, vector<32x16xf32>,
    %swap3A_653 = arith.constant 0 : index
    %swap3A_654 = arith.constant 16 : index
    %swap3A_655 = vector.load %arg8[%swap3A_653, %swap3A_654] : memref<32x8192xf32, #tpu.memory_space<vmem>>, vector<32x16xf32>
    tpu.vector_store %arg8[%swap3A_653, %swap3A_654], %slice3A_639 {strides = array<i32>} : memref<32x8192xf32, #tpu.memory_space<vmem>>, vector<32x16xf32>,
    %get3A_656 = arith.constant 0 : index
    %get3A_657 = arith.constant 16 : index
    %get3A_658 = vector.load %arg6[%get3A_656, %get3A_657] : memref<32x8192xf32, #tpu.memory_space<vmem>>, vector<32x16xf32>
    %get3A_659 = arith.constant 0 : index
    %get3A_660 = arith.constant 16 : index
    %get3A_661 = vector.load %arg7[%get3A_659, %get3A_660] : memref<32x8192xf32, #tpu.memory_space<vmem>>, vector<32x16xf32>
    %concatenate3A_662 = tpu.concatenate %get3A_658, %get3A_661 in 0 : vector<32x16xf32>, vector<32x16xf32> -> vector<64x16xf32>
    %slice3A_663 = vector.extract_strided_slice %convert_element_type3A_75 {offsets = [0, 0], sizes = [16, 8], strides = [1, 1]} : vector<512x256xf32> to vector<16x8xf32>
    %dot_general3A_664 = arith.constant dense<0.000000e+00> : vector<64x8xf32>
    %dot_general3A_665 = tpu.matmul %concatenate3A_662, %slice3A_663, %dot_general3A_664 {dimension_numbers = #tpu.dot_dimension_numbers<[1], [0], [0], [1], [0, 0, 1, 1], [], []>, precision = #tpu.contract_precision<fp32>, transpose_lhs_hint = false} : vector<64x16xf32>, vector<16x8xf32>, vector<64x8xf32> -> vector<64x8xf32>
    %slice3A_666 = vector.extract_strided_slice %convert_element_type3A_86 {offsets = [0, 0], sizes = [16, 8], strides = [1, 1]} : vector<512x256xf32> to vector<16x8xf32>
    %dot_general3A_667 = arith.constant dense<0.000000e+00> : vector<64x8xf32>
    %dot_general3A_668 = tpu.matmul %concatenate3A_662, %slice3A_666, %dot_general3A_667 {dimension_numbers = #tpu.dot_dimension_numbers<[1], [0], [0], [1], [0, 0, 1, 1], [], []>, precision = #tpu.contract_precision<fp32>, transpose_lhs_hint = false} : vector<64x16xf32>, vector<16x8xf32>, vector<64x8xf32> -> vector<64x8xf32>
    %concatenate3A_669 = tpu.concatenate %dot_general3A_665, %dot_general3A_668 in 0 : vector<64x8xf32>, vector<64x8xf32> -> vector<128x8xf32>
    %dot_general3A_670 = arith.constant dense<0.000000e+00> : vector<64x8xf32>
    %dot_general3A_671 = tpu.matmul %concatenate3A_271, %concatenate3A_669, %dot_general3A_670 {dimension_numbers = #tpu.dot_dimension_numbers<[1], [0], [0], [1], [0, 0, 1, 1], [], []>, precision = #tpu.contract_precision<fp32>, transpose_lhs_hint = false} : vector<64x128xf32>, vector<128x8xf32>, vector<64x8xf32> -> vector<64x8xf32>
    %slice3A_672 = vector.extract_strided_slice %dot_general3A_671 {offsets = [0, 0], sizes = [32, 8], strides = [1, 1]} : vector<64x8xf32> to vector<32x8xf32>
    %slice3A_673 = vector.extract_strided_slice %dot_general3A_671 {offsets = [32, 0], sizes = [32, 8], strides = [1, 1]} : vector<64x8xf32> to vector<32x8xf32>
    %get3A_674 = arith.constant 0 : index
    %get3A_675 = arith.constant 8 : index
    %get3A_676 = vector.load %arg10[%get3A_674, %get3A_675] : memref<32x8192xf32, #tpu.memory_space<vmem>>, vector<32x8xf32>
    %mul3A_677 = arith.mulf %get3A_676, %slice3A_673 : vector<32x8xf32>
    %swap3A_678 = arith.constant 0 : index
    %swap3A_679 = arith.constant 8 : index
    %swap3A_680 = vector.load %arg6[%swap3A_678, %swap3A_679] : memref<32x8192xf32, #tpu.memory_space<vmem>>, vector<32x8xf32>
    tpu.vector_store %arg6[%swap3A_678, %swap3A_679], %slice3A_672 {strides = array<i32>} : memref<32x8192xf32, #tpu.memory_space<vmem>>, vector<32x8xf32>,
    %dot_general3A_681 = arith.constant dense<0.000000e+00> : vector<32x8xf32>
    %dot_general3A_682 = tpu.matmul %convert_element_type3A_166, %mul3A_677, %dot_general3A_681 {dimension_numbers = #tpu.dot_dimension_numbers<[1], [0], [0], [1], [0, 0, 1, 1], [], []>, precision = #tpu.contract_precision<fp32>, transpose_lhs_hint = false} : vector<32x32xf32>, vector<32x8xf32>, vector<32x8xf32> -> vector<32x8xf32>
    %div3A_683 = arith.divf %mul3A_677, %dot_general3A_682 : vector<32x8xf32>
    %swap3A_684 = arith.constant 0 : index
    %swap3A_685 = arith.constant 8 : index
    %swap3A_686 = vector.load %arg7[%swap3A_684, %swap3A_685] : memref<32x8192xf32, #tpu.memory_space<vmem>>, vector<32x8xf32>
    tpu.vector_store %arg7[%swap3A_684, %swap3A_685], %div3A_683 {strides = array<i32>} : memref<32x8192xf32, #tpu.memory_space<vmem>>, vector<32x8xf32>,
    %swap3A_687 = arith.constant 0 : index
    %swap3A_688 = arith.constant 8 : index
    %swap3A_689 = vector.load %arg8[%swap3A_687, %swap3A_688] : memref<32x8192xf32, #tpu.memory_space<vmem>>, vector<32x8xf32>
    tpu.vector_store %arg8[%swap3A_687, %swap3A_688], %slice3A_673 {strides = array<i32>} : memref<32x8192xf32, #tpu.memory_space<vmem>>, vector<32x8xf32>,
    %get3A_690 = arith.constant 0 : index
    %get3A_691 = arith.constant 8 : index
    %get3A_692 = vector.load %arg6[%get3A_690, %get3A_691] : memref<32x8192xf32, #tpu.memory_space<vmem>>, vector<32x8xf32>
    %get3A_693 = arith.constant 0 : index
    %get3A_694 = arith.constant 8 : index
    %get3A_695 = vector.load %arg7[%get3A_693, %get3A_694] : memref<32x8192xf32, #tpu.memory_space<vmem>>, vector<32x8xf32>
    %concatenate3A_696 = tpu.concatenate %get3A_692, %get3A_695 in 0 : vector<32x8xf32>, vector<32x8xf32> -> vector<64x8xf32>
    %slice3A_697 = vector.extract_strided_slice %convert_element_type3A_75 {offsets = [0, 0], sizes = [8, 4], strides = [1, 1]} : vector<512x256xf32> to vector<8x4xf32>
    %dot_general3A_698 = arith.constant dense<0.000000e+00> : vector<64x4xf32>
    %dot_general3A_699 = tpu.matmul %concatenate3A_696, %slice3A_697, %dot_general3A_698 {dimension_numbers = #tpu.dot_dimension_numbers<[1], [0], [0], [1], [0, 0, 1, 1], [], []>, precision = #tpu.contract_precision<fp32>, transpose_lhs_hint = false} : vector<64x8xf32>, vector<8x4xf32>, vector<64x4xf32> -> vector<64x4xf32>
    %slice3A_700 = vector.extract_strided_slice %convert_element_type3A_86 {offsets = [0, 0], sizes = [8, 4], strides = [1, 1]} : vector<512x256xf32> to vector<8x4xf32>
    %dot_general3A_701 = arith.constant dense<0.000000e+00> : vector<64x4xf32>
    %dot_general3A_702 = tpu.matmul %concatenate3A_696, %slice3A_700, %dot_general3A_701 {dimension_numbers = #tpu.dot_dimension_numbers<[1], [0], [0], [1], [0, 0, 1, 1], [], []>, precision = #tpu.contract_precision<fp32>, transpose_lhs_hint = false} : vector<64x8xf32>, vector<8x4xf32>, vector<64x4xf32> -> vector<64x4xf32>
    %concatenate3A_703 = tpu.concatenate %dot_general3A_699, %dot_general3A_702 in 0 : vector<64x4xf32>, vector<64x4xf32> -> vector<128x4xf32>
    %dot_general3A_704 = arith.constant dense<0.000000e+00> : vector<64x4xf32>
    %dot_general3A_705 = tpu.matmul %concatenate3A_271, %concatenate3A_703, %dot_general3A_704 {dimension_numbers = #tpu.dot_dimension_numbers<[1], [0], [0], [1], [0, 0, 1, 1], [], []>, precision = #tpu.contract_precision<fp32>, transpose_lhs_hint = false} : vector<64x128xf32>, vector<128x4xf32>, vector<64x4xf32> -> vector<64x4xf32>
    %slice3A_706 = vector.extract_strided_slice %dot_general3A_705 {offsets = [0, 0], sizes = [32, 4], strides = [1, 1]} : vector<64x4xf32> to vector<32x4xf32>
    %slice3A_707 = vector.extract_strided_slice %dot_general3A_705 {offsets = [32, 0], sizes = [32, 4], strides = [1, 1]} : vector<64x4xf32> to vector<32x4xf32>
    %get3A_708 = arith.constant 0 : index
    %get3A_709 = arith.constant 4 : index
    %get3A_710 = vector.load %arg10[%get3A_708, %get3A_709] : memref<32x8192xf32, #tpu.memory_space<vmem>>, vector<32x4xf32>
    %mul3A_711 = arith.mulf %get3A_710, %slice3A_707 : vector<32x4xf32>
    %swap3A_712 = arith.constant 0 : index
    %swap3A_713 = arith.constant 4 : index
    %swap3A_714 = vector.load %arg6[%swap3A_712, %swap3A_713] : memref<32x8192xf32, #tpu.memory_space<vmem>>, vector<32x4xf32>
    tpu.vector_store %arg6[%swap3A_712, %swap3A_713], %slice3A_706 {strides = array<i32>} : memref<32x8192xf32, #tpu.memory_space<vmem>>, vector<32x4xf32>,
    %dot_general3A_715 = arith.constant dense<0.000000e+00> : vector<32x4xf32>
    %dot_general3A_716 = tpu.matmul %convert_element_type3A_166, %mul3A_711, %dot_general3A_715 {dimension_numbers = #tpu.dot_dimension_numbers<[1], [0], [0], [1], [0, 0, 1, 1], [], []>, precision = #tpu.contract_precision<fp32>, transpose_lhs_hint = false} : vector<32x32xf32>, vector<32x4xf32>, vector<32x4xf32> -> vector<32x4xf32>
    %div3A_717 = arith.divf %mul3A_711, %dot_general3A_716 : vector<32x4xf32>
    %swap3A_718 = arith.constant 0 : index
    %swap3A_719 = arith.constant 4 : index
    %swap3A_720 = vector.load %arg7[%swap3A_718, %swap3A_719] : memref<32x8192xf32, #tpu.memory_space<vmem>>, vector<32x4xf32>
    tpu.vector_store %arg7[%swap3A_718, %swap3A_719], %div3A_717 {strides = array<i32>} : memref<32x8192xf32, #tpu.memory_space<vmem>>, vector<32x4xf32>,
    %swap3A_721 = arith.constant 0 : index
    %swap3A_722 = arith.constant 4 : index
    %swap3A_723 = vector.load %arg8[%swap3A_721, %swap3A_722] : memref<32x8192xf32, #tpu.memory_space<vmem>>, vector<32x4xf32>
    tpu.vector_store %arg8[%swap3A_721, %swap3A_722], %slice3A_707 {strides = array<i32>} : memref<32x8192xf32, #tpu.memory_space<vmem>>, vector<32x4xf32>,
    %get3A_724 = arith.constant 0 : index
    %get3A_725 = arith.constant 4 : index
    %get3A_726 = vector.load %arg6[%get3A_724, %get3A_725] : memref<32x8192xf32, #tpu.memory_space<vmem>>, vector<32x4xf32>
    %get3A_727 = arith.constant 0 : index
    %get3A_728 = arith.constant 4 : index
    %get3A_729 = vector.load %arg7[%get3A_727, %get3A_728] : memref<32x8192xf32, #tpu.memory_space<vmem>>, vector<32x4xf32>
    %concatenate3A_730 = tpu.concatenate %get3A_726, %get3A_729 in 0 : vector<32x4xf32>, vector<32x4xf32> -> vector<64x4xf32>
    %slice3A_731 = vector.extract_strided_slice %convert_element_type3A_75 {offsets = [0, 0], sizes = [4, 2], strides = [1, 1]} : vector<512x256xf32> to vector<4x2xf32>
    %dot_general3A_732 = arith.constant dense<0.000000e+00> : vector<64x2xf32>
    %dot_general3A_733 = tpu.matmul %concatenate3A_730, %slice3A_731, %dot_general3A_732 {dimension_numbers = #tpu.dot_dimension_numbers<[1], [0], [0], [1], [0, 0, 1, 1], [], []>, precision = #tpu.contract_precision<fp32>, transpose_lhs_hint = false} : vector<64x4xf32>, vector<4x2xf32>, vector<64x2xf32> -> vector<64x2xf32>
    %slice3A_734 = vector.extract_strided_slice %convert_element_type3A_86 {offsets = [0, 0], sizes = [4, 2], strides = [1, 1]} : vector<512x256xf32> to vector<4x2xf32>
    %dot_general3A_735 = arith.constant dense<0.000000e+00> : vector<64x2xf32>
    %dot_general3A_736 = tpu.matmul %concatenate3A_730, %slice3A_734, %dot_general3A_735 {dimension_numbers = #tpu.dot_dimension_numbers<[1], [0], [0], [1], [0, 0, 1, 1], [], []>, precision = #tpu.contract_precision<fp32>, transpose_lhs_hint = false} : vector<64x4xf32>, vector<4x2xf32>, vector<64x2xf32> -> vector<64x2xf32>
    %concatenate3A_737 = tpu.concatenate %dot_general3A_733, %dot_general3A_736 in 0 : vector<64x2xf32>, vector<64x2xf32> -> vector<128x2xf32>
    %dot_general3A_738 = arith.constant dense<0.000000e+00> : vector<64x2xf32>
    %dot_general3A_739 = tpu.matmul %concatenate3A_271, %concatenate3A_737, %dot_general3A_738 {dimension_numbers = #tpu.dot_dimension_numbers<[1], [0], [0], [1], [0, 0, 1, 1], [], []>, precision = #tpu.contract_precision<fp32>, transpose_lhs_hint = false} : vector<64x128xf32>, vector<128x2xf32>, vector<64x2xf32> -> vector<64x2xf32>
    %slice3A_740 = vector.extract_strided_slice %dot_general3A_739 {offsets = [0, 0], sizes = [32, 2], strides = [1, 1]} : vector<64x2xf32> to vector<32x2xf32>
    %slice3A_741 = vector.extract_strided_slice %dot_general3A_739 {offsets = [32, 0], sizes = [32, 2], strides = [1, 1]} : vector<64x2xf32> to vector<32x2xf32>
    %get3A_742 = arith.constant 0 : index
    %get3A_743 = arith.constant 2 : index
    %get3A_744 = vector.load %arg10[%get3A_742, %get3A_743] : memref<32x8192xf32, #tpu.memory_space<vmem>>, vector<32x2xf32>
    %mul3A_745 = arith.mulf %get3A_744, %slice3A_741 : vector<32x2xf32>
    %swap3A_746 = arith.constant 0 : index
    %swap3A_747 = arith.constant 2 : index
    %swap3A_748 = vector.load %arg6[%swap3A_746, %swap3A_747] : memref<32x8192xf32, #tpu.memory_space<vmem>>, vector<32x2xf32>
    tpu.vector_store %arg6[%swap3A_746, %swap3A_747], %slice3A_740 {strides = array<i32>} : memref<32x8192xf32, #tpu.memory_space<vmem>>, vector<32x2xf32>,
    %dot_general3A_749 = arith.constant dense<0.000000e+00> : vector<32x2xf32>
    %dot_general3A_750 = tpu.matmul %convert_element_type3A_166, %mul3A_745, %dot_general3A_749 {dimension_numbers = #tpu.dot_dimension_numbers<[1], [0], [0], [1], [0, 0, 1, 1], [], []>, precision = #tpu.contract_precision<fp32>, transpose_lhs_hint = false} : vector<32x32xf32>, vector<32x2xf32>, vector<32x2xf32> -> vector<32x2xf32>
    %div3A_751 = arith.divf %mul3A_745, %dot_general3A_750 : vector<32x2xf32>
    %swap3A_752 = arith.constant 0 : index
    %swap3A_753 = arith.constant 2 : index
    %swap3A_754 = vector.load %arg7[%swap3A_752, %swap3A_753] : memref<32x8192xf32, #tpu.memory_space<vmem>>, vector<32x2xf32>
    tpu.vector_store %arg7[%swap3A_752, %swap3A_753], %div3A_751 {strides = array<i32>} : memref<32x8192xf32, #tpu.memory_space<vmem>>, vector<32x2xf32>,
    %swap3A_755 = arith.constant 0 : index
    %swap3A_756 = arith.constant 2 : index
    %swap3A_757 = vector.load %arg8[%swap3A_755, %swap3A_756] : memref<32x8192xf32, #tpu.memory_space<vmem>>, vector<32x2xf32>
    tpu.vector_store %arg8[%swap3A_755, %swap3A_756], %slice3A_741 {strides = array<i32>} : memref<32x8192xf32, #tpu.memory_space<vmem>>, vector<32x2xf32>,
    %get3A_758 = arith.constant 0 : index
    %get3A_759 = arith.constant 2 : index
    %get3A_760 = vector.load %arg6[%get3A_758, %get3A_759] : memref<32x8192xf32, #tpu.memory_space<vmem>>, vector<32x2xf32>
    %get3A_761 = arith.constant 0 : index
    %get3A_762 = arith.constant 2 : index
    %get3A_763 = vector.load %arg7[%get3A_761, %get3A_762] : memref<32x8192xf32, #tpu.memory_space<vmem>>, vector<32x2xf32>
    %concatenate3A_764 = tpu.concatenate %get3A_760, %get3A_763 in 0 : vector<32x2xf32>, vector<32x2xf32> -> vector<64x2xf32>
    %slice3A_765 = vector.extract_strided_slice %convert_element_type3A_75 {offsets = [0, 0], sizes = [2, 1], strides = [1, 1]} : vector<512x256xf32> to vector<2x1xf32>
    %dot_general3A_766 = arith.constant dense<0.000000e+00> : vector<64x1xf32>
    %dot_general3A_767 = tpu.matmul %concatenate3A_764, %slice3A_765, %dot_general3A_766 {dimension_numbers = #tpu.dot_dimension_numbers<[1], [0], [0], [1], [0, 0, 1, 1], [], []>, precision = #tpu.contract_precision<fp32>, transpose_lhs_hint = false} : vector<64x2xf32>, vector<2x1xf32>, vector<64x1xf32> -> vector<64x1xf32>
    %slice3A_768 = vector.extract_strided_slice %convert_element_type3A_86 {offsets = [0, 0], sizes = [2, 1], strides = [1, 1]} : vector<512x256xf32> to vector<2x1xf32>
    %dot_general3A_769 = arith.constant dense<0.000000e+00> : vector<64x1xf32>
    %dot_general3A_770 = tpu.matmul %concatenate3A_764, %slice3A_768, %dot_general3A_769 {dimension_numbers = #tpu.dot_dimension_numbers<[1], [0], [0], [1], [0, 0, 1, 1], [], []>, precision = #tpu.contract_precision<fp32>, transpose_lhs_hint = false} : vector<64x2xf32>, vector<2x1xf32>, vector<64x1xf32> -> vector<64x1xf32>
    %concatenate3A_771 = tpu.concatenate %dot_general3A_767, %dot_general3A_770 in 0 : vector<64x1xf32>, vector<64x1xf32> -> vector<128x1xf32>
    %dot_general3A_772 = arith.constant dense<0.000000e+00> : vector<64x1xf32>
    %dot_general3A_773 = tpu.matmul %concatenate3A_271, %concatenate3A_771, %dot_general3A_772 {dimension_numbers = #tpu.dot_dimension_numbers<[1], [0], [0], [1], [0, 0, 1, 1], [], []>, precision = #tpu.contract_precision<fp32>, transpose_lhs_hint = false} : vector<64x128xf32>, vector<128x1xf32>, vector<64x1xf32> -> vector<64x1xf32>
    %slice3A_774 = vector.extract_strided_slice %dot_general3A_773 {offsets = [0, 0], sizes = [32, 1], strides = [1, 1]} : vector<64x1xf32> to vector<32x1xf32>
    %slice3A_775 = vector.extract_strided_slice %dot_general3A_773 {offsets = [32, 0], sizes = [32, 1], strides = [1, 1]} : vector<64x1xf32> to vector<32x1xf32>
    %get3A_776 = arith.constant 0 : index
    %get3A_777 = arith.constant 1 : index
    %get3A_778 = vector.load %arg10[%get3A_776, %get3A_777] : memref<32x8192xf32, #tpu.memory_space<vmem>>, vector<32x1xf32>
    %mul3A_779 = arith.mulf %get3A_778, %slice3A_775 : vector<32x1xf32>
    %swap3A_780 = arith.constant 0 : index
    %swap3A_781 = arith.constant 1 : index
    %swap3A_782 = vector.load %arg6[%swap3A_780, %swap3A_781] : memref<32x8192xf32, #tpu.memory_space<vmem>>, vector<32x1xf32>
    tpu.vector_store %arg6[%swap3A_780, %swap3A_781], %slice3A_774 {strides = array<i32>} : memref<32x8192xf32, #tpu.memory_space<vmem>>, vector<32x1xf32>,
    %dot_general3A_783 = arith.constant dense<0.000000e+00> : vector<32x1xf32>
    %dot_general3A_784 = tpu.matmul %convert_element_type3A_166, %mul3A_779, %dot_general3A_783 {dimension_numbers = #tpu.dot_dimension_numbers<[1], [0], [0], [1], [0, 0, 1, 1], [], []>, precision = #tpu.contract_precision<fp32>, transpose_lhs_hint = false} : vector<32x32xf32>, vector<32x1xf32>, vector<32x1xf32> -> vector<32x1xf32>
    %div3A_785 = arith.divf %mul3A_779, %dot_general3A_784 : vector<32x1xf32>
    %swap3A_786 = arith.constant 0 : index
    %swap3A_787 = arith.constant 1 : index
    %swap3A_788 = vector.load %arg7[%swap3A_786, %swap3A_787] : memref<32x8192xf32, #tpu.memory_space<vmem>>, vector<32x1xf32>
    tpu.vector_store %arg7[%swap3A_786, %swap3A_787], %div3A_785 {strides = array<i32>} : memref<32x8192xf32, #tpu.memory_space<vmem>>, vector<32x1xf32>,
    %swap3A_789 = arith.constant 0 : index
    %swap3A_790 = arith.constant 1 : index
    %swap3A_791 = vector.load %arg8[%swap3A_789, %swap3A_790] : memref<32x8192xf32, #tpu.memory_space<vmem>>, vector<32x1xf32>
    tpu.vector_store %arg8[%swap3A_789, %swap3A_790], %slice3A_775 {strides = array<i32>} : memref<32x8192xf32, #tpu.memory_space<vmem>>, vector<32x1xf32>,
    %broadcast_in_dim3A_792 = arith.constant 0.000000e+00 : f32
    %broadcast_in_dim3A_793 = vector.broadcast %broadcast_in_dim3A_792 : f32 to vector<32x1xf32>
    %swap3A_794 = arith.constant 0 : index
    %swap3A_795 = arith.constant 0 : index
    %swap3A_796 = vector.load %arg9[%swap3A_794, %swap3A_795] : memref<32x8192xf32, #tpu.memory_space<vmem>>, vector<32x1xf32>
    tpu.vector_store %arg9[%swap3A_794, %swap3A_795], %broadcast_in_dim3A_793 {strides = array<i32>} : memref<32x8192xf32, #tpu.memory_space<vmem>>, vector<32x1xf32>,
    %get3A_797 = arith.constant 0 : index
    %get3A_798 = arith.constant 1 : index
    %get3A_799 = vector.load %arg7[%get3A_797, %get3A_798] : memref<32x8192xf32, #tpu.memory_space<vmem>>, vector<32x1xf32>
    %swap3A_800 = arith.constant 0 : index
    %swap3A_801 = arith.constant 1 : index
    %swap3A_802 = vector.load %arg9[%swap3A_800, %swap3A_801] : memref<32x8192xf32, #tpu.memory_space<vmem>>, vector<32x1xf32>
    tpu.vector_store %arg9[%swap3A_800, %swap3A_801], %get3A_799 {strides = array<i32>} : memref<32x8192xf32, #tpu.memory_space<vmem>>, vector<32x1xf32>,
    %broadcast_in_dim3A_803 = arith.constant 0.000000e+00 : f32
    %broadcast_in_dim3A_804 = vector.broadcast %broadcast_in_dim3A_803 : f32 to vector<32x64xf32>
    %get3A_805 = arith.constant 0 : index
    %get3A_806 = arith.constant 1 : index
    %get3A_807 = vector.load %arg9[%get3A_805, %get3A_806] : memref<32x8192xf32, #tpu.memory_space<vmem>>, vector<32x1xf32>
    %get3A_808 = arith.constant 0 : index
    %get3A_809 = arith.constant 1 : index
    %get3A_810 = vector.load %arg8[%get3A_808, %get3A_809] : memref<32x8192xf32, #tpu.memory_space<vmem>>, vector<32x1xf32>
    %div3A_811 = arith.divf %get3A_807, %get3A_810 : vector<32x1xf32>
    %get3A_812 = arith.constant 0 : index
    %get3A_813 = arith.constant 2 : index
    %get3A_814 = vector.load %arg7[%get3A_812, %get3A_813] : memref<32x8192xf32, #tpu.memory_space<vmem>>, vector<32x2xf32>
    %slice3A_815 = vector.extract_strided_slice %convert_element_type3A_75 {offsets = [0, 0], sizes = [2, 1], strides = [1, 1]} : vector<512x256xf32> to vector<2x1xf32>
    %dot_general3A_816 = arith.constant dense<0.000000e+00> : vector<32x1xf32>
    %dot_general3A_817 = tpu.matmul %get3A_814, %slice3A_815, %dot_general3A_816 {dimension_numbers = #tpu.dot_dimension_numbers<[1], [0], [0], [1], [0, 0, 1, 1], [], []>, precision = #tpu.contract_precision<fp32>, transpose_lhs_hint = false} : vector<32x2xf32>, vector<2x1xf32>, vector<32x1xf32> -> vector<32x1xf32>
    %slice3A_818 = vector.extract_strided_slice %convert_element_type3A_86 {offsets = [0, 0], sizes = [2, 1], strides = [1, 1]} : vector<512x256xf32> to vector<2x1xf32>
    %dot_general3A_819 = arith.constant dense<0.000000e+00> : vector<32x1xf32>
    %dot_general3A_820 = tpu.matmul %get3A_814, %slice3A_818, %dot_general3A_819 {dimension_numbers = #tpu.dot_dimension_numbers<[1], [0], [0], [1], [0, 0, 1, 1], [], []>, precision = #tpu.contract_precision<fp32>, transpose_lhs_hint = false} : vector<32x2xf32>, vector<2x1xf32>, vector<32x1xf32> -> vector<32x1xf32>
    %concatenate3A_821 = tpu.concatenate %dot_general3A_817, %dot_general3A_820 in 0 : vector<32x1xf32>, vector<32x1xf32> -> vector<64x1xf32>
    %dot_general3A_822 = arith.constant dense<0.000000e+00> : vector<64x1xf32>
    %dot_general3A_823 = tpu.matmul %concatenate3A_274, %concatenate3A_821, %dot_general3A_822 {dimension_numbers = #tpu.dot_dimension_numbers<[1], [0], [0], [1], [0, 0, 1, 1], [], []>, precision = #tpu.contract_precision<fp32>, transpose_lhs_hint = false} : vector<64x64xf32>, vector<64x1xf32>, vector<64x1xf32> -> vector<64x1xf32>
    %slice3A_824 = vector.extract_strided_slice %dot_general3A_823 {offsets = [0, 0], sizes = [32, 1], strides = [1, 1]} : vector<64x1xf32> to vector<32x1xf32>
    %mul3A_825 = arith.mulf %div3A_811, %slice3A_824 : vector<32x1xf32>
    %slice3A_826 = vector.extract_strided_slice %dot_general3A_823 {offsets = [32, 0], sizes = [32, 1], strides = [1, 1]} : vector<64x1xf32> to vector<32x1xf32>
    %mul3A_827 = arith.mulf %div3A_811, %slice3A_826 : vector<32x1xf32>
    %concatenate3A_828 = tpu.concatenate %mul3A_825, %mul3A_827 in 1 : vector<32x1xf32>, vector<32x1xf32> -> vector<32x2xf32>
    %slice3A_829 = vector.extract_strided_slice %convert_element_type3A_94 {offsets = [0, 0], sizes = [1, 2], strides = [1, 1]} : vector<256x512xf32> to vector<1x2xf32>
    %slice3A_830 = vector.extract_strided_slice %convert_element_type3A_105 {offsets = [0, 0], sizes = [1, 2], strides = [1, 1]} : vector<256x512xf32> to vector<1x2xf32>
    %concatenate3A_831 = tpu.concatenate %slice3A_829, %slice3A_830 in 0 : vector<1x2xf32>, vector<1x2xf32> -> vector<2x2xf32>
    %dot_general3A_832 = arith.constant dense<0.000000e+00> : vector<32x2xf32>
    %dot_general3A_833 = tpu.matmul %concatenate3A_828, %concatenate3A_831, %dot_general3A_832 {dimension_numbers = #tpu.dot_dimension_numbers<[1], [0], [0], [1], [0, 0, 1, 1], [], []>, precision = #tpu.contract_precision<fp32>, transpose_lhs_hint = false} : vector<32x2xf32>, vector<2x2xf32>, vector<32x2xf32> -> vector<32x2xf32>
    %swap3A_834 = arith.constant 0 : index
    %swap3A_835 = arith.constant 2 : index
    %swap3A_836 = vector.load %arg9[%swap3A_834, %swap3A_835] : memref<32x8192xf32, #tpu.memory_space<vmem>>, vector<32x2xf32>
    tpu.vector_store %arg9[%swap3A_834, %swap3A_835], %dot_general3A_833 {strides = array<i32>} : memref<32x8192xf32, #tpu.memory_space<vmem>>, vector<32x2xf32>,
    %dot_general3A_837 = arith.constant dense<0.000000e+00> : vector<32x64xf32>
    %dot_general3A_838 = tpu.matmul %div3A_811, %concatenate3A_821, %dot_general3A_837 {dimension_numbers = #tpu.dot_dimension_numbers<[1], [1], [0], [0], [0, 0, 1, 0], [], []>, precision = #tpu.contract_precision<fp32>, transpose_lhs_hint = false} : vector<32x1xf32>, vector<64x1xf32>, vector<32x64xf32> -> vector<32x64xf32>
    %add3A_839 = arith.addf %broadcast_in_dim3A_804, %dot_general3A_838 : vector<32x64xf32>
    %get3A_840 = arith.constant 0 : index
    %get3A_841 = arith.constant 2 : index
    %get3A_842 = vector.load %arg9[%get3A_840, %get3A_841] : memref<32x8192xf32, #tpu.memory_space<vmem>>, vector<32x2xf32>
    %get3A_843 = arith.constant 0 : index
    %get3A_844 = arith.constant 2 : index
    %get3A_845 = vector.load %arg8[%get3A_843, %get3A_844] : memref<32x8192xf32, #tpu.memory_space<vmem>>, vector<32x2xf32>
    %div3A_846 = arith.divf %get3A_842, %get3A_845 : vector<32x2xf32>
    %get3A_847 = arith.constant 0 : index
    %get3A_848 = arith.constant 4 : index
    %get3A_849 = vector.load %arg7[%get3A_847, %get3A_848] : memref<32x8192xf32, #tpu.memory_space<vmem>>, vector<32x4xf32>
    %slice3A_850 = vector.extract_strided_slice %convert_element_type3A_75 {offsets = [0, 0], sizes = [4, 2], strides = [1, 1]} : vector<512x256xf32> to vector<4x2xf32>
    %dot_general3A_851 = arith.constant dense<0.000000e+00> : vector<32x2xf32>
    %dot_general3A_852 = tpu.matmul %get3A_849, %slice3A_850, %dot_general3A_851 {dimension_numbers = #tpu.dot_dimension_numbers<[1], [0], [0], [1], [0, 0, 1, 1], [], []>, precision = #tpu.contract_precision<fp32>, transpose_lhs_hint = false} : vector<32x4xf32>, vector<4x2xf32>, vector<32x2xf32> -> vector<32x2xf32>
    %slice3A_853 = vector.extract_strided_slice %convert_element_type3A_86 {offsets = [0, 0], sizes = [4, 2], strides = [1, 1]} : vector<512x256xf32> to vector<4x2xf32>
    %dot_general3A_854 = arith.constant dense<0.000000e+00> : vector<32x2xf32>
    %dot_general3A_855 = tpu.matmul %get3A_849, %slice3A_853, %dot_general3A_854 {dimension_numbers = #tpu.dot_dimension_numbers<[1], [0], [0], [1], [0, 0, 1, 1], [], []>, precision = #tpu.contract_precision<fp32>, transpose_lhs_hint = false} : vector<32x4xf32>, vector<4x2xf32>, vector<32x2xf32> -> vector<32x2xf32>
    %concatenate3A_856 = tpu.concatenate %dot_general3A_852, %dot_general3A_855 in 0 : vector<32x2xf32>, vector<32x2xf32> -> vector<64x2xf32>
    %dot_general3A_857 = arith.constant dense<0.000000e+00> : vector<64x2xf32>
    %dot_general3A_858 = tpu.matmul %concatenate3A_274, %concatenate3A_856, %dot_general3A_857 {dimension_numbers = #tpu.dot_dimension_numbers<[1], [0], [0], [1], [0, 0, 1, 1], [], []>, precision = #tpu.contract_precision<fp32>, transpose_lhs_hint = false} : vector<64x64xf32>, vector<64x2xf32>, vector<64x2xf32> -> vector<64x2xf32>
    %slice3A_859 = vector.extract_strided_slice %dot_general3A_858 {offsets = [0, 0], sizes = [32, 2], strides = [1, 1]} : vector<64x2xf32> to vector<32x2xf32>
    %mul3A_860 = arith.mulf %div3A_846, %slice3A_859 : vector<32x2xf32>
    %slice3A_861 = vector.extract_strided_slice %dot_general3A_858 {offsets = [32, 0], sizes = [32, 2], strides = [1, 1]} : vector<64x2xf32> to vector<32x2xf32>
    %mul3A_862 = arith.mulf %div3A_846, %slice3A_861 : vector<32x2xf32>
    %concatenate3A_863 = tpu.concatenate %mul3A_860, %mul3A_862 in 1 : vector<32x2xf32>, vector<32x2xf32> -> vector<32x4xf32>
    %slice3A_864 = vector.extract_strided_slice %convert_element_type3A_94 {offsets = [0, 0], sizes = [2, 4], strides = [1, 1]} : vector<256x512xf32> to vector<2x4xf32>
    %slice3A_865 = vector.extract_strided_slice %convert_element_type3A_105 {offsets = [0, 0], sizes = [2, 4], strides = [1, 1]} : vector<256x512xf32> to vector<2x4xf32>
    %concatenate3A_866 = tpu.concatenate %slice3A_864, %slice3A_865 in 0 : vector<2x4xf32>, vector<2x4xf32> -> vector<4x4xf32>
    %dot_general3A_867 = arith.constant dense<0.000000e+00> : vector<32x4xf32>
    %dot_general3A_868 = tpu.matmul %concatenate3A_863, %concatenate3A_866, %dot_general3A_867 {dimension_numbers = #tpu.dot_dimension_numbers<[1], [0], [0], [1], [0, 0, 1, 1], [], []>, precision = #tpu.contract_precision<fp32>, transpose_lhs_hint = false} : vector<32x4xf32>, vector<4x4xf32>, vector<32x4xf32> -> vector<32x4xf32>
    %swap3A_869 = arith.constant 0 : index
    %swap3A_870 = arith.constant 4 : index
    %swap3A_871 = vector.load %arg9[%swap3A_869, %swap3A_870] : memref<32x8192xf32, #tpu.memory_space<vmem>>, vector<32x4xf32>
    tpu.vector_store %arg9[%swap3A_869, %swap3A_870], %dot_general3A_868 {strides = array<i32>} : memref<32x8192xf32, #tpu.memory_space<vmem>>, vector<32x4xf32>,
    %dot_general3A_872 = arith.constant dense<0.000000e+00> : vector<32x64xf32>
    %dot_general3A_873 = tpu.matmul %div3A_846, %concatenate3A_856, %dot_general3A_872 {dimension_numbers = #tpu.dot_dimension_numbers<[1], [1], [0], [0], [0, 0, 1, 0], [], []>, precision = #tpu.contract_precision<fp32>, transpose_lhs_hint = false} : vector<32x2xf32>, vector<64x2xf32>, vector<32x64xf32> -> vector<32x64xf32>
    %add3A_874 = arith.addf %add3A_839, %dot_general3A_873 : vector<32x64xf32>
    %get3A_875 = arith.constant 0 : index
    %get3A_876 = arith.constant 4 : index
    %get3A_877 = vector.load %arg9[%get3A_875, %get3A_876] : memref<32x8192xf32, #tpu.memory_space<vmem>>, vector<32x4xf32>
    %get3A_878 = arith.constant 0 : index
    %get3A_879 = arith.constant 4 : index
    %get3A_880 = vector.load %arg8[%get3A_878, %get3A_879] : memref<32x8192xf32, #tpu.memory_space<vmem>>, vector<32x4xf32>
    %div3A_881 = arith.divf %get3A_877, %get3A_880 : vector<32x4xf32>
    %get3A_882 = arith.constant 0 : index
    %get3A_883 = arith.constant 8 : index
    %get3A_884 = vector.load %arg7[%get3A_882, %get3A_883] : memref<32x8192xf32, #tpu.memory_space<vmem>>, vector<32x8xf32>
    %slice3A_885 = vector.extract_strided_slice %convert_element_type3A_75 {offsets = [0, 0], sizes = [8, 4], strides = [1, 1]} : vector<512x256xf32> to vector<8x4xf32>
    %dot_general3A_886 = arith.constant dense<0.000000e+00> : vector<32x4xf32>
    %dot_general3A_887 = tpu.matmul %get3A_884, %slice3A_885, %dot_general3A_886 {dimension_numbers = #tpu.dot_dimension_numbers<[1], [0], [0], [1], [0, 0, 1, 1], [], []>, precision = #tpu.contract_precision<fp32>, transpose_lhs_hint = false} : vector<32x8xf32>, vector<8x4xf32>, vector<32x4xf32> -> vector<32x4xf32>
    %slice3A_888 = vector.extract_strided_slice %convert_element_type3A_86 {offsets = [0, 0], sizes = [8, 4], strides = [1, 1]} : vector<512x256xf32> to vector<8x4xf32>
    %dot_general3A_889 = arith.constant dense<0.000000e+00> : vector<32x4xf32>
    %dot_general3A_890 = tpu.matmul %get3A_884, %slice3A_888, %dot_general3A_889 {dimension_numbers = #tpu.dot_dimension_numbers<[1], [0], [0], [1], [0, 0, 1, 1], [], []>, precision = #tpu.contract_precision<fp32>, transpose_lhs_hint = false} : vector<32x8xf32>, vector<8x4xf32>, vector<32x4xf32> -> vector<32x4xf32>
    %concatenate3A_891 = tpu.concatenate %dot_general3A_887, %dot_general3A_890 in 0 : vector<32x4xf32>, vector<32x4xf32> -> vector<64x4xf32>
    %dot_general3A_892 = arith.constant dense<0.000000e+00> : vector<64x4xf32>
    %dot_general3A_893 = tpu.matmul %concatenate3A_274, %concatenate3A_891, %dot_general3A_892 {dimension_numbers = #tpu.dot_dimension_numbers<[1], [0], [0], [1], [0, 0, 1, 1], [], []>, precision = #tpu.contract_precision<fp32>, transpose_lhs_hint = false} : vector<64x64xf32>, vector<64x4xf32>, vector<64x4xf32> -> vector<64x4xf32>
    %slice3A_894 = vector.extract_strided_slice %dot_general3A_893 {offsets = [0, 0], sizes = [32, 4], strides = [1, 1]} : vector<64x4xf32> to vector<32x4xf32>
    %mul3A_895 = arith.mulf %div3A_881, %slice3A_894 : vector<32x4xf32>
    %slice3A_896 = vector.extract_strided_slice %dot_general3A_893 {offsets = [32, 0], sizes = [32, 4], strides = [1, 1]} : vector<64x4xf32> to vector<32x4xf32>
    %mul3A_897 = arith.mulf %div3A_881, %slice3A_896 : vector<32x4xf32>
    %concatenate3A_898 = tpu.concatenate %mul3A_895, %mul3A_897 in 1 : vector<32x4xf32>, vector<32x4xf32> -> vector<32x8xf32>
    %slice3A_899 = vector.extract_strided_slice %convert_element_type3A_94 {offsets = [0, 0], sizes = [4, 8], strides = [1, 1]} : vector<256x512xf32> to vector<4x8xf32>
    %slice3A_900 = vector.extract_strided_slice %convert_element_type3A_105 {offsets = [0, 0], sizes = [4, 8], strides = [1, 1]} : vector<256x512xf32> to vector<4x8xf32>
    %concatenate3A_901 = tpu.concatenate %slice3A_899, %slice3A_900 in 0 : vector<4x8xf32>, vector<4x8xf32> -> vector<8x8xf32>
    %dot_general3A_902 = arith.constant dense<0.000000e+00> : vector<32x8xf32>
    %dot_general3A_903 = tpu.matmul %concatenate3A_898, %concatenate3A_901, %dot_general3A_902 {dimension_numbers = #tpu.dot_dimension_numbers<[1], [0], [0], [1], [0, 0, 1, 1], [], []>, precision = #tpu.contract_precision<fp32>, transpose_lhs_hint = false} : vector<32x8xf32>, vector<8x8xf32>, vector<32x8xf32> -> vector<32x8xf32>
    %swap3A_904 = arith.constant 0 : index
    %swap3A_905 = arith.constant 8 : index
    %swap3A_906 = vector.load %arg9[%swap3A_904, %swap3A_905] : memref<32x8192xf32, #tpu.memory_space<vmem>>, vector<32x8xf32>
    tpu.vector_store %arg9[%swap3A_904, %swap3A_905], %dot_general3A_903 {strides = array<i32>} : memref<32x8192xf32, #tpu.memory_space<vmem>>, vector<32x8xf32>,
    %dot_general3A_907 = arith.constant dense<0.000000e+00> : vector<32x64xf32>
    %dot_general3A_908 = tpu.matmul %div3A_881, %concatenate3A_891, %dot_general3A_907 {dimension_numbers = #tpu.dot_dimension_numbers<[1], [1], [0], [0], [0, 0, 1, 0], [], []>, precision = #tpu.contract_precision<fp32>, transpose_lhs_hint = false} : vector<32x4xf32>, vector<64x4xf32>, vector<32x64xf32> -> vector<32x64xf32>
    %add3A_909 = arith.addf %add3A_874, %dot_general3A_908 : vector<32x64xf32>
    %get3A_910 = arith.constant 0 : index
    %get3A_911 = arith.constant 8 : index
    %get3A_912 = vector.load %arg9[%get3A_910, %get3A_911] : memref<32x8192xf32, #tpu.memory_space<vmem>>, vector<32x8xf32>
    %get3A_913 = arith.constant 0 : index
    %get3A_914 = arith.constant 8 : index
    %get3A_915 = vector.load %arg8[%get3A_913, %get3A_914] : memref<32x8192xf32, #tpu.memory_space<vmem>>, vector<32x8xf32>
    %div3A_916 = arith.divf %get3A_912, %get3A_915 : vector<32x8xf32>
    %get3A_917 = arith.constant 0 : index
    %get3A_918 = arith.constant 16 : index
    %get3A_919 = vector.load %arg7[%get3A_917, %get3A_918] : memref<32x8192xf32, #tpu.memory_space<vmem>>, vector<32x16xf32>
    %slice3A_920 = vector.extract_strided_slice %convert_element_type3A_75 {offsets = [0, 0], sizes = [16, 8], strides = [1, 1]} : vector<512x256xf32> to vector<16x8xf32>
    %dot_general3A_921 = arith.constant dense<0.000000e+00> : vector<32x8xf32>
    %dot_general3A_922 = tpu.matmul %get3A_919, %slice3A_920, %dot_general3A_921 {dimension_numbers = #tpu.dot_dimension_numbers<[1], [0], [0], [1], [0, 0, 1, 1], [], []>, precision = #tpu.contract_precision<fp32>, transpose_lhs_hint = false} : vector<32x16xf32>, vector<16x8xf32>, vector<32x8xf32> -> vector<32x8xf32>
    %slice3A_923 = vector.extract_strided_slice %convert_element_type3A_86 {offsets = [0, 0], sizes = [16, 8], strides = [1, 1]} : vector<512x256xf32> to vector<16x8xf32>
    %dot_general3A_924 = arith.constant dense<0.000000e+00> : vector<32x8xf32>
    %dot_general3A_925 = tpu.matmul %get3A_919, %slice3A_923, %dot_general3A_924 {dimension_numbers = #tpu.dot_dimension_numbers<[1], [0], [0], [1], [0, 0, 1, 1], [], []>, precision = #tpu.contract_precision<fp32>, transpose_lhs_hint = false} : vector<32x16xf32>, vector<16x8xf32>, vector<32x8xf32> -> vector<32x8xf32>
    %concatenate3A_926 = tpu.concatenate %dot_general3A_922, %dot_general3A_925 in 0 : vector<32x8xf32>, vector<32x8xf32> -> vector<64x8xf32>
    %dot_general3A_927 = arith.constant dense<0.000000e+00> : vector<64x8xf32>
    %dot_general3A_928 = tpu.matmul %concatenate3A_274, %concatenate3A_926, %dot_general3A_927 {dimension_numbers = #tpu.dot_dimension_numbers<[1], [0], [0], [1], [0, 0, 1, 1], [], []>, precision = #tpu.contract_precision<fp32>, transpose_lhs_hint = false} : vector<64x64xf32>, vector<64x8xf32>, vector<64x8xf32> -> vector<64x8xf32>
    %slice3A_929 = vector.extract_strided_slice %dot_general3A_928 {offsets = [0, 0], sizes = [32, 8], strides = [1, 1]} : vector<64x8xf32> to vector<32x8xf32>
    %mul3A_930 = arith.mulf %div3A_916, %slice3A_929 : vector<32x8xf32>
    %slice3A_931 = vector.extract_strided_slice %dot_general3A_928 {offsets = [32, 0], sizes = [32, 8], strides = [1, 1]} : vector<64x8xf32> to vector<32x8xf32>
    %mul3A_932 = arith.mulf %div3A_916, %slice3A_931 : vector<32x8xf32>
    %concatenate3A_933 = tpu.concatenate %mul3A_930, %mul3A_932 in 1 : vector<32x8xf32>, vector<32x8xf32> -> vector<32x16xf32>
    %slice3A_934 = vector.extract_strided_slice %convert_element_type3A_94 {offsets = [0, 0], sizes = [8, 16], strides = [1, 1]} : vector<256x512xf32> to vector<8x16xf32>
    %slice3A_935 = vector.extract_strided_slice %convert_element_type3A_105 {offsets = [0, 0], sizes = [8, 16], strides = [1, 1]} : vector<256x512xf32> to vector<8x16xf32>
    %concatenate3A_936 = tpu.concatenate %slice3A_934, %slice3A_935 in 0 : vector<8x16xf32>, vector<8x16xf32> -> vector<16x16xf32>
    %dot_general3A_937 = arith.constant dense<0.000000e+00> : vector<32x16xf32>
    %dot_general3A_938 = tpu.matmul %concatenate3A_933, %concatenate3A_936, %dot_general3A_937 {dimension_numbers = #tpu.dot_dimension_numbers<[1], [0], [0], [1], [0, 0, 1, 1], [], []>, precision = #tpu.contract_precision<fp32>, transpose_lhs_hint = false} : vector<32x16xf32>, vector<16x16xf32>, vector<32x16xf32> -> vector<32x16xf32>
    %swap3A_939 = arith.constant 0 : index
    %swap3A_940 = arith.constant 16 : index
    %swap3A_941 = vector.load %arg9[%swap3A_939, %swap3A_940] : memref<32x8192xf32, #tpu.memory_space<vmem>>, vector<32x16xf32>
    tpu.vector_store %arg9[%swap3A_939, %swap3A_940], %dot_general3A_938 {strides = array<i32>} : memref<32x8192xf32, #tpu.memory_space<vmem>>, vector<32x16xf32>,
    %dot_general3A_942 = arith.constant dense<0.000000e+00> : vector<32x64xf32>
    %dot_general3A_943 = tpu.matmul %div3A_916, %concatenate3A_926, %dot_general3A_942 {dimension_numbers = #tpu.dot_dimension_numbers<[1], [1], [0], [0], [0, 0, 1, 0], [], []>, precision = #tpu.contract_precision<fp32>, transpose_lhs_hint = false} : vector<32x8xf32>, vector<64x8xf32>, vector<32x64xf32> -> vector<32x64xf32>
    %add3A_944 = arith.addf %add3A_909, %dot_general3A_943 : vector<32x64xf32>
    %get3A_945 = arith.constant 0 : index
    %get3A_946 = arith.constant 16 : index
    %get3A_947 = vector.load %arg9[%get3A_945, %get3A_946] : memref<32x8192xf32, #tpu.memory_space<vmem>>, vector<32x16xf32>
    %get3A_948 = arith.constant 0 : index
    %get3A_949 = arith.constant 16 : index
    %get3A_950 = vector.load %arg8[%get3A_948, %get3A_949] : memref<32x8192xf32, #tpu.memory_space<vmem>>, vector<32x16xf32>
    %div3A_951 = arith.divf %get3A_947, %get3A_950 : vector<32x16xf32>
    %get3A_952 = arith.constant 0 : index
    %get3A_953 = arith.constant 32 : index
    %get3A_954 = vector.load %arg7[%get3A_952, %get3A_953] : memref<32x8192xf32, #tpu.memory_space<vmem>>, vector<32x32xf32>
    %slice3A_955 = vector.extract_strided_slice %convert_element_type3A_75 {offsets = [0, 0], sizes = [32, 16], strides = [1, 1]} : vector<512x256xf32> to vector<32x16xf32>
    %dot_general3A_956 = arith.constant dense<0.000000e+00> : vector<32x16xf32>
    %dot_general3A_957 = tpu.matmul %get3A_954, %slice3A_955, %dot_general3A_956 {dimension_numbers = #tpu.dot_dimension_numbers<[1], [0], [0], [1], [0, 0, 1, 1], [], []>, precision = #tpu.contract_precision<fp32>, transpose_lhs_hint = false} : vector<32x32xf32>, vector<32x16xf32>, vector<32x16xf32> -> vector<32x16xf32>
    %slice3A_958 = vector.extract_strided_slice %convert_element_type3A_86 {offsets = [0, 0], sizes = [32, 16], strides = [1, 1]} : vector<512x256xf32> to vector<32x16xf32>
    %dot_general3A_959 = arith.constant dense<0.000000e+00> : vector<32x16xf32>
    %dot_general3A_960 = tpu.matmul %get3A_954, %slice3A_958, %dot_general3A_959 {dimension_numbers = #tpu.dot_dimension_numbers<[1], [0], [0], [1], [0, 0, 1, 1], [], []>, precision = #tpu.contract_precision<fp32>, transpose_lhs_hint = false} : vector<32x32xf32>, vector<32x16xf32>, vector<32x16xf32> -> vector<32x16xf32>
    %concatenate3A_961 = tpu.concatenate %dot_general3A_957, %dot_general3A_960 in 0 : vector<32x16xf32>, vector<32x16xf32> -> vector<64x16xf32>
    %dot_general3A_962 = arith.constant dense<0.000000e+00> : vector<64x16xf32>
    %dot_general3A_963 = tpu.matmul %concatenate3A_274, %concatenate3A_961, %dot_general3A_962 {dimension_numbers = #tpu.dot_dimension_numbers<[1], [0], [0], [1], [0, 0, 1, 1], [], []>, precision = #tpu.contract_precision<fp32>, transpose_lhs_hint = false} : vector<64x64xf32>, vector<64x16xf32>, vector<64x16xf32> -> vector<64x16xf32>
    %slice3A_964 = vector.extract_strided_slice %dot_general3A_963 {offsets = [0, 0], sizes = [32, 16], strides = [1, 1]} : vector<64x16xf32> to vector<32x16xf32>
    %mul3A_965 = arith.mulf %div3A_951, %slice3A_964 : vector<32x16xf32>
    %slice3A_966 = vector.extract_strided_slice %dot_general3A_963 {offsets = [32, 0], sizes = [32, 16], strides = [1, 1]} : vector<64x16xf32> to vector<32x16xf32>
    %mul3A_967 = arith.mulf %div3A_951, %slice3A_966 : vector<32x16xf32>
    %concatenate3A_968 = tpu.concatenate %mul3A_965, %mul3A_967 in 1 : vector<32x16xf32>, vector<32x16xf32> -> vector<32x32xf32>
    %slice3A_969 = vector.extract_strided_slice %convert_element_type3A_94 {offsets = [0, 0], sizes = [16, 32], strides = [1, 1]} : vector<256x512xf32> to vector<16x32xf32>
    %slice3A_970 = vector.extract_strided_slice %convert_element_type3A_105 {offsets = [0, 0], sizes = [16, 32], strides = [1, 1]} : vector<256x512xf32> to vector<16x32xf32>
    %concatenate3A_971 = tpu.concatenate %slice3A_969, %slice3A_970 in 0 : vector<16x32xf32>, vector<16x32xf32> -> vector<32x32xf32>
    %dot_general3A_972 = arith.constant dense<0.000000e+00> : vector<32x32xf32>
    %dot_general3A_973 = tpu.matmul %concatenate3A_968, %concatenate3A_971, %dot_general3A_972 {dimension_numbers = #tpu.dot_dimension_numbers<[1], [0], [0], [1], [0, 0, 1, 1], [], []>, precision = #tpu.contract_precision<fp32>, transpose_lhs_hint = false} : vector<32x32xf32>, vector<32x32xf32>, vector<32x32xf32> -> vector<32x32xf32>
    %swap3A_974 = arith.constant 0 : index
    %swap3A_975 = arith.constant 32 : index
    %swap3A_976 = vector.load %arg9[%swap3A_974, %swap3A_975] : memref<32x8192xf32, #tpu.memory_space<vmem>>, vector<32x32xf32>
    tpu.vector_store %arg9[%swap3A_974, %swap3A_975], %dot_general3A_973 {strides = array<i32>} : memref<32x8192xf32, #tpu.memory_space<vmem>>, vector<32x32xf32>,
    %dot_general3A_977 = arith.constant dense<0.000000e+00> : vector<32x64xf32>
    %dot_general3A_978 = tpu.matmul %div3A_951, %concatenate3A_961, %dot_general3A_977 {dimension_numbers = #tpu.dot_dimension_numbers<[1], [1], [0], [0], [0, 0, 1, 0], [], []>, precision = #tpu.contract_precision<fp32>, transpose_lhs_hint = false} : vector<32x16xf32>, vector<64x16xf32>, vector<32x64xf32> -> vector<32x64xf32>
    %add3A_979 = arith.addf %add3A_944, %dot_general3A_978 : vector<32x64xf32>
    %get3A_980 = arith.constant 0 : index
    %get3A_981 = arith.constant 32 : index
    %get3A_982 = vector.load %arg9[%get3A_980, %get3A_981] : memref<32x8192xf32, #tpu.memory_space<vmem>>, vector<32x32xf32>
    %get3A_983 = arith.constant 0 : index
    %get3A_984 = arith.constant 32 : index
    %get3A_985 = vector.load %arg8[%get3A_983, %get3A_984] : memref<32x8192xf32, #tpu.memory_space<vmem>>, vector<32x32xf32>
    %div3A_986 = arith.divf %get3A_982, %get3A_985 : vector<32x32xf32>
    %get3A_987 = arith.constant 0 : index
    %get3A_988 = arith.constant 64 : index
    %get3A_989 = vector.load %arg7[%get3A_987, %get3A_988] : memref<32x8192xf32, #tpu.memory_space<vmem>>, vector<32x64xf32>
    %slice3A_990 = vector.extract_strided_slice %convert_element_type3A_75 {offsets = [0, 0], sizes = [64, 32], strides = [1, 1]} : vector<512x256xf32> to vector<64x32xf32>
    %dot_general3A_991 = arith.constant dense<0.000000e+00> : vector<32x32xf32>
    %dot_general3A_992 = tpu.matmul %get3A_989, %slice3A_990, %dot_general3A_991 {dimension_numbers = #tpu.dot_dimension_numbers<[1], [0], [0], [1], [0, 0, 1, 1], [], []>, precision = #tpu.contract_precision<fp32>, transpose_lhs_hint = false} : vector<32x64xf32>, vector<64x32xf32>, vector<32x32xf32> -> vector<32x32xf32>
    %slice3A_993 = vector.extract_strided_slice %convert_element_type3A_86 {offsets = [0, 0], sizes = [64, 32], strides = [1, 1]} : vector<512x256xf32> to vector<64x32xf32>
    %dot_general3A_994 = arith.constant dense<0.000000e+00> : vector<32x32xf32>
    %dot_general3A_995 = tpu.matmul %get3A_989, %slice3A_993, %dot_general3A_994 {dimension_numbers = #tpu.dot_dimension_numbers<[1], [0], [0], [1], [0, 0, 1, 1], [], []>, precision = #tpu.contract_precision<fp32>, transpose_lhs_hint = false} : vector<32x64xf32>, vector<64x32xf32>, vector<32x32xf32> -> vector<32x32xf32>
    %concatenate3A_996 = tpu.concatenate %dot_general3A_992, %dot_general3A_995 in 0 : vector<32x32xf32>, vector<32x32xf32> -> vector<64x32xf32>
    %dot_general3A_997 = arith.constant dense<0.000000e+00> : vector<64x32xf32>
    %dot_general3A_998 = tpu.matmul %concatenate3A_274, %concatenate3A_996, %dot_general3A_997 {dimension_numbers = #tpu.dot_dimension_numbers<[1], [0], [0], [1], [0, 0, 1, 1], [], []>, precision = #tpu.contract_precision<fp32>, transpose_lhs_hint = false} : vector<64x64xf32>, vector<64x32xf32>, vector<64x32xf32> -> vector<64x32xf32>
    %slice3A_999 = vector.extract_strided_slice %dot_general3A_998 {offsets = [0, 0], sizes = [32, 32], strides = [1, 1]} : vector<64x32xf32> to vector<32x32xf32>
    %mul3A_1000 = arith.mulf %div3A_986, %slice3A_999 : vector<32x32xf32>
    %slice3A_1001 = vector.extract_strided_slice %dot_general3A_998 {offsets = [32, 0], sizes = [32, 32], strides = [1, 1]} : vector<64x32xf32> to vector<32x32xf32>
    %mul3A_1002 = arith.mulf %div3A_986, %slice3A_1001 : vector<32x32xf32>
    %concatenate3A_1003 = tpu.concatenate %mul3A_1000, %mul3A_1002 in 1 : vector<32x32xf32>, vector<32x32xf32> -> vector<32x64xf32>
    %slice3A_1004 = vector.extract_strided_slice %convert_element_type3A_94 {offsets = [0, 0], sizes = [32, 64], strides = [1, 1]} : vector<256x512xf32> to vector<32x64xf32>
    %slice3A_1005 = vector.extract_strided_slice %convert_element_type3A_105 {offsets = [0, 0], sizes = [32, 64], strides = [1, 1]} : vector<256x512xf32> to vector<32x64xf32>
    %concatenate3A_1006 = tpu.concatenate %slice3A_1004, %slice3A_1005 in 0 : vector<32x64xf32>, vector<32x64xf32> -> vector<64x64xf32>
    %dot_general3A_1007 = arith.constant dense<0.000000e+00> : vector<32x64xf32>
    %dot_general3A_1008 = tpu.matmul %concatenate3A_1003, %concatenate3A_1006, %dot_general3A_1007 {dimension_numbers = #tpu.dot_dimension_numbers<[1], [0], [0], [1], [0, 0, 1, 1], [], []>, precision = #tpu.contract_precision<fp32>, transpose_lhs_hint = false} : vector<32x64xf32>, vector<64x64xf32>, vector<32x64xf32> -> vector<32x64xf32>
    %swap3A_1009 = arith.constant 0 : index
    %swap3A_1010 = arith.constant 64 : index
    %swap3A_1011 = vector.load %arg9[%swap3A_1009, %swap3A_1010] : memref<32x8192xf32, #tpu.memory_space<vmem>>, vector<32x64xf32>
    tpu.vector_store %arg9[%swap3A_1009, %swap3A_1010], %dot_general3A_1008 {strides = array<i32>} : memref<32x8192xf32, #tpu.memory_space<vmem>>, vector<32x64xf32>,
    %dot_general3A_1012 = arith.constant dense<0.000000e+00> : vector<32x64xf32>
    %dot_general3A_1013 = tpu.matmul %div3A_986, %concatenate3A_996, %dot_general3A_1012 {dimension_numbers = #tpu.dot_dimension_numbers<[1], [1], [0], [0], [0, 0, 1, 0], [], []>, precision = #tpu.contract_precision<fp32>, transpose_lhs_hint = false} : vector<32x32xf32>, vector<64x32xf32>, vector<32x64xf32> -> vector<32x64xf32>
    %add3A_1014 = arith.addf %add3A_979, %dot_general3A_1013 : vector<32x64xf32>
    %get3A_1015 = arith.constant 0 : index
    %get3A_1016 = arith.constant 64 : index
    %get3A_1017 = vector.load %arg9[%get3A_1015, %get3A_1016] : memref<32x8192xf32, #tpu.memory_space<vmem>>, vector<32x64xf32>
    %get3A_1018 = arith.constant 0 : index
    %get3A_1019 = arith.constant 64 : index
    %get3A_1020 = vector.load %arg8[%get3A_1018, %get3A_1019] : memref<32x8192xf32, #tpu.memory_space<vmem>>, vector<32x64xf32>
    %div3A_1021 = arith.divf %get3A_1017, %get3A_1020 : vector<32x64xf32>
    %get3A_1022 = arith.constant 0 : index
    %get3A_1023 = arith.constant 128 : index
    %get3A_1024 = vector.load %arg7[%get3A_1022, %get3A_1023] : memref<32x8192xf32, #tpu.memory_space<vmem>>, vector<32x128xf32>
    %slice3A_1025 = vector.extract_strided_slice %convert_element_type3A_75 {offsets = [0, 0], sizes = [128, 64], strides = [1, 1]} : vector<512x256xf32> to vector<128x64xf32>
    %dot_general3A_1026 = arith.constant dense<0.000000e+00> : vector<32x64xf32>
    %dot_general3A_1027 = tpu.matmul %get3A_1024, %slice3A_1025, %dot_general3A_1026 {dimension_numbers = #tpu.dot_dimension_numbers<[1], [0], [0], [1], [0, 0, 1, 1], [], []>, precision = #tpu.contract_precision<fp32>, transpose_lhs_hint = false} : vector<32x128xf32>, vector<128x64xf32>, vector<32x64xf32> -> vector<32x64xf32>
    %slice3A_1028 = vector.extract_strided_slice %convert_element_type3A_86 {offsets = [0, 0], sizes = [128, 64], strides = [1, 1]} : vector<512x256xf32> to vector<128x64xf32>
    %dot_general3A_1029 = arith.constant dense<0.000000e+00> : vector<32x64xf32>
    %dot_general3A_1030 = tpu.matmul %get3A_1024, %slice3A_1028, %dot_general3A_1029 {dimension_numbers = #tpu.dot_dimension_numbers<[1], [0], [0], [1], [0, 0, 1, 1], [], []>, precision = #tpu.contract_precision<fp32>, transpose_lhs_hint = false} : vector<32x128xf32>, vector<128x64xf32>, vector<32x64xf32> -> vector<32x64xf32>
    %concatenate3A_1031 = tpu.concatenate %dot_general3A_1027, %dot_general3A_1030 in 0 : vector<32x64xf32>, vector<32x64xf32> -> vector<64x64xf32>
    %dot_general3A_1032 = arith.constant dense<0.000000e+00> : vector<64x64xf32>
    %dot_general3A_1033 = tpu.matmul %concatenate3A_274, %concatenate3A_1031, %dot_general3A_1032 {dimension_numbers = #tpu.dot_dimension_numbers<[1], [0], [0], [1], [0, 0, 1, 1], [], []>, precision = #tpu.contract_precision<fp32>, transpose_lhs_hint = false} : vector<64x64xf32>, vector<64x64xf32>, vector<64x64xf32> -> vector<64x64xf32>
    %slice3A_1034 = vector.extract_strided_slice %dot_general3A_1033 {offsets = [0, 0], sizes = [32, 64], strides = [1, 1]} : vector<64x64xf32> to vector<32x64xf32>
    %mul3A_1035 = arith.mulf %div3A_1021, %slice3A_1034 : vector<32x64xf32>
    %slice3A_1036 = vector.extract_strided_slice %dot_general3A_1033 {offsets = [32, 0], sizes = [32, 64], strides = [1, 1]} : vector<64x64xf32> to vector<32x64xf32>
    %mul3A_1037 = arith.mulf %div3A_1021, %slice3A_1036 : vector<32x64xf32>
    %concatenate3A_1038 = tpu.concatenate %mul3A_1035, %mul3A_1037 in 1 : vector<32x64xf32>, vector<32x64xf32> -> vector<32x128xf32>
    %slice3A_1039 = vector.extract_strided_slice %convert_element_type3A_94 {offsets = [0, 0], sizes = [64, 128], strides = [1, 1]} : vector<256x512xf32> to vector<64x128xf32>
    %slice3A_1040 = vector.extract_strided_slice %convert_element_type3A_105 {offsets = [0, 0], sizes = [64, 128], strides = [1, 1]} : vector<256x512xf32> to vector<64x128xf32>
    %concatenate3A_1041 = tpu.concatenate %slice3A_1039, %slice3A_1040 in 0 : vector<64x128xf32>, vector<64x128xf32> -> vector<128x128xf32>
    %dot_general3A_1042 = arith.constant dense<0.000000e+00> : vector<32x128xf32>
    %dot_general3A_1043 = tpu.matmul %concatenate3A_1038, %concatenate3A_1041, %dot_general3A_1042 {dimension_numbers = #tpu.dot_dimension_numbers<[1], [0], [0], [1], [0, 0, 1, 1], [], []>, precision = #tpu.contract_precision<fp32>, transpose_lhs_hint = false} : vector<32x128xf32>, vector<128x128xf32>, vector<32x128xf32> -> vector<32x128xf32>
    %swap3A_1044 = arith.constant 0 : index
    %swap3A_1045 = arith.constant 128 : index
    %swap3A_1046 = vector.load %arg9[%swap3A_1044, %swap3A_1045] : memref<32x8192xf32, #tpu.memory_space<vmem>>, vector<32x128xf32>
    tpu.vector_store %arg9[%swap3A_1044, %swap3A_1045], %dot_general3A_1043 {strides = array<i32>} : memref<32x8192xf32, #tpu.memory_space<vmem>>, vector<32x128xf32>,
    %dot_general3A_1047 = arith.constant dense<0.000000e+00> : vector<32x64xf32>
    %dot_general3A_1048 = tpu.matmul %div3A_1021, %concatenate3A_1031, %dot_general3A_1047 {dimension_numbers = #tpu.dot_dimension_numbers<[1], [1], [0], [0], [0, 0, 1, 0], [], []>, precision = #tpu.contract_precision<fp32>, transpose_lhs_hint = false} : vector<32x64xf32>, vector<64x64xf32>, vector<32x64xf32> -> vector<32x64xf32>
    %add3A_1049 = arith.addf %add3A_1014, %dot_general3A_1048 : vector<32x64xf32>
    %get3A_1050 = arith.constant 0 : index
    %get3A_1051 = arith.constant 128 : index
    %get3A_1052 = vector.load %arg9[%get3A_1050, %get3A_1051] : memref<32x8192xf32, #tpu.memory_space<vmem>>, vector<32x128xf32>
    %get3A_1053 = arith.constant 0 : index
    %get3A_1054 = arith.constant 128 : index
    %get3A_1055 = vector.load %arg8[%get3A_1053, %get3A_1054] : memref<32x8192xf32, #tpu.memory_space<vmem>>, vector<32x128xf32>
    %div3A_1056 = arith.divf %get3A_1052, %get3A_1055 : vector<32x128xf32>
    %get3A_1057 = arith.constant 0 : index
    %get3A_1058 = arith.constant 256 : index
    %get3A_1059 = vector.load %arg7[%get3A_1057, %get3A_1058] : memref<32x8192xf32, #tpu.memory_space<vmem>>, vector<32x256xf32>
    %slice3A_1060 = vector.extract_strided_slice %convert_element_type3A_75 {offsets = [0, 0], sizes = [256, 128], strides = [1, 1]} : vector<512x256xf32> to vector<256x128xf32>
    %dot_general3A_1061 = arith.constant dense<0.000000e+00> : vector<32x128xf32>
    %dot_general3A_1062 = tpu.matmul %get3A_1059, %slice3A_1060, %dot_general3A_1061 {dimension_numbers = #tpu.dot_dimension_numbers<[1], [0], [0], [1], [0, 0, 1, 1], [], []>, precision = #tpu.contract_precision<fp32>, transpose_lhs_hint = false} : vector<32x256xf32>, vector<256x128xf32>, vector<32x128xf32> -> vector<32x128xf32>
    %slice3A_1063 = vector.extract_strided_slice %convert_element_type3A_86 {offsets = [0, 0], sizes = [256, 128], strides = [1, 1]} : vector<512x256xf32> to vector<256x128xf32>
    %dot_general3A_1064 = arith.constant dense<0.000000e+00> : vector<32x128xf32>
    %dot_general3A_1065 = tpu.matmul %get3A_1059, %slice3A_1063, %dot_general3A_1064 {dimension_numbers = #tpu.dot_dimension_numbers<[1], [0], [0], [1], [0, 0, 1, 1], [], []>, precision = #tpu.contract_precision<fp32>, transpose_lhs_hint = false} : vector<32x256xf32>, vector<256x128xf32>, vector<32x128xf32> -> vector<32x128xf32>
    %concatenate3A_1066 = tpu.concatenate %dot_general3A_1062, %dot_general3A_1065 in 0 : vector<32x128xf32>, vector<32x128xf32> -> vector<64x128xf32>
    %dot_general3A_1067 = arith.constant dense<0.000000e+00> : vector<64x128xf32>
    %dot_general3A_1068 = tpu.matmul %concatenate3A_274, %concatenate3A_1066, %dot_general3A_1067 {dimension_numbers = #tpu.dot_dimension_numbers<[1], [0], [0], [1], [0, 0, 1, 1], [], []>, precision = #tpu.contract_precision<fp32>, transpose_lhs_hint = false} : vector<64x64xf32>, vector<64x128xf32>, vector<64x128xf32> -> vector<64x128xf32>
    %slice3A_1069 = vector.extract_strided_slice %dot_general3A_1068 {offsets = [0, 0], sizes = [32, 128], strides = [1, 1]} : vector<64x128xf32> to vector<32x128xf32>
    %mul3A_1070 = arith.mulf %div3A_1056, %slice3A_1069 : vector<32x128xf32>
    %slice3A_1071 = vector.extract_strided_slice %dot_general3A_1068 {offsets = [32, 0], sizes = [32, 128], strides = [1, 1]} : vector<64x128xf32> to vector<32x128xf32>
    %mul3A_1072 = arith.mulf %div3A_1056, %slice3A_1071 : vector<32x128xf32>
    %concatenate3A_1073 = tpu.concatenate %mul3A_1070, %mul3A_1072 in 1 : vector<32x128xf32>, vector<32x128xf32> -> vector<32x256xf32>
    %slice3A_1074 = vector.extract_strided_slice %convert_element_type3A_94 {offsets = [0, 0], sizes = [128, 256], strides = [1, 1]} : vector<256x512xf32> to vector<128x256xf32>
    %slice3A_1075 = vector.extract_strided_slice %convert_element_type3A_105 {offsets = [0, 0], sizes = [128, 256], strides = [1, 1]} : vector<256x512xf32> to vector<128x256xf32>
    %concatenate3A_1076 = tpu.concatenate %slice3A_1074, %slice3A_1075 in 0 : vector<128x256xf32>, vector<128x256xf32> -> vector<256x256xf32>
    %dot_general3A_1077 = arith.constant dense<0.000000e+00> : vector<32x256xf32>
    %dot_general3A_1078 = tpu.matmul %concatenate3A_1073, %concatenate3A_1076, %dot_general3A_1077 {dimension_numbers = #tpu.dot_dimension_numbers<[1], [0], [0], [1], [0, 0, 1, 1], [], []>, precision = #tpu.contract_precision<fp32>, transpose_lhs_hint = false} : vector<32x256xf32>, vector<256x256xf32>, vector<32x256xf32> -> vector<32x256xf32>
    %swap3A_1079 = arith.constant 0 : index
    %swap3A_1080 = arith.constant 256 : index
    %swap3A_1081 = vector.load %arg9[%swap3A_1079, %swap3A_1080] : memref<32x8192xf32, #tpu.memory_space<vmem>>, vector<32x256xf32>
    tpu.vector_store %arg9[%swap3A_1079, %swap3A_1080], %dot_general3A_1078 {strides = array<i32>} : memref<32x8192xf32, #tpu.memory_space<vmem>>, vector<32x256xf32>,
    %dot_general3A_1082 = arith.constant dense<0.000000e+00> : vector<32x64xf32>
    %dot_general3A_1083 = tpu.matmul %div3A_1056, %concatenate3A_1066, %dot_general3A_1082 {dimension_numbers = #tpu.dot_dimension_numbers<[1], [1], [0], [0], [0, 0, 1, 0], [], []>, precision = #tpu.contract_precision<fp32>, transpose_lhs_hint = false} : vector<32x128xf32>, vector<64x128xf32>, vector<32x64xf32> -> vector<32x64xf32>
    %add3A_1084 = arith.addf %add3A_1049, %dot_general3A_1083 : vector<32x64xf32>
    %get3A_1085 = arith.constant 0 : index
    %get3A_1086 = arith.constant 256 : index
    %get3A_1087 = vector.load %arg9[%get3A_1085, %get3A_1086] : memref<32x8192xf32, #tpu.memory_space<vmem>>, vector<32x256xf32>
    %get3A_1088 = arith.constant 0 : index
    %get3A_1089 = arith.constant 256 : index
    %get3A_1090 = vector.load %arg8[%get3A_1088, %get3A_1089] : memref<32x8192xf32, #tpu.memory_space<vmem>>, vector<32x256xf32>
    %div3A_1091 = arith.divf %get3A_1087, %get3A_1090 : vector<32x256xf32>
    %get3A_1092 = arith.constant 0 : index
    %get3A_1093 = arith.constant 512 : index
    %get3A_1094 = vector.load %arg7[%get3A_1092, %get3A_1093] : memref<32x8192xf32, #tpu.memory_space<vmem>>, vector<32x512xf32>
    %dot_general3A_1095 = arith.constant dense<0.000000e+00> : vector<32x256xf32>
    %dot_general3A_1096 = tpu.matmul %get3A_1094, %convert_element_type3A_75, %dot_general3A_1095 {dimension_numbers = #tpu.dot_dimension_numbers<[1], [0], [0], [1], [0, 0, 1, 1], [], []>, precision = #tpu.contract_precision<fp32>, transpose_lhs_hint = false} : vector<32x512xf32>, vector<512x256xf32>, vector<32x256xf32> -> vector<32x256xf32>
    %dot_general3A_1097 = arith.constant dense<0.000000e+00> : vector<32x256xf32>
    %dot_general3A_1098 = tpu.matmul %get3A_1094, %convert_element_type3A_86, %dot_general3A_1097 {dimension_numbers = #tpu.dot_dimension_numbers<[1], [0], [0], [1], [0, 0, 1, 1], [], []>, precision = #tpu.contract_precision<fp32>, transpose_lhs_hint = false} : vector<32x512xf32>, vector<512x256xf32>, vector<32x256xf32> -> vector<32x256xf32>
    %concatenate3A_1099 = tpu.concatenate %dot_general3A_1096, %dot_general3A_1098 in 0 : vector<32x256xf32>, vector<32x256xf32> -> vector<64x256xf32>
    %dot_general3A_1100 = arith.constant dense<0.000000e+00> : vector<64x256xf32>
    %dot_general3A_1101 = tpu.matmul %concatenate3A_274, %concatenate3A_1099, %dot_general3A_1100 {dimension_numbers = #tpu.dot_dimension_numbers<[1], [0], [0], [1], [0, 0, 1, 1], [], []>, precision = #tpu.contract_precision<fp32>, transpose_lhs_hint = false} : vector<64x64xf32>, vector<64x256xf32>, vector<64x256xf32> -> vector<64x256xf32>
    %slice3A_1102 = vector.extract_strided_slice %dot_general3A_1101 {offsets = [0, 0], sizes = [32, 256], strides = [1, 1]} : vector<64x256xf32> to vector<32x256xf32>
    %mul3A_1103 = arith.mulf %div3A_1091, %slice3A_1102 : vector<32x256xf32>
    %slice3A_1104 = vector.extract_strided_slice %dot_general3A_1101 {offsets = [32, 0], sizes = [32, 256], strides = [1, 1]} : vector<64x256xf32> to vector<32x256xf32>
    %mul3A_1105 = arith.mulf %div3A_1091, %slice3A_1104 : vector<32x256xf32>
    %concatenate3A_1106 = tpu.concatenate %mul3A_1103, %mul3A_1105 in 1 : vector<32x256xf32>, vector<32x256xf32> -> vector<32x512xf32>
    %concatenate3A_1107 = tpu.concatenate %convert_element_type3A_94, %convert_element_type3A_105 in 0 : vector<256x512xf32>, vector<256x512xf32> -> vector<512x512xf32>
    %dot_general3A_1108 = arith.constant dense<0.000000e+00> : vector<32x512xf32>
    %dot_general3A_1109 = tpu.matmul %concatenate3A_1106, %concatenate3A_1107, %dot_general3A_1108 {dimension_numbers = #tpu.dot_dimension_numbers<[1], [0], [0], [1], [0, 0, 1, 1], [], []>, precision = #tpu.contract_precision<fp32>, transpose_lhs_hint = false} : vector<32x512xf32>, vector<512x512xf32>, vector<32x512xf32> -> vector<32x512xf32>
    %swap3A_1110 = arith.constant 0 : index
    %swap3A_1111 = arith.constant 512 : index
    %swap3A_1112 = vector.load %arg9[%swap3A_1110, %swap3A_1111] : memref<32x8192xf32, #tpu.memory_space<vmem>>, vector<32x512xf32>
    tpu.vector_store %arg9[%swap3A_1110, %swap3A_1111], %dot_general3A_1109 {strides = array<i32>} : memref<32x8192xf32, #tpu.memory_space<vmem>>, vector<32x512xf32>,
    %dot_general3A_1113 = arith.constant dense<0.000000e+00> : vector<32x64xf32>
    %dot_general3A_1114 = tpu.matmul %div3A_1091, %concatenate3A_1099, %dot_general3A_1113 {dimension_numbers = #tpu.dot_dimension_numbers<[1], [1], [0], [0], [0, 0, 1, 0], [], []>, precision = #tpu.contract_precision<fp32>, transpose_lhs_hint = false} : vector<32x256xf32>, vector<64x256xf32>, vector<32x64xf32> -> vector<32x64xf32>
    %add3A_1115 = arith.addf %add3A_1084, %dot_general3A_1114 : vector<32x64xf32>
    %get3A_1116 = arith.constant 0 : index
    %get3A_1117 = arith.constant 512 : index
    %get3A_1118 = vector.load %arg9[%get3A_1116, %get3A_1117] : memref<32x8192xf32, #tpu.memory_space<vmem>>, vector<32x512xf32>
    %get3A_1119 = arith.constant 0 : index
    %get3A_1120 = arith.constant 512 : index
    %get3A_1121 = vector.load %arg8[%get3A_1119, %get3A_1120] : memref<32x8192xf32, #tpu.memory_space<vmem>>, vector<32x512xf32>
    %div3A_1122 = arith.divf %get3A_1118, %get3A_1121 : vector<32x512xf32>
    %get3A_1123 = arith.constant 0 : index
    %get3A_1124 = arith.constant 1024 : index
    %get3A_1125 = vector.load %arg7[%get3A_1123, %get3A_1124] : memref<32x8192xf32, #tpu.memory_space<vmem>>, vector<32x1024xf32>
    %slice3A_1126 = vector.extract_strided_slice %get3A_1125 {offsets = [0, 0], sizes = [32, 512], strides = [1, 1]} : vector<32x1024xf32> to vector<32x512xf32>
    %dot_general3A_1127 = arith.constant dense<0.000000e+00> : vector<32x256xf32>
    %dot_general3A_1128 = tpu.matmul %slice3A_1126, %convert_element_type3A_75, %dot_general3A_1127 {dimension_numbers = #tpu.dot_dimension_numbers<[1], [0], [0], [1], [0, 0, 1, 1], [], []>, precision = #tpu.contract_precision<fp32>, transpose_lhs_hint = false} : vector<32x512xf32>, vector<512x256xf32>, vector<32x256xf32> -> vector<32x256xf32>
    %dot_general3A_1129 = arith.constant dense<0.000000e+00> : vector<32x256xf32>
    %dot_general3A_1130 = tpu.matmul %slice3A_1126, %convert_element_type3A_86, %dot_general3A_1129 {dimension_numbers = #tpu.dot_dimension_numbers<[1], [0], [0], [1], [0, 0, 1, 1], [], []>, precision = #tpu.contract_precision<fp32>, transpose_lhs_hint = false} : vector<32x512xf32>, vector<512x256xf32>, vector<32x256xf32> -> vector<32x256xf32>
    %slice3A_1131 = vector.extract_strided_slice %get3A_1125 {offsets = [0, 512], sizes = [32, 512], strides = [1, 1]} : vector<32x1024xf32> to vector<32x512xf32>
    %dot_general3A_1132 = arith.constant dense<0.000000e+00> : vector<32x256xf32>
    %dot_general3A_1133 = tpu.matmul %slice3A_1131, %convert_element_type3A_75, %dot_general3A_1132 {dimension_numbers = #tpu.dot_dimension_numbers<[1], [0], [0], [1], [0, 0, 1, 1], [], []>, precision = #tpu.contract_precision<fp32>, transpose_lhs_hint = false} : vector<32x512xf32>, vector<512x256xf32>, vector<32x256xf32> -> vector<32x256xf32>
    %dot_general3A_1134 = arith.constant dense<0.000000e+00> : vector<32x256xf32>
    %dot_general3A_1135 = tpu.matmul %slice3A_1131, %convert_element_type3A_86, %dot_general3A_1134 {dimension_numbers = #tpu.dot_dimension_numbers<[1], [0], [0], [1], [0, 0, 1, 1], [], []>, precision = #tpu.contract_precision<fp32>, transpose_lhs_hint = false} : vector<32x512xf32>, vector<512x256xf32>, vector<32x256xf32> -> vector<32x256xf32>
    %concatenate3A_1136 = tpu.concatenate %dot_general3A_1128, %dot_general3A_1133 in 1 : vector<32x256xf32>, vector<32x256xf32> -> vector<32x512xf32>
    %concatenate3A_1137 = tpu.concatenate %dot_general3A_1130, %dot_general3A_1135 in 1 : vector<32x256xf32>, vector<32x256xf32> -> vector<32x512xf32>
    %concatenate3A_1138 = tpu.concatenate %concatenate3A_1136, %concatenate3A_1137 in 0 : vector<32x512xf32>, vector<32x512xf32> -> vector<64x512xf32>
    %dot_general3A_1139 = arith.constant dense<0.000000e+00> : vector<64x512xf32>
    %dot_general3A_1140 = tpu.matmul %concatenate3A_274, %concatenate3A_1138, %dot_general3A_1139 {dimension_numbers = #tpu.dot_dimension_numbers<[1], [0], [0], [1], [0, 0, 1, 1], [], []>, precision = #tpu.contract_precision<fp32>, transpose_lhs_hint = false} : vector<64x64xf32>, vector<64x512xf32>, vector<64x512xf32> -> vector<64x512xf32>
    %slice3A_1141 = vector.extract_strided_slice %dot_general3A_1140 {offsets = [0, 0], sizes = [32, 512], strides = [1, 1]} : vector<64x512xf32> to vector<32x512xf32>
    %mul3A_1142 = arith.mulf %div3A_1122, %slice3A_1141 : vector<32x512xf32>
    %slice3A_1143 = vector.extract_strided_slice %dot_general3A_1140 {offsets = [32, 0], sizes = [32, 512], strides = [1, 1]} : vector<64x512xf32> to vector<32x512xf32>
    %mul3A_1144 = arith.mulf %div3A_1122, %slice3A_1143 : vector<32x512xf32>
    %slice3A_1145 = vector.extract_strided_slice %mul3A_1142 {offsets = [0, 0], sizes = [32, 256], strides = [1, 1]} : vector<32x512xf32> to vector<32x256xf32>
    %slice3A_1146 = vector.extract_strided_slice %mul3A_1144 {offsets = [0, 0], sizes = [32, 256], strides = [1, 1]} : vector<32x512xf32> to vector<32x256xf32>
    %concatenate3A_1147 = tpu.concatenate %slice3A_1145, %slice3A_1146 in 1 : vector<32x256xf32>, vector<32x256xf32> -> vector<32x512xf32>
    %dot_general3A_1148 = arith.constant dense<0.000000e+00> : vector<32x512xf32>
    %dot_general3A_1149 = tpu.matmul %concatenate3A_1147, %concatenate3A_275, %dot_general3A_1148 {dimension_numbers = #tpu.dot_dimension_numbers<[1], [0], [0], [1], [0, 0, 1, 1], [], []>, precision = #tpu.contract_precision<fp32>, transpose_lhs_hint = false} : vector<32x512xf32>, vector<512x512xf32>, vector<32x512xf32> -> vector<32x512xf32>
    %slice3A_1150 = vector.extract_strided_slice %mul3A_1142 {offsets = [0, 256], sizes = [32, 256], strides = [1, 1]} : vector<32x512xf32> to vector<32x256xf32>
    %slice3A_1151 = vector.extract_strided_slice %mul3A_1144 {offsets = [0, 256], sizes = [32, 256], strides = [1, 1]} : vector<32x512xf32> to vector<32x256xf32>
    %concatenate3A_1152 = tpu.concatenate %slice3A_1150, %slice3A_1151 in 1 : vector<32x256xf32>, vector<32x256xf32> -> vector<32x512xf32>
    %dot_general3A_1153 = arith.constant dense<0.000000e+00> : vector<32x512xf32>
    %dot_general3A_1154 = tpu.matmul %concatenate3A_1152, %concatenate3A_275, %dot_general3A_1153 {dimension_numbers = #tpu.dot_dimension_numbers<[1], [0], [0], [1], [0, 0, 1, 1], [], []>, precision = #tpu.contract_precision<fp32>, transpose_lhs_hint = false} : vector<32x512xf32>, vector<512x512xf32>, vector<32x512xf32> -> vector<32x512xf32>
    %concatenate3A_1155 = tpu.concatenate %dot_general3A_1149, %dot_general3A_1154 in 1 : vector<32x512xf32>, vector<32x512xf32> -> vector<32x1024xf32>
    %swap3A_1156 = arith.constant 0 : index
    %swap3A_1157 = arith.constant 1024 : index
    %swap3A_1158 = vector.load %arg9[%swap3A_1156, %swap3A_1157] : memref<32x8192xf32, #tpu.memory_space<vmem>>, vector<32x1024xf32>
    tpu.vector_store %arg9[%swap3A_1156, %swap3A_1157], %concatenate3A_1155 {strides = array<i32>} : memref<32x8192xf32, #tpu.memory_space<vmem>>, vector<32x1024xf32>,
    %dot_general3A_1159 = arith.constant dense<0.000000e+00> : vector<32x64xf32>
    %dot_general3A_1160 = tpu.matmul %div3A_1122, %concatenate3A_1138, %dot_general3A_1159 {dimension_numbers = #tpu.dot_dimension_numbers<[1], [1], [0], [0], [0, 0, 1, 0], [], []>, precision = #tpu.contract_precision<fp32>, transpose_lhs_hint = false} : vector<32x512xf32>, vector<64x512xf32>, vector<32x64xf32> -> vector<32x64xf32>
    %add3A_1161 = arith.addf %add3A_1115, %dot_general3A_1160 : vector<32x64xf32>
    %get3A_1162 = arith.constant 0 : index
    %get3A_1163 = arith.constant 1024 : index
    %get3A_1164 = vector.load %arg9[%get3A_1162, %get3A_1163] : memref<32x8192xf32, #tpu.memory_space<vmem>>, vector<32x1024xf32>
    %get3A_1165 = arith.constant 0 : index
    %get3A_1166 = arith.constant 1024 : index
    %get3A_1167 = vector.load %arg8[%get3A_1165, %get3A_1166] : memref<32x8192xf32, #tpu.memory_space<vmem>>, vector<32x1024xf32>
    %div3A_1168 = arith.divf %get3A_1164, %get3A_1167 : vector<32x1024xf32>
    %get3A_1169 = arith.constant 0 : index
    %get3A_1170 = arith.constant 2048 : index
    %get3A_1171 = vector.load %arg7[%get3A_1169, %get3A_1170] : memref<32x8192xf32, #tpu.memory_space<vmem>>, vector<32x2048xf32>
    %slice3A_1172 = vector.extract_strided_slice %get3A_1171 {offsets = [0, 0], sizes = [32, 512], strides = [1, 1]} : vector<32x2048xf32> to vector<32x512xf32>
    %dot_general3A_1173 = arith.constant dense<0.000000e+00> : vector<32x256xf32>
    %dot_general3A_1174 = tpu.matmul %slice3A_1172, %convert_element_type3A_75, %dot_general3A_1173 {dimension_numbers = #tpu.dot_dimension_numbers<[1], [0], [0], [1], [0, 0, 1, 1], [], []>, precision = #tpu.contract_precision<fp32>, transpose_lhs_hint = false} : vector<32x512xf32>, vector<512x256xf32>, vector<32x256xf32> -> vector<32x256xf32>
    %dot_general3A_1175 = arith.constant dense<0.000000e+00> : vector<32x256xf32>
    %dot_general3A_1176 = tpu.matmul %slice3A_1172, %convert_element_type3A_86, %dot_general3A_1175 {dimension_numbers = #tpu.dot_dimension_numbers<[1], [0], [0], [1], [0, 0, 1, 1], [], []>, precision = #tpu.contract_precision<fp32>, transpose_lhs_hint = false} : vector<32x512xf32>, vector<512x256xf32>, vector<32x256xf32> -> vector<32x256xf32>
    %slice3A_1177 = vector.extract_strided_slice %get3A_1171 {offsets = [0, 512], sizes = [32, 512], strides = [1, 1]} : vector<32x2048xf32> to vector<32x512xf32>
    %dot_general3A_1178 = arith.constant dense<0.000000e+00> : vector<32x256xf32>
    %dot_general3A_1179 = tpu.matmul %slice3A_1177, %convert_element_type3A_75, %dot_general3A_1178 {dimension_numbers = #tpu.dot_dimension_numbers<[1], [0], [0], [1], [0, 0, 1, 1], [], []>, precision = #tpu.contract_precision<fp32>, transpose_lhs_hint = false} : vector<32x512xf32>, vector<512x256xf32>, vector<32x256xf32> -> vector<32x256xf32>
    %dot_general3A_1180 = arith.constant dense<0.000000e+00> : vector<32x256xf32>
    %dot_general3A_1181 = tpu.matmul %slice3A_1177, %convert_element_type3A_86, %dot_general3A_1180 {dimension_numbers = #tpu.dot_dimension_numbers<[1], [0], [0], [1], [0, 0, 1, 1], [], []>, precision = #tpu.contract_precision<fp32>, transpose_lhs_hint = false} : vector<32x512xf32>, vector<512x256xf32>, vector<32x256xf32> -> vector<32x256xf32>
    %slice3A_1182 = vector.extract_strided_slice %get3A_1171 {offsets = [0, 1024], sizes = [32, 512], strides = [1, 1]} : vector<32x2048xf32> to vector<32x512xf32>
    %dot_general3A_1183 = arith.constant dense<0.000000e+00> : vector<32x256xf32>
    %dot_general3A_1184 = tpu.matmul %slice3A_1182, %convert_element_type3A_75, %dot_general3A_1183 {dimension_numbers = #tpu.dot_dimension_numbers<[1], [0], [0], [1], [0, 0, 1, 1], [], []>, precision = #tpu.contract_precision<fp32>, transpose_lhs_hint = false} : vector<32x512xf32>, vector<512x256xf32>, vector<32x256xf32> -> vector<32x256xf32>
    %dot_general3A_1185 = arith.constant dense<0.000000e+00> : vector<32x256xf32>
    %dot_general3A_1186 = tpu.matmul %slice3A_1182, %convert_element_type3A_86, %dot_general3A_1185 {dimension_numbers = #tpu.dot_dimension_numbers<[1], [0], [0], [1], [0, 0, 1, 1], [], []>, precision = #tpu.contract_precision<fp32>, transpose_lhs_hint = false} : vector<32x512xf32>, vector<512x256xf32>, vector<32x256xf32> -> vector<32x256xf32>
    %slice3A_1187 = vector.extract_strided_slice %get3A_1171 {offsets = [0, 1536], sizes = [32, 512], strides = [1, 1]} : vector<32x2048xf32> to vector<32x512xf32>
    %dot_general3A_1188 = arith.constant dense<0.000000e+00> : vector<32x256xf32>
    %dot_general3A_1189 = tpu.matmul %slice3A_1187, %convert_element_type3A_75, %dot_general3A_1188 {dimension_numbers = #tpu.dot_dimension_numbers<[1], [0], [0], [1], [0, 0, 1, 1], [], []>, precision = #tpu.contract_precision<fp32>, transpose_lhs_hint = false} : vector<32x512xf32>, vector<512x256xf32>, vector<32x256xf32> -> vector<32x256xf32>
    %dot_general3A_1190 = arith.constant dense<0.000000e+00> : vector<32x256xf32>
    %dot_general3A_1191 = tpu.matmul %slice3A_1187, %convert_element_type3A_86, %dot_general3A_1190 {dimension_numbers = #tpu.dot_dimension_numbers<[1], [0], [0], [1], [0, 0, 1, 1], [], []>, precision = #tpu.contract_precision<fp32>, transpose_lhs_hint = false} : vector<32x512xf32>, vector<512x256xf32>, vector<32x256xf32> -> vector<32x256xf32>
    %concatenate3A_1192 = tpu.concatenate %dot_general3A_1174, %dot_general3A_1179, %dot_general3A_1184, %dot_general3A_1189 in 1 : vector<32x256xf32>, vector<32x256xf32>, vector<32x256xf32>, vector<32x256xf32> -> vector<32x1024xf32>
    %concatenate3A_1193 = tpu.concatenate %dot_general3A_1176, %dot_general3A_1181, %dot_general3A_1186, %dot_general3A_1191 in 1 : vector<32x256xf32>, vector<32x256xf32>, vector<32x256xf32>, vector<32x256xf32> -> vector<32x1024xf32>
    %concatenate3A_1194 = tpu.concatenate %concatenate3A_1192, %concatenate3A_1193 in 0 : vector<32x1024xf32>, vector<32x1024xf32> -> vector<64x1024xf32>
    %dot_general3A_1195 = arith.constant dense<0.000000e+00> : vector<64x1024xf32>
    %dot_general3A_1196 = tpu.matmul %concatenate3A_274, %concatenate3A_1194, %dot_general3A_1195 {dimension_numbers = #tpu.dot_dimension_numbers<[1], [0], [0], [1], [0, 0, 1, 1], [], []>, precision = #tpu.contract_precision<fp32>, transpose_lhs_hint = false} : vector<64x64xf32>, vector<64x1024xf32>, vector<64x1024xf32> -> vector<64x1024xf32>
    %slice3A_1197 = vector.extract_strided_slice %dot_general3A_1196 {offsets = [0, 0], sizes = [32, 1024], strides = [1, 1]} : vector<64x1024xf32> to vector<32x1024xf32>
    %mul3A_1198 = arith.mulf %div3A_1168, %slice3A_1197 : vector<32x1024xf32>
    %slice3A_1199 = vector.extract_strided_slice %dot_general3A_1196 {offsets = [32, 0], sizes = [32, 1024], strides = [1, 1]} : vector<64x1024xf32> to vector<32x1024xf32>
    %mul3A_1200 = arith.mulf %div3A_1168, %slice3A_1199 : vector<32x1024xf32>
    %slice3A_1201 = vector.extract_strided_slice %mul3A_1198 {offsets = [0, 0], sizes = [32, 256], strides = [1, 1]} : vector<32x1024xf32> to vector<32x256xf32>
    %slice3A_1202 = vector.extract_strided_slice %mul3A_1200 {offsets = [0, 0], sizes = [32, 256], strides = [1, 1]} : vector<32x1024xf32> to vector<32x256xf32>
    %concatenate3A_1203 = tpu.concatenate %slice3A_1201, %slice3A_1202 in 1 : vector<32x256xf32>, vector<32x256xf32> -> vector<32x512xf32>
    %dot_general3A_1204 = arith.constant dense<0.000000e+00> : vector<32x512xf32>
    %dot_general3A_1205 = tpu.matmul %concatenate3A_1203, %concatenate3A_275, %dot_general3A_1204 {dimension_numbers = #tpu.dot_dimension_numbers<[1], [0], [0], [1], [0, 0, 1, 1], [], []>, precision = #tpu.contract_precision<fp32>, transpose_lhs_hint = false} : vector<32x512xf32>, vector<512x512xf32>, vector<32x512xf32> -> vector<32x512xf32>
    %slice3A_1206 = vector.extract_strided_slice %mul3A_1198 {offsets = [0, 256], sizes = [32, 256], strides = [1, 1]} : vector<32x1024xf32> to vector<32x256xf32>
    %slice3A_1207 = vector.extract_strided_slice %mul3A_1200 {offsets = [0, 256], sizes = [32, 256], strides = [1, 1]} : vector<32x1024xf32> to vector<32x256xf32>
    %concatenate3A_1208 = tpu.concatenate %slice3A_1206, %slice3A_1207 in 1 : vector<32x256xf32>, vector<32x256xf32> -> vector<32x512xf32>
    %dot_general3A_1209 = arith.constant dense<0.000000e+00> : vector<32x512xf32>
    %dot_general3A_1210 = tpu.matmul %concatenate3A_1208, %concatenate3A_275, %dot_general3A_1209 {dimension_numbers = #tpu.dot_dimension_numbers<[1], [0], [0], [1], [0, 0, 1, 1], [], []>, precision = #tpu.contract_precision<fp32>, transpose_lhs_hint = false} : vector<32x512xf32>, vector<512x512xf32>, vector<32x512xf32> -> vector<32x512xf32>
    %slice3A_1211 = vector.extract_strided_slice %mul3A_1198 {offsets = [0, 512], sizes = [32, 256], strides = [1, 1]} : vector<32x1024xf32> to vector<32x256xf32>
    %slice3A_1212 = vector.extract_strided_slice %mul3A_1200 {offsets = [0, 512], sizes = [32, 256], strides = [1, 1]} : vector<32x1024xf32> to vector<32x256xf32>
    %concatenate3A_1213 = tpu.concatenate %slice3A_1211, %slice3A_1212 in 1 : vector<32x256xf32>, vector<32x256xf32> -> vector<32x512xf32>
    %dot_general3A_1214 = arith.constant dense<0.000000e+00> : vector<32x512xf32>
    %dot_general3A_1215 = tpu.matmul %concatenate3A_1213, %concatenate3A_275, %dot_general3A_1214 {dimension_numbers = #tpu.dot_dimension_numbers<[1], [0], [0], [1], [0, 0, 1, 1], [], []>, precision = #tpu.contract_precision<fp32>, transpose_lhs_hint = false} : vector<32x512xf32>, vector<512x512xf32>, vector<32x512xf32> -> vector<32x512xf32>
    %slice3A_1216 = vector.extract_strided_slice %mul3A_1198 {offsets = [0, 768], sizes = [32, 256], strides = [1, 1]} : vector<32x1024xf32> to vector<32x256xf32>
    %slice3A_1217 = vector.extract_strided_slice %mul3A_1200 {offsets = [0, 768], sizes = [32, 256], strides = [1, 1]} : vector<32x1024xf32> to vector<32x256xf32>
    %concatenate3A_1218 = tpu.concatenate %slice3A_1216, %slice3A_1217 in 1 : vector<32x256xf32>, vector<32x256xf32> -> vector<32x512xf32>
    %dot_general3A_1219 = arith.constant dense<0.000000e+00> : vector<32x512xf32>
    %dot_general3A_1220 = tpu.matmul %concatenate3A_1218, %concatenate3A_275, %dot_general3A_1219 {dimension_numbers = #tpu.dot_dimension_numbers<[1], [0], [0], [1], [0, 0, 1, 1], [], []>, precision = #tpu.contract_precision<fp32>, transpose_lhs_hint = false} : vector<32x512xf32>, vector<512x512xf32>, vector<32x512xf32> -> vector<32x512xf32>
    %concatenate3A_1221 = tpu.concatenate %dot_general3A_1205, %dot_general3A_1210, %dot_general3A_1215, %dot_general3A_1220 in 1 : vector<32x512xf32>, vector<32x512xf32>, vector<32x512xf32>, vector<32x512xf32> -> vector<32x2048xf32>
    %swap3A_1222 = arith.constant 0 : index
    %swap3A_1223 = arith.constant 2048 : index
    %swap3A_1224 = vector.load %arg9[%swap3A_1222, %swap3A_1223] : memref<32x8192xf32, #tpu.memory_space<vmem>>, vector<32x2048xf32>
    tpu.vector_store %arg9[%swap3A_1222, %swap3A_1223], %concatenate3A_1221 {strides = array<i32>} : memref<32x8192xf32, #tpu.memory_space<vmem>>, vector<32x2048xf32>,
    %dot_general3A_1225 = arith.constant dense<0.000000e+00> : vector<32x64xf32>
    %dot_general3A_1226 = tpu.matmul %div3A_1168, %concatenate3A_1194, %dot_general3A_1225 {dimension_numbers = #tpu.dot_dimension_numbers<[1], [1], [0], [0], [0, 0, 1, 0], [], []>, precision = #tpu.contract_precision<fp32>, transpose_lhs_hint = false} : vector<32x1024xf32>, vector<64x1024xf32>, vector<32x64xf32> -> vector<32x64xf32>
    %add3A_1227 = arith.addf %add3A_1161, %dot_general3A_1226 : vector<32x64xf32>
    %get3A_1228 = arith.constant 0 : index
    %get3A_1229 = arith.constant 2048 : index
    %get3A_1230 = vector.load %arg9[%get3A_1228, %get3A_1229] : memref<32x8192xf32, #tpu.memory_space<vmem>>, vector<32x2048xf32>
    %get3A_1231 = arith.constant 0 : index
    %get3A_1232 = arith.constant 2048 : index
    %get3A_1233 = vector.load %arg8[%get3A_1231, %get3A_1232] : memref<32x8192xf32, #tpu.memory_space<vmem>>, vector<32x2048xf32>
    %div3A_1234 = arith.divf %get3A_1230, %get3A_1233 : vector<32x2048xf32>
    %get3A_1235 = arith.constant 0 : index
    %get3A_1236 = arith.constant 4096 : index
    %get3A_1237 = vector.load %arg7[%get3A_1235, %get3A_1236] : memref<32x8192xf32, #tpu.memory_space<vmem>>, vector<32x4096xf32>
    %slice3A_1238 = vector.extract_strided_slice %get3A_1237 {offsets = [0, 0], sizes = [32, 512], strides = [1, 1]} : vector<32x4096xf32> to vector<32x512xf32>
    %dot_general3A_1239 = arith.constant dense<0.000000e+00> : vector<32x256xf32>
    %dot_general3A_1240 = tpu.matmul %slice3A_1238, %convert_element_type3A_75, %dot_general3A_1239 {dimension_numbers = #tpu.dot_dimension_numbers<[1], [0], [0], [1], [0, 0, 1, 1], [], []>, precision = #tpu.contract_precision<fp32>, transpose_lhs_hint = false} : vector<32x512xf32>, vector<512x256xf32>, vector<32x256xf32> -> vector<32x256xf32>
    %dot_general3A_1241 = arith.constant dense<0.000000e+00> : vector<32x256xf32>
    %dot_general3A_1242 = tpu.matmul %slice3A_1238, %convert_element_type3A_86, %dot_general3A_1241 {dimension_numbers = #tpu.dot_dimension_numbers<[1], [0], [0], [1], [0, 0, 1, 1], [], []>, precision = #tpu.contract_precision<fp32>, transpose_lhs_hint = false} : vector<32x512xf32>, vector<512x256xf32>, vector<32x256xf32> -> vector<32x256xf32>
    %slice3A_1243 = vector.extract_strided_slice %get3A_1237 {offsets = [0, 512], sizes = [32, 512], strides = [1, 1]} : vector<32x4096xf32> to vector<32x512xf32>
    %dot_general3A_1244 = arith.constant dense<0.000000e+00> : vector<32x256xf32>
    %dot_general3A_1245 = tpu.matmul %slice3A_1243, %convert_element_type3A_75, %dot_general3A_1244 {dimension_numbers = #tpu.dot_dimension_numbers<[1], [0], [0], [1], [0, 0, 1, 1], [], []>, precision = #tpu.contract_precision<fp32>, transpose_lhs_hint = false} : vector<32x512xf32>, vector<512x256xf32>, vector<32x256xf32> -> vector<32x256xf32>
    %dot_general3A_1246 = arith.constant dense<0.000000e+00> : vector<32x256xf32>
    %dot_general3A_1247 = tpu.matmul %slice3A_1243, %convert_element_type3A_86, %dot_general3A_1246 {dimension_numbers = #tpu.dot_dimension_numbers<[1], [0], [0], [1], [0, 0, 1, 1], [], []>, precision = #tpu.contract_precision<fp32>, transpose_lhs_hint = false} : vector<32x512xf32>, vector<512x256xf32>, vector<32x256xf32> -> vector<32x256xf32>
    %slice3A_1248 = vector.extract_strided_slice %get3A_1237 {offsets = [0, 1024], sizes = [32, 512], strides = [1, 1]} : vector<32x4096xf32> to vector<32x512xf32>
    %dot_general3A_1249 = arith.constant dense<0.000000e+00> : vector<32x256xf32>
    %dot_general3A_1250 = tpu.matmul %slice3A_1248, %convert_element_type3A_75, %dot_general3A_1249 {dimension_numbers = #tpu.dot_dimension_numbers<[1], [0], [0], [1], [0, 0, 1, 1], [], []>, precision = #tpu.contract_precision<fp32>, transpose_lhs_hint = false} : vector<32x512xf32>, vector<512x256xf32>, vector<32x256xf32> -> vector<32x256xf32>
    %dot_general3A_1251 = arith.constant dense<0.000000e+00> : vector<32x256xf32>
    %dot_general3A_1252 = tpu.matmul %slice3A_1248, %convert_element_type3A_86, %dot_general3A_1251 {dimension_numbers = #tpu.dot_dimension_numbers<[1], [0], [0], [1], [0, 0, 1, 1], [], []>, precision = #tpu.contract_precision<fp32>, transpose_lhs_hint = false} : vector<32x512xf32>, vector<512x256xf32>, vector<32x256xf32> -> vector<32x256xf32>
    %slice3A_1253 = vector.extract_strided_slice %get3A_1237 {offsets = [0, 1536], sizes = [32, 512], strides = [1, 1]} : vector<32x4096xf32> to vector<32x512xf32>
    %dot_general3A_1254 = arith.constant dense<0.000000e+00> : vector<32x256xf32>
    %dot_general3A_1255 = tpu.matmul %slice3A_1253, %convert_element_type3A_75, %dot_general3A_1254 {dimension_numbers = #tpu.dot_dimension_numbers<[1], [0], [0], [1], [0, 0, 1, 1], [], []>, precision = #tpu.contract_precision<fp32>, transpose_lhs_hint = false} : vector<32x512xf32>, vector<512x256xf32>, vector<32x256xf32> -> vector<32x256xf32>
    %dot_general3A_1256 = arith.constant dense<0.000000e+00> : vector<32x256xf32>
    %dot_general3A_1257 = tpu.matmul %slice3A_1253, %convert_element_type3A_86, %dot_general3A_1256 {dimension_numbers = #tpu.dot_dimension_numbers<[1], [0], [0], [1], [0, 0, 1, 1], [], []>, precision = #tpu.contract_precision<fp32>, transpose_lhs_hint = false} : vector<32x512xf32>, vector<512x256xf32>, vector<32x256xf32> -> vector<32x256xf32>
    %slice3A_1258 = vector.extract_strided_slice %get3A_1237 {offsets = [0, 2048], sizes = [32, 512], strides = [1, 1]} : vector<32x4096xf32> to vector<32x512xf32>
    %dot_general3A_1259 = arith.constant dense<0.000000e+00> : vector<32x256xf32>
    %dot_general3A_1260 = tpu.matmul %slice3A_1258, %convert_element_type3A_75, %dot_general3A_1259 {dimension_numbers = #tpu.dot_dimension_numbers<[1], [0], [0], [1], [0, 0, 1, 1], [], []>, precision = #tpu.contract_precision<fp32>, transpose_lhs_hint = false} : vector<32x512xf32>, vector<512x256xf32>, vector<32x256xf32> -> vector<32x256xf32>
    %dot_general3A_1261 = arith.constant dense<0.000000e+00> : vector<32x256xf32>
    %dot_general3A_1262 = tpu.matmul %slice3A_1258, %convert_element_type3A_86, %dot_general3A_1261 {dimension_numbers = #tpu.dot_dimension_numbers<[1], [0], [0], [1], [0, 0, 1, 1], [], []>, precision = #tpu.contract_precision<fp32>, transpose_lhs_hint = false} : vector<32x512xf32>, vector<512x256xf32>, vector<32x256xf32> -> vector<32x256xf32>
    %slice3A_1263 = vector.extract_strided_slice %get3A_1237 {offsets = [0, 2560], sizes = [32, 512], strides = [1, 1]} : vector<32x4096xf32> to vector<32x512xf32>
    %dot_general3A_1264 = arith.constant dense<0.000000e+00> : vector<32x256xf32>
    %dot_general3A_1265 = tpu.matmul %slice3A_1263, %convert_element_type3A_75, %dot_general3A_1264 {dimension_numbers = #tpu.dot_dimension_numbers<[1], [0], [0], [1], [0, 0, 1, 1], [], []>, precision = #tpu.contract_precision<fp32>, transpose_lhs_hint = false} : vector<32x512xf32>, vector<512x256xf32>, vector<32x256xf32> -> vector<32x256xf32>
    %dot_general3A_1266 = arith.constant dense<0.000000e+00> : vector<32x256xf32>
    %dot_general3A_1267 = tpu.matmul %slice3A_1263, %convert_element_type3A_86, %dot_general3A_1266 {dimension_numbers = #tpu.dot_dimension_numbers<[1], [0], [0], [1], [0, 0, 1, 1], [], []>, precision = #tpu.contract_precision<fp32>, transpose_lhs_hint = false} : vector<32x512xf32>, vector<512x256xf32>, vector<32x256xf32> -> vector<32x256xf32>
    %slice3A_1268 = vector.extract_strided_slice %get3A_1237 {offsets = [0, 3072], sizes = [32, 512], strides = [1, 1]} : vector<32x4096xf32> to vector<32x512xf32>
    %dot_general3A_1269 = arith.constant dense<0.000000e+00> : vector<32x256xf32>
    %dot_general3A_1270 = tpu.matmul %slice3A_1268, %convert_element_type3A_75, %dot_general3A_1269 {dimension_numbers = #tpu.dot_dimension_numbers<[1], [0], [0], [1], [0, 0, 1, 1], [], []>, precision = #tpu.contract_precision<fp32>, transpose_lhs_hint = false} : vector<32x512xf32>, vector<512x256xf32>, vector<32x256xf32> -> vector<32x256xf32>
    %dot_general3A_1271 = arith.constant dense<0.000000e+00> : vector<32x256xf32>
    %dot_general3A_1272 = tpu.matmul %slice3A_1268, %convert_element_type3A_86, %dot_general3A_1271 {dimension_numbers = #tpu.dot_dimension_numbers<[1], [0], [0], [1], [0, 0, 1, 1], [], []>, precision = #tpu.contract_precision<fp32>, transpose_lhs_hint = false} : vector<32x512xf32>, vector<512x256xf32>, vector<32x256xf32> -> vector<32x256xf32>
    %slice3A_1273 = vector.extract_strided_slice %get3A_1237 {offsets = [0, 3584], sizes = [32, 512], strides = [1, 1]} : vector<32x4096xf32> to vector<32x512xf32>
    %dot_general3A_1274 = arith.constant dense<0.000000e+00> : vector<32x256xf32>
    %dot_general3A_1275 = tpu.matmul %slice3A_1273, %convert_element_type3A_75, %dot_general3A_1274 {dimension_numbers = #tpu.dot_dimension_numbers<[1], [0], [0], [1], [0, 0, 1, 1], [], []>, precision = #tpu.contract_precision<fp32>, transpose_lhs_hint = false} : vector<32x512xf32>, vector<512x256xf32>, vector<32x256xf32> -> vector<32x256xf32>
    %dot_general3A_1276 = arith.constant dense<0.000000e+00> : vector<32x256xf32>
    %dot_general3A_1277 = tpu.matmul %slice3A_1273, %convert_element_type3A_86, %dot_general3A_1276 {dimension_numbers = #tpu.dot_dimension_numbers<[1], [0], [0], [1], [0, 0, 1, 1], [], []>, precision = #tpu.contract_precision<fp32>, transpose_lhs_hint = false} : vector<32x512xf32>, vector<512x256xf32>, vector<32x256xf32> -> vector<32x256xf32>
    %concatenate3A_1278 = tpu.concatenate %dot_general3A_1240, %dot_general3A_1245, %dot_general3A_1250, %dot_general3A_1255, %dot_general3A_1260, %dot_general3A_1265, %dot_general3A_1270, %dot_general3A_1275 in 1 : vector<32x256xf32>, vector<32x256xf32>, vector<32x256xf32>, vector<32x256xf32>, vector<32x256xf32>, vector<32x256xf32>, vector<32x256xf32>, vector<32x256xf32> -> vector<32x2048xf32>
    %concatenate3A_1279 = tpu.concatenate %dot_general3A_1242, %dot_general3A_1247, %dot_general3A_1252, %dot_general3A_1257, %dot_general3A_1262, %dot_general3A_1267, %dot_general3A_1272, %dot_general3A_1277 in 1 : vector<32x256xf32>, vector<32x256xf32>, vector<32x256xf32>, vector<32x256xf32>, vector<32x256xf32>, vector<32x256xf32>, vector<32x256xf32>, vector<32x256xf32> -> vector<32x2048xf32>
    %concatenate3A_1280 = tpu.concatenate %concatenate3A_1278, %concatenate3A_1279 in 0 : vector<32x2048xf32>, vector<32x2048xf32> -> vector<64x2048xf32>
    %dot_general3A_1281 = arith.constant dense<0.000000e+00> : vector<64x2048xf32>
    %dot_general3A_1282 = tpu.matmul %concatenate3A_274, %concatenate3A_1280, %dot_general3A_1281 {dimension_numbers = #tpu.dot_dimension_numbers<[1], [0], [0], [1], [0, 0, 1, 1], [], []>, precision = #tpu.contract_precision<fp32>, transpose_lhs_hint = false} : vector<64x64xf32>, vector<64x2048xf32>, vector<64x2048xf32> -> vector<64x2048xf32>
    %slice3A_1283 = vector.extract_strided_slice %dot_general3A_1282 {offsets = [0, 0], sizes = [32, 2048], strides = [1, 1]} : vector<64x2048xf32> to vector<32x2048xf32>
    %mul3A_1284 = arith.mulf %div3A_1234, %slice3A_1283 : vector<32x2048xf32>
    %slice3A_1285 = vector.extract_strided_slice %dot_general3A_1282 {offsets = [32, 0], sizes = [32, 2048], strides = [1, 1]} : vector<64x2048xf32> to vector<32x2048xf32>
    %mul3A_1286 = arith.mulf %div3A_1234, %slice3A_1285 : vector<32x2048xf32>
    %slice3A_1287 = vector.extract_strided_slice %mul3A_1284 {offsets = [0, 0], sizes = [32, 256], strides = [1, 1]} : vector<32x2048xf32> to vector<32x256xf32>
    %slice3A_1288 = vector.extract_strided_slice %mul3A_1286 {offsets = [0, 0], sizes = [32, 256], strides = [1, 1]} : vector<32x2048xf32> to vector<32x256xf32>
    %concatenate3A_1289 = tpu.concatenate %slice3A_1287, %slice3A_1288 in 1 : vector<32x256xf32>, vector<32x256xf32> -> vector<32x512xf32>
    %dot_general3A_1290 = arith.constant dense<0.000000e+00> : vector<32x512xf32>
    %dot_general3A_1291 = tpu.matmul %concatenate3A_1289, %concatenate3A_275, %dot_general3A_1290 {dimension_numbers = #tpu.dot_dimension_numbers<[1], [0], [0], [1], [0, 0, 1, 1], [], []>, precision = #tpu.contract_precision<fp32>, transpose_lhs_hint = false} : vector<32x512xf32>, vector<512x512xf32>, vector<32x512xf32> -> vector<32x512xf32>
    %slice3A_1292 = vector.extract_strided_slice %mul3A_1284 {offsets = [0, 256], sizes = [32, 256], strides = [1, 1]} : vector<32x2048xf32> to vector<32x256xf32>
    %slice3A_1293 = vector.extract_strided_slice %mul3A_1286 {offsets = [0, 256], sizes = [32, 256], strides = [1, 1]} : vector<32x2048xf32> to vector<32x256xf32>
    %concatenate3A_1294 = tpu.concatenate %slice3A_1292, %slice3A_1293 in 1 : vector<32x256xf32>, vector<32x256xf32> -> vector<32x512xf32>
    %dot_general3A_1295 = arith.constant dense<0.000000e+00> : vector<32x512xf32>
    %dot_general3A_1296 = tpu.matmul %concatenate3A_1294, %concatenate3A_275, %dot_general3A_1295 {dimension_numbers = #tpu.dot_dimension_numbers<[1], [0], [0], [1], [0, 0, 1, 1], [], []>, precision = #tpu.contract_precision<fp32>, transpose_lhs_hint = false} : vector<32x512xf32>, vector<512x512xf32>, vector<32x512xf32> -> vector<32x512xf32>
    %slice3A_1297 = vector.extract_strided_slice %mul3A_1284 {offsets = [0, 512], sizes = [32, 256], strides = [1, 1]} : vector<32x2048xf32> to vector<32x256xf32>
    %slice3A_1298 = vector.extract_strided_slice %mul3A_1286 {offsets = [0, 512], sizes = [32, 256], strides = [1, 1]} : vector<32x2048xf32> to vector<32x256xf32>
    %concatenate3A_1299 = tpu.concatenate %slice3A_1297, %slice3A_1298 in 1 : vector<32x256xf32>, vector<32x256xf32> -> vector<32x512xf32>
    %dot_general3A_1300 = arith.constant dense<0.000000e+00> : vector<32x512xf32>
    %dot_general3A_1301 = tpu.matmul %concatenate3A_1299, %concatenate3A_275, %dot_general3A_1300 {dimension_numbers = #tpu.dot_dimension_numbers<[1], [0], [0], [1], [0, 0, 1, 1], [], []>, precision = #tpu.contract_precision<fp32>, transpose_lhs_hint = false} : vector<32x512xf32>, vector<512x512xf32>, vector<32x512xf32> -> vector<32x512xf32>
    %slice3A_1302 = vector.extract_strided_slice %mul3A_1284 {offsets = [0, 768], sizes = [32, 256], strides = [1, 1]} : vector<32x2048xf32> to vector<32x256xf32>
    %slice3A_1303 = vector.extract_strided_slice %mul3A_1286 {offsets = [0, 768], sizes = [32, 256], strides = [1, 1]} : vector<32x2048xf32> to vector<32x256xf32>
    %concatenate3A_1304 = tpu.concatenate %slice3A_1302, %slice3A_1303 in 1 : vector<32x256xf32>, vector<32x256xf32> -> vector<32x512xf32>
    %dot_general3A_1305 = arith.constant dense<0.000000e+00> : vector<32x512xf32>
    %dot_general3A_1306 = tpu.matmul %concatenate3A_1304, %concatenate3A_275, %dot_general3A_1305 {dimension_numbers = #tpu.dot_dimension_numbers<[1], [0], [0], [1], [0, 0, 1, 1], [], []>, precision = #tpu.contract_precision<fp32>, transpose_lhs_hint = false} : vector<32x512xf32>, vector<512x512xf32>, vector<32x512xf32> -> vector<32x512xf32>
    %slice3A_1307 = vector.extract_strided_slice %mul3A_1284 {offsets = [0, 1024], sizes = [32, 256], strides = [1, 1]} : vector<32x2048xf32> to vector<32x256xf32>
    %slice3A_1308 = vector.extract_strided_slice %mul3A_1286 {offsets = [0, 1024], sizes = [32, 256], strides = [1, 1]} : vector<32x2048xf32> to vector<32x256xf32>
    %concatenate3A_1309 = tpu.concatenate %slice3A_1307, %slice3A_1308 in 1 : vector<32x256xf32>, vector<32x256xf32> -> vector<32x512xf32>
    %dot_general3A_1310 = arith.constant dense<0.000000e+00> : vector<32x512xf32>
    %dot_general3A_1311 = tpu.matmul %concatenate3A_1309, %concatenate3A_275, %dot_general3A_1310 {dimension_numbers = #tpu.dot_dimension_numbers<[1], [0], [0], [1], [0, 0, 1, 1], [], []>, precision = #tpu.contract_precision<fp32>, transpose_lhs_hint = false} : vector<32x512xf32>, vector<512x512xf32>, vector<32x512xf32> -> vector<32x512xf32>
    %slice3A_1312 = vector.extract_strided_slice %mul3A_1284 {offsets = [0, 1280], sizes = [32, 256], strides = [1, 1]} : vector<32x2048xf32> to vector<32x256xf32>
    %slice3A_1313 = vector.extract_strided_slice %mul3A_1286 {offsets = [0, 1280], sizes = [32, 256], strides = [1, 1]} : vector<32x2048xf32> to vector<32x256xf32>
    %concatenate3A_1314 = tpu.concatenate %slice3A_1312, %slice3A_1313 in 1 : vector<32x256xf32>, vector<32x256xf32> -> vector<32x512xf32>
    %dot_general3A_1315 = arith.constant dense<0.000000e+00> : vector<32x512xf32>
    %dot_general3A_1316 = tpu.matmul %concatenate3A_1314, %concatenate3A_275, %dot_general3A_1315 {dimension_numbers = #tpu.dot_dimension_numbers<[1], [0], [0], [1], [0, 0, 1, 1], [], []>, precision = #tpu.contract_precision<fp32>, transpose_lhs_hint = false} : vector<32x512xf32>, vector<512x512xf32>, vector<32x512xf32> -> vector<32x512xf32>
    %slice3A_1317 = vector.extract_strided_slice %mul3A_1284 {offsets = [0, 1536], sizes = [32, 256], strides = [1, 1]} : vector<32x2048xf32> to vector<32x256xf32>
    %slice3A_1318 = vector.extract_strided_slice %mul3A_1286 {offsets = [0, 1536], sizes = [32, 256], strides = [1, 1]} : vector<32x2048xf32> to vector<32x256xf32>
    %concatenate3A_1319 = tpu.concatenate %slice3A_1317, %slice3A_1318 in 1 : vector<32x256xf32>, vector<32x256xf32> -> vector<32x512xf32>
    %dot_general3A_1320 = arith.constant dense<0.000000e+00> : vector<32x512xf32>
    %dot_general3A_1321 = tpu.matmul %concatenate3A_1319, %concatenate3A_275, %dot_general3A_1320 {dimension_numbers = #tpu.dot_dimension_numbers<[1], [0], [0], [1], [0, 0, 1, 1], [], []>, precision = #tpu.contract_precision<fp32>, transpose_lhs_hint = false} : vector<32x512xf32>, vector<512x512xf32>, vector<32x512xf32> -> vector<32x512xf32>
    %slice3A_1322 = vector.extract_strided_slice %mul3A_1284 {offsets = [0, 1792], sizes = [32, 256], strides = [1, 1]} : vector<32x2048xf32> to vector<32x256xf32>
    %slice3A_1323 = vector.extract_strided_slice %mul3A_1286 {offsets = [0, 1792], sizes = [32, 256], strides = [1, 1]} : vector<32x2048xf32> to vector<32x256xf32>
    %concatenate3A_1324 = tpu.concatenate %slice3A_1322, %slice3A_1323 in 1 : vector<32x256xf32>, vector<32x256xf32> -> vector<32x512xf32>
    %dot_general3A_1325 = arith.constant dense<0.000000e+00> : vector<32x512xf32>
    %dot_general3A_1326 = tpu.matmul %concatenate3A_1324, %concatenate3A_275, %dot_general3A_1325 {dimension_numbers = #tpu.dot_dimension_numbers<[1], [0], [0], [1], [0, 0, 1, 1], [], []>, precision = #tpu.contract_precision<fp32>, transpose_lhs_hint = false} : vector<32x512xf32>, vector<512x512xf32>, vector<32x512xf32> -> vector<32x512xf32>
    %concatenate3A_1327 = tpu.concatenate %dot_general3A_1291, %dot_general3A_1296, %dot_general3A_1301, %dot_general3A_1306, %dot_general3A_1311, %dot_general3A_1316, %dot_general3A_1321, %dot_general3A_1326 in 1 : vector<32x512xf32>, vector<32x512xf32>, vector<32x512xf32>, vector<32x512xf32>, vector<32x512xf32>, vector<32x512xf32>, vector<32x512xf32>, vector<32x512xf32> -> vector<32x4096xf32>
    %swap3A_1328 = arith.constant 0 : index
    %swap3A_1329 = arith.constant 4096 : index
    %swap3A_1330 = vector.load %arg9[%swap3A_1328, %swap3A_1329] : memref<32x8192xf32, #tpu.memory_space<vmem>>, vector<32x4096xf32>
    tpu.vector_store %arg9[%swap3A_1328, %swap3A_1329], %concatenate3A_1327 {strides = array<i32>} : memref<32x8192xf32, #tpu.memory_space<vmem>>, vector<32x4096xf32>,
    %dot_general3A_1331 = arith.constant dense<0.000000e+00> : vector<32x64xf32>
    %dot_general3A_1332 = tpu.matmul %div3A_1234, %concatenate3A_1280, %dot_general3A_1331 {dimension_numbers = #tpu.dot_dimension_numbers<[1], [1], [0], [0], [0, 0, 1, 0], [], []>, precision = #tpu.contract_precision<fp32>, transpose_lhs_hint = false} : vector<32x2048xf32>, vector<64x2048xf32>, vector<32x64xf32> -> vector<32x64xf32>
    %add3A_1333 = arith.addf %add3A_1227, %dot_general3A_1332 : vector<32x64xf32>
    %slice3A_1334 = vector.extract_strided_slice %add3A_1333 {offsets = [0, 0], sizes = [32, 32], strides = [1, 1]} : vector<32x64xf32> to vector<32x32xf32>
    %slice3A_1335 = vector.extract_strided_slice %add3A_1333 {offsets = [0, 32], sizes = [32, 32], strides = [1, 1]} : vector<32x64xf32> to vector<32x32xf32>
    %get3A_1336 = arith.constant 0 : index
    %get3A_1337 = arith.constant 0 : index
    %get3A_1338 = vector.load %arg9[%get3A_1336, %get3A_1337] : memref<32x8192xf32, #tpu.memory_space<vmem>>, vector<32x8192xf32>
    %mul3A_1339 = arith.mulf %get3A_1338, %get3A_8 : vector<32x8192xf32>
    %reduce_sum3A_1340 = arith.constant dense<0.000000e+00> : vector<32xf32>
    %reduce_sum3A_1341 = vector.multi_reduction <add>, %mul3A_1339, %reduce_sum3A_1340 [1] : vector<32x8192xf32> to vector<32xf32>
    %broadcast_in_dim3A_1342 = vector.shape_cast %reduce_sum3A_1341 : vector<32xf32> to vector<32x1xf32>
    %reduce_sum3A_1343 = arith.constant dense<0.000000e+00> : vector<32xf32>
    %reduce_sum3A_1344 = vector.multi_reduction <add>, %get3A_1338, %reduce_sum3A_1343 [1] : vector<32x8192xf32> to vector<32xf32>
    %broadcast_in_dim3A_1345 = vector.shape_cast %reduce_sum3A_1344 : vector<32xf32> to vector<32x1xf32>
    %mul3A_1346 = arith.mulf %add3A, %broadcast_in_dim3A_1345 : vector<32x1xf32>
    %sub3A_1347 = arith.subf %broadcast_in_dim3A_1342, %mul3A_1346 : vector<32x1xf32>
    %slice3A_1348 = vector.extract_strided_slice %sub3A_52 {offsets = [0, 0], sizes = [8, 1], strides = [1, 1]} : vector<8x8xf32> to vector<8x1xf32>
    %slice3A_1349 = vector.extract_strided_slice %sub3A_52 {offsets = [0, 2], sizes = [8, 1], strides = [1, 1]} : vector<8x8xf32> to vector<8x1xf32>
    %slice3A_1350 = vector.extract_strided_slice %sub3A_52 {offsets = [0, 4], sizes = [8, 1], strides = [1, 1]} : vector<8x8xf32> to vector<8x1xf32>
    %slice3A_1351 = vector.extract_strided_slice %sub3A_52 {offsets = [0, 6], sizes = [8, 1], strides = [1, 1]} : vector<8x8xf32> to vector<8x1xf32>
    %concatenate3A_1352 = tpu.concatenate %slice3A_1348, %slice3A_1349, %slice3A_1350, %slice3A_1351 in 0 : vector<8x1xf32>, vector<8x1xf32>, vector<8x1xf32>, vector<8x1xf32> -> vector<32x1xf32>
    %slice3A_1353 = vector.extract_strided_slice %sub3A_52 {offsets = [0, 1], sizes = [8, 1], strides = [1, 1]} : vector<8x8xf32> to vector<8x1xf32>
    %slice3A_1354 = vector.extract_strided_slice %sub3A_52 {offsets = [0, 3], sizes = [8, 1], strides = [1, 1]} : vector<8x8xf32> to vector<8x1xf32>
    %slice3A_1355 = vector.extract_strided_slice %sub3A_52 {offsets = [0, 5], sizes = [8, 1], strides = [1, 1]} : vector<8x8xf32> to vector<8x1xf32>
    %slice3A_1356 = vector.extract_strided_slice %sub3A_52 {offsets = [0, 7], sizes = [8, 1], strides = [1, 1]} : vector<8x8xf32> to vector<8x1xf32>
    %concatenate3A_1357 = tpu.concatenate %slice3A_1353, %slice3A_1354, %slice3A_1355, %slice3A_1356 in 0 : vector<8x1xf32>, vector<8x1xf32>, vector<8x1xf32>, vector<8x1xf32> -> vector<32x1xf32>
    %broadcast_in_dim3A_1358 = vector.shape_cast %concatenate3A_1352 : vector<32x1xf32> to vector<32x1xf32>
    %broadcast_in_dim3A_1359 = vector.broadcast %broadcast_in_dim3A_1358 : vector<32x1xf32> to vector<32x4096xf32>
    %broadcast_in_dim3A_1360 = vector.shape_cast %concatenate3A_1357 : vector<32x1xf32> to vector<32x1xf32>
    %broadcast_in_dim3A_1361 = vector.broadcast %broadcast_in_dim3A_1360 : vector<32x1xf32> to vector<32x4096xf32>
    %select_n3A_1362 = arith.select %eq3A_300, %broadcast_in_dim3A_1359, %broadcast_in_dim3A_1361 : vector<32x4096xi1>, vector<32x4096xf32>
    %slice3A_1363 = vector.extract_strided_slice %get3A_1338 {offsets = [0, 4096], sizes = [32, 4096], strides = [1, 1]} : vector<32x8192xf32> to vector<32x4096xf32>
    %mul3A_1364 = arith.mulf %slice3A_1363, %select_n3A_1362 : vector<32x4096xf32>
    %reduce_sum3A_1365 = arith.constant dense<0.000000e+00> : vector<32xf32>
    %reduce_sum3A_1366 = vector.multi_reduction <add>, %mul3A_1364, %reduce_sum3A_1365 [1] : vector<32x4096xf32> to vector<32xf32>
    %broadcast_in_dim3A_1367 = vector.shape_cast %reduce_sum3A_1366 : vector<32xf32> to vector<32x1xf32>
    %add3A_1368 = arith.addf %sub3A_1347, %broadcast_in_dim3A_1367 : vector<32x1xf32>
    %slice3A_1369 = vector.extract_strided_slice %div3A_28 {offsets = [0, 0], sizes = [8, 8], strides = [1, 1]} : vector<8x64xf32> to vector<8x8xf32>
    %slice3A_1370 = vector.extract_strided_slice %div3A_66 {offsets = [0, 0], sizes = [1, 1], strides = [1, 1]} : vector<4x2xf32> to vector<1x1xf32>
    %mul3A_1371 = vector.broadcast %slice3A_1370 : vector<1x1xf32> to vector<8x8xf32>
    %mul3A_1372 = arith.mulf %slice3A_1369, %mul3A_1371 : vector<8x8xf32>
    %slice3A_1373 = vector.extract_strided_slice %sub3A_33 {offsets = [0, 0], sizes = [8, 8], strides = [1, 1]} : vector<8x64xf32> to vector<8x8xf32>
    %slice3A_1374 = vector.extract_strided_slice %sub3A_71 {offsets = [0, 0], sizes = [1, 1], strides = [1, 1]} : vector<4x2xf32> to vector<1x1xf32>
    %add3A_1375 = vector.broadcast %slice3A_1374 : vector<1x1xf32> to vector<8x8xf32>
    %add3A_1376 = arith.addf %slice3A_1373, %add3A_1375 : vector<8x8xf32>
    %mul3A_1377 = arith.mulf %mul3A_1372, %add3A_1376 : vector<8x8xf32>
    %slice3A_1378 = vector.extract_strided_slice %div3A_28 {offsets = [0, 8], sizes = [8, 8], strides = [1, 1]} : vector<8x64xf32> to vector<8x8xf32>
    %slice3A_1379 = vector.extract_strided_slice %div3A_66 {offsets = [1, 0], sizes = [1, 1], strides = [1, 1]} : vector<4x2xf32> to vector<1x1xf32>
    %mul3A_1380 = vector.broadcast %slice3A_1379 : vector<1x1xf32> to vector<8x8xf32>
    %mul3A_1381 = arith.mulf %slice3A_1378, %mul3A_1380 : vector<8x8xf32>
    %slice3A_1382 = vector.extract_strided_slice %sub3A_33 {offsets = [0, 8], sizes = [8, 8], strides = [1, 1]} : vector<8x64xf32> to vector<8x8xf32>
    %slice3A_1383 = vector.extract_strided_slice %sub3A_71 {offsets = [1, 0], sizes = [1, 1], strides = [1, 1]} : vector<4x2xf32> to vector<1x1xf32>
    %add3A_1384 = vector.broadcast %slice3A_1383 : vector<1x1xf32> to vector<8x8xf32>
    %add3A_1385 = arith.addf %slice3A_1382, %add3A_1384 : vector<8x8xf32>
    %mul3A_1386 = arith.mulf %mul3A_1381, %add3A_1385 : vector<8x8xf32>
    %slice3A_1387 = vector.extract_strided_slice %div3A_28 {offsets = [0, 16], sizes = [8, 8], strides = [1, 1]} : vector<8x64xf32> to vector<8x8xf32>
    %slice3A_1388 = vector.extract_strided_slice %div3A_66 {offsets = [2, 0], sizes = [1, 1], strides = [1, 1]} : vector<4x2xf32> to vector<1x1xf32>
    %mul3A_1389 = vector.broadcast %slice3A_1388 : vector<1x1xf32> to vector<8x8xf32>
    %mul3A_1390 = arith.mulf %slice3A_1387, %mul3A_1389 : vector<8x8xf32>
    %slice3A_1391 = vector.extract_strided_slice %sub3A_33 {offsets = [0, 16], sizes = [8, 8], strides = [1, 1]} : vector<8x64xf32> to vector<8x8xf32>
    %slice3A_1392 = vector.extract_strided_slice %sub3A_71 {offsets = [2, 0], sizes = [1, 1], strides = [1, 1]} : vector<4x2xf32> to vector<1x1xf32>
    %add3A_1393 = vector.broadcast %slice3A_1392 : vector<1x1xf32> to vector<8x8xf32>
    %add3A_1394 = arith.addf %slice3A_1391, %add3A_1393 : vector<8x8xf32>
    %mul3A_1395 = arith.mulf %mul3A_1390, %add3A_1394 : vector<8x8xf32>
    %slice3A_1396 = vector.extract_strided_slice %div3A_28 {offsets = [0, 24], sizes = [8, 8], strides = [1, 1]} : vector<8x64xf32> to vector<8x8xf32>
    %slice3A_1397 = vector.extract_strided_slice %div3A_66 {offsets = [3, 0], sizes = [1, 1], strides = [1, 1]} : vector<4x2xf32> to vector<1x1xf32>
    %mul3A_1398 = vector.broadcast %slice3A_1397 : vector<1x1xf32> to vector<8x8xf32>
    %mul3A_1399 = arith.mulf %slice3A_1396, %mul3A_1398 : vector<8x8xf32>
    %slice3A_1400 = vector.extract_strided_slice %sub3A_33 {offsets = [0, 24], sizes = [8, 8], strides = [1, 1]} : vector<8x64xf32> to vector<8x8xf32>
    %slice3A_1401 = vector.extract_strided_slice %sub3A_71 {offsets = [3, 0], sizes = [1, 1], strides = [1, 1]} : vector<4x2xf32> to vector<1x1xf32>
    %add3A_1402 = vector.broadcast %slice3A_1401 : vector<1x1xf32> to vector<8x8xf32>
    %add3A_1403 = arith.addf %slice3A_1400, %add3A_1402 : vector<8x8xf32>
    %mul3A_1404 = arith.mulf %mul3A_1399, %add3A_1403 : vector<8x8xf32>
    %broadcast_in_dim3A_1405 = arith.constant 0.000000e+00 : f32
    %broadcast_in_dim3A_1406 = vector.broadcast %broadcast_in_dim3A_1405 : f32 to vector<8x24xf32>
    %concatenate3A_1407 = tpu.concatenate %mul3A_1377, %broadcast_in_dim3A_1406 in 1 : vector<8x8xf32>, vector<8x24xf32> -> vector<8x32xf32>
    %broadcast_in_dim3A_1408 = arith.constant 0.000000e+00 : f32
    %broadcast_in_dim3A_1409 = vector.broadcast %broadcast_in_dim3A_1408 : f32 to vector<8x8xf32>
    %broadcast_in_dim3A_1410 = arith.constant 0.000000e+00 : f32
    %broadcast_in_dim3A_1411 = vector.broadcast %broadcast_in_dim3A_1410 : f32 to vector<8x16xf32>
    %concatenate3A_1412 = tpu.concatenate %broadcast_in_dim3A_1409, %mul3A_1386, %broadcast_in_dim3A_1411 in 1 : vector<8x8xf32>, vector<8x8xf32>, vector<8x16xf32> -> vector<8x32xf32>
    %broadcast_in_dim3A_1413 = arith.constant 0.000000e+00 : f32
    %broadcast_in_dim3A_1414 = vector.broadcast %broadcast_in_dim3A_1413 : f32 to vector<8x16xf32>
    %broadcast_in_dim3A_1415 = arith.constant 0.000000e+00 : f32
    %broadcast_in_dim3A_1416 = vector.broadcast %broadcast_in_dim3A_1415 : f32 to vector<8x8xf32>
    %concatenate3A_1417 = tpu.concatenate %broadcast_in_dim3A_1414, %mul3A_1395, %broadcast_in_dim3A_1416 in 1 : vector<8x16xf32>, vector<8x8xf32>, vector<8x8xf32> -> vector<8x32xf32>
    %broadcast_in_dim3A_1418 = arith.constant 0.000000e+00 : f32
    %broadcast_in_dim3A_1419 = vector.broadcast %broadcast_in_dim3A_1418 : f32 to vector<8x24xf32>
    %concatenate3A_1420 = tpu.concatenate %broadcast_in_dim3A_1419, %mul3A_1404 in 1 : vector<8x24xf32>, vector<8x8xf32> -> vector<8x32xf32>
    %concatenate3A_1421 = tpu.concatenate %concatenate3A_1407, %concatenate3A_1412, %concatenate3A_1417, %concatenate3A_1420 in 0 : vector<8x32xf32>, vector<8x32xf32>, vector<8x32xf32>, vector<8x32xf32> -> vector<32x32xf32>
    %mul3A_1422 = arith.mulf %slice3A_1334, %concatenate3A_1421 : vector<32x32xf32>
    %reduce_sum3A_1423 = arith.constant dense<0.000000e+00> : vector<32xf32>
    %reduce_sum3A_1424 = vector.multi_reduction <add>, %mul3A_1422, %reduce_sum3A_1423 [1] : vector<32x32xf32> to vector<32xf32>
    %broadcast_in_dim3A_1425 = vector.shape_cast %reduce_sum3A_1424 : vector<32xf32> to vector<32x1xf32>
    %add3A_1426 = arith.addf %add3A_1368, %broadcast_in_dim3A_1425 : vector<32x1xf32>
    %slice3A_1427 = vector.extract_strided_slice %div3A_28 {offsets = [0, 32], sizes = [8, 8], strides = [1, 1]} : vector<8x64xf32> to vector<8x8xf32>
    %slice3A_1428 = vector.extract_strided_slice %div3A_66 {offsets = [0, 1], sizes = [1, 1], strides = [1, 1]} : vector<4x2xf32> to vector<1x1xf32>
    %mul3A_1429 = vector.broadcast %slice3A_1428 : vector<1x1xf32> to vector<8x8xf32>
    %mul3A_1430 = arith.mulf %slice3A_1427, %mul3A_1429 : vector<8x8xf32>
    %slice3A_1431 = vector.extract_strided_slice %sub3A_33 {offsets = [0, 32], sizes = [8, 8], strides = [1, 1]} : vector<8x64xf32> to vector<8x8xf32>
    %slice3A_1432 = vector.extract_strided_slice %sub3A_71 {offsets = [0, 1], sizes = [1, 1], strides = [1, 1]} : vector<4x2xf32> to vector<1x1xf32>
    %add3A_1433 = vector.broadcast %slice3A_1432 : vector<1x1xf32> to vector<8x8xf32>
    %add3A_1434 = arith.addf %slice3A_1431, %add3A_1433 : vector<8x8xf32>
    %mul3A_1435 = arith.mulf %mul3A_1430, %add3A_1434 : vector<8x8xf32>
    %slice3A_1436 = vector.extract_strided_slice %div3A_28 {offsets = [0, 40], sizes = [8, 8], strides = [1, 1]} : vector<8x64xf32> to vector<8x8xf32>
    %slice3A_1437 = vector.extract_strided_slice %div3A_66 {offsets = [1, 1], sizes = [1, 1], strides = [1, 1]} : vector<4x2xf32> to vector<1x1xf32>
    %mul3A_1438 = vector.broadcast %slice3A_1437 : vector<1x1xf32> to vector<8x8xf32>
    %mul3A_1439 = arith.mulf %slice3A_1436, %mul3A_1438 : vector<8x8xf32>
    %slice3A_1440 = vector.extract_strided_slice %sub3A_33 {offsets = [0, 40], sizes = [8, 8], strides = [1, 1]} : vector<8x64xf32> to vector<8x8xf32>
    %slice3A_1441 = vector.extract_strided_slice %sub3A_71 {offsets = [1, 1], sizes = [1, 1], strides = [1, 1]} : vector<4x2xf32> to vector<1x1xf32>
    %add3A_1442 = vector.broadcast %slice3A_1441 : vector<1x1xf32> to vector<8x8xf32>
    %add3A_1443 = arith.addf %slice3A_1440, %add3A_1442 : vector<8x8xf32>
    %mul3A_1444 = arith.mulf %mul3A_1439, %add3A_1443 : vector<8x8xf32>
    %slice3A_1445 = vector.extract_strided_slice %div3A_28 {offsets = [0, 48], sizes = [8, 8], strides = [1, 1]} : vector<8x64xf32> to vector<8x8xf32>
    %slice3A_1446 = vector.extract_strided_slice %div3A_66 {offsets = [2, 1], sizes = [1, 1], strides = [1, 1]} : vector<4x2xf32> to vector<1x1xf32>
    %mul3A_1447 = vector.broadcast %slice3A_1446 : vector<1x1xf32> to vector<8x8xf32>
    %mul3A_1448 = arith.mulf %slice3A_1445, %mul3A_1447 : vector<8x8xf32>
    %slice3A_1449 = vector.extract_strided_slice %sub3A_33 {offsets = [0, 48], sizes = [8, 8], strides = [1, 1]} : vector<8x64xf32> to vector<8x8xf32>
    %slice3A_1450 = vector.extract_strided_slice %sub3A_71 {offsets = [2, 1], sizes = [1, 1], strides = [1, 1]} : vector<4x2xf32> to vector<1x1xf32>
    %add3A_1451 = vector.broadcast %slice3A_1450 : vector<1x1xf32> to vector<8x8xf32>
    %add3A_1452 = arith.addf %slice3A_1449, %add3A_1451 : vector<8x8xf32>
    %mul3A_1453 = arith.mulf %mul3A_1448, %add3A_1452 : vector<8x8xf32>
    %slice3A_1454 = vector.extract_strided_slice %div3A_28 {offsets = [0, 56], sizes = [8, 8], strides = [1, 1]} : vector<8x64xf32> to vector<8x8xf32>
    %slice3A_1455 = vector.extract_strided_slice %div3A_66 {offsets = [3, 1], sizes = [1, 1], strides = [1, 1]} : vector<4x2xf32> to vector<1x1xf32>
    %mul3A_1456 = vector.broadcast %slice3A_1455 : vector<1x1xf32> to vector<8x8xf32>
    %mul3A_1457 = arith.mulf %slice3A_1454, %mul3A_1456 : vector<8x8xf32>
    %slice3A_1458 = vector.extract_strided_slice %sub3A_33 {offsets = [0, 56], sizes = [8, 8], strides = [1, 1]} : vector<8x64xf32> to vector<8x8xf32>
    %slice3A_1459 = vector.extract_strided_slice %sub3A_71 {offsets = [3, 1], sizes = [1, 1], strides = [1, 1]} : vector<4x2xf32> to vector<1x1xf32>
    %add3A_1460 = vector.broadcast %slice3A_1459 : vector<1x1xf32> to vector<8x8xf32>
    %add3A_1461 = arith.addf %slice3A_1458, %add3A_1460 : vector<8x8xf32>
    %mul3A_1462 = arith.mulf %mul3A_1457, %add3A_1461 : vector<8x8xf32>
    %broadcast_in_dim3A_1463 = arith.constant 0.000000e+00 : f32
    %broadcast_in_dim3A_1464 = vector.broadcast %broadcast_in_dim3A_1463 : f32 to vector<8x24xf32>
    %concatenate3A_1465 = tpu.concatenate %mul3A_1435, %broadcast_in_dim3A_1464 in 1 : vector<8x8xf32>, vector<8x24xf32> -> vector<8x32xf32>
    %broadcast_in_dim3A_1466 = arith.constant 0.000000e+00 : f32
    %broadcast_in_dim3A_1467 = vector.broadcast %broadcast_in_dim3A_1466 : f32 to vector<8x8xf32>
    %broadcast_in_dim3A_1468 = arith.constant 0.000000e+00 : f32
    %broadcast_in_dim3A_1469 = vector.broadcast %broadcast_in_dim3A_1468 : f32 to vector<8x16xf32>
    %concatenate3A_1470 = tpu.concatenate %broadcast_in_dim3A_1467, %mul3A_1444, %broadcast_in_dim3A_1469 in 1 : vector<8x8xf32>, vector<8x8xf32>, vector<8x16xf32> -> vector<8x32xf32>
    %broadcast_in_dim3A_1471 = arith.constant 0.000000e+00 : f32
    %broadcast_in_dim3A_1472 = vector.broadcast %broadcast_in_dim3A_1471 : f32 to vector<8x16xf32>
    %broadcast_in_dim3A_1473 = arith.constant 0.000000e+00 : f32
    %broadcast_in_dim3A_1474 = vector.broadcast %broadcast_in_dim3A_1473 : f32 to vector<8x8xf32>
    %concatenate3A_1475 = tpu.concatenate %broadcast_in_dim3A_1472, %mul3A_1453, %broadcast_in_dim3A_1474 in 1 : vector<8x16xf32>, vector<8x8xf32>, vector<8x8xf32> -> vector<8x32xf32>
    %broadcast_in_dim3A_1476 = arith.constant 0.000000e+00 : f32
    %broadcast_in_dim3A_1477 = vector.broadcast %broadcast_in_dim3A_1476 : f32 to vector<8x24xf32>
    %concatenate3A_1478 = tpu.concatenate %broadcast_in_dim3A_1477, %mul3A_1462 in 1 : vector<8x24xf32>, vector<8x8xf32> -> vector<8x32xf32>
    %concatenate3A_1479 = tpu.concatenate %concatenate3A_1465, %concatenate3A_1470, %concatenate3A_1475, %concatenate3A_1478 in 0 : vector<8x32xf32>, vector<8x32xf32>, vector<8x32xf32>, vector<8x32xf32> -> vector<32x32xf32>
    %mul3A_1480 = arith.mulf %slice3A_1335, %concatenate3A_1479 : vector<32x32xf32>
    %reduce_sum3A_1481 = arith.constant dense<0.000000e+00> : vector<32xf32>
    %reduce_sum3A_1482 = vector.multi_reduction <add>, %mul3A_1480, %reduce_sum3A_1481 [1] : vector<32x32xf32> to vector<32xf32>
    %broadcast_in_dim3A_1483 = vector.shape_cast %reduce_sum3A_1482 : vector<32xf32> to vector<32x1xf32>
    %add3A_1484 = arith.addf %add3A_1426, %broadcast_in_dim3A_1483 : vector<32x1xf32>
    %dot_general3A_1485 = arith.constant dense<0.000000e+00> : vector<4x1xf32>
    %dot_general3A_1486 = tpu.matmul %convert_element_type3A_202, %add3A_1484, %dot_general3A_1485 {dimension_numbers = #tpu.dot_dimension_numbers<[1], [0], [0], [1], [0, 0, 1, 1], [], []>, precision = #tpu.contract_precision<fp32>, transpose_lhs_hint = false} : vector<4x32xf32>, vector<32x1xf32>, vector<4x1xf32> -> vector<4x1xf32>
    %swap3A_1487 = arith.constant 0 : index
    %swap3A_1488 = arith.constant 0 : index
    %swap3A_1489 = vector.load %arg5[%swap3A_1487, %swap3A_1488] : memref<4x1xf32, #tpu.memory_space<vmem>>, vector<4x1xf32>
    tpu.vector_store %arg5[%swap3A_1487, %swap3A_1488], %dot_general3A_1486 {strides = array<i32>} : memref<4x1xf32, #tpu.memory_space<vmem>>, vector<4x1xf32>,
    return
  }
}

</mosaic_0001>

<sc_bundles>
// kernel: kernel.4.cloned.1.call-start
scs
__scs_entry_jumppad:
0x0: {  	(pc) =	sbr.rel $0x88, $3  }
0x1: {  	(tag) =	ssettag $0x0;
	lr =	simm.s32 $0x1  }
0x2: {  	[smem:$0x3F9C] =	sst lr;
	_ =	strace $0xD0000000  }
0x3: {  	_ = 	snop  }
0x4: {  	_ = 	snop  }
0x5: {  	_ = 	snop  }
0x6: {  	_ = 	snop  }
0x7: {  	_ = 	snop  }
__scs_overlays_trampoline_lowered:
0x8: {  	[smem:$0x3FAB] =	sst s0  }
0x9: {  	[smem:$0x3FAC] =	sst s1  }
0xa: {  	[smem:$0x3FAD] =	sst s2  }
0xb: {  	[smem:$0x3FAE] =	sst s3  }
0xc: {  	[smem:$0x3FAF] =	sst s4  }
0xd: {  	[smem:$0x3FB0] =	sst s5  }
0xe: {  	[smem:$0x3FB1] =	sst s6  }
0xf: {  	[smem:$0x3FB2] =	sst s7  }
0x10: {  	[smem:$0x3FB3] =	sst s8  }
0x11: {  	[smem:$0x3FB4] =	sst s9;
	s0 =	simm.s32 @!p0 $0x0  }
0x12: {  	s1 =	sld [smem:$0x3F9A];
	s0 =	simm.s32 @p0 $0x1  }
0x13: {  	[smem:$0x3FB5] =	sst s0;
	s0 =	simm.s32 @!p1 $0x0  }
0x14: {  	s2 =	sld [smem:$0x3F99];
	s0 =	simm.s32 @p1 $0x1  }
0x15: {  	[smem:$0x3FB6] =	sst s0;
	s0 =	simm.s32 @!p2 $0x0  }
0x16: {  	s3 =	sld [smem:$0x3FDB];
	s0 =	simm.s32 @p2 $0x1  }
0x17: {  	s4 =	simm.s32 $0x1BF5;
	[smem:$0x3FB8] =	sst s0  }
0x18: {  	s0 =	sld [smem:$0x3F9B];
	_ =	swait.ge [sflag:s4], $0x0  }
0x19: {  	s7 =	sld [smem:$0x3F9C]  }
0x1a: {  	s8 =	sadd.s32 $0xFFFFE003, lr  }
0x1b: {  	s9 =	sadd.s32 $0xFFFFFEF7, lr;
	s5 =	simm.s32 $0xFFFFFFFF;
	p2 =	slt.u32 s8, $0xFFFFF086  }
0x1c: {  	p1 =	slt.u32 s9, $0xF7A;
	s5 =	simm.s32 @!p2 $0x0  }
0x1d: {  	s5 =	simm.s32 @p1 $0x1;
	p0 =	seq.s32 s7, s2  }
0x1e: {  	s7 =	smul.u32 @!p0 $0xF7A, s2;
	p2 =	seq.s32 @!p0 s5, $0x0  }
0x1f: {  	s9 =	smul.u32 $0xF7A, s1;
	s8 =	simm.s32 @!p0 $0x1BF5;
	p2 =	por !p2, p0  }
0x20: {  	[sflag:s8] =	ssyncset.s32 @!p0 $0xFFFFF086;
	s6 =	sadd.s32 @!p0 s3, s7;
	s7 =	simm.s32 @!p0 $0x108  }
0x21: {  	s3 =	sadd.s32 s3, s9;
	s6 =	sadd.s32 @!p0 $0x88, s6;
	s7 =	simm.s32 @p2 $0x1082  }
0x22: {  	[simem:s7], [sflag:s8] =	dma.local @!p0 [hbm:s6], $0xF7A  }
0x23: {  	s9 =	sor.u32 $0xD0000000, s2;
	s6 =	simm.s32 $0x108;
	_ =	swait.ge @!p0 [sflag:s8], $0x0  }
0x24: {  	s3 =	sadd.s32 $0x88, s3;
	s6 =	simm.s32 @!p1 $0x1082;
	[sflag:s4] =	ssyncset.s32 $0xFFFFF086  }
0x25: {  	[simem:s6], [sflag:s4] =	dma.local [hbm:s3], $0xF7A  }
0x26: {  	[smem:$0x3F9C] =	sst s1;
	(tag) =	ssettag s2;
	_ =	strace s9  }
0x27: {  	s1 =	sld [smem:$0x3FAC]  }
0x28: {  	s2 =	sld [smem:$0x3FAD]  }
0x29: {  	s4 =	sld [smem:$0x3FAF]  }
0x2a: {  	p0 =	seq.s32 s5, $0x0;
	s5 =	sld [smem:$0x3FB0]  }
0x2b: {  	s6 =	sld [smem:$0x3FB1]  }
0x2c: {  	s7 =	sld [smem:$0x3FB2]  }
0x2d: {  	s3 =	simm.s32 $0x108;
	s8 =	sld [smem:$0x3FB3]  }
0x2e: {  	s3 =	simm.s32 @!p0 $0x1082;
	s9 =	sld [smem:$0x3FB4]  }
0x2f: {  	lr =	sadd.s32 s0, s3;
	s0 =	sld [smem:$0x3FAB]  }
0x30: {  	s3 =	sld [smem:$0x3FAE]  }
0x31: {  	[smem:$0x3FB7] =	sst s10  }
0x32: {  	s10 =	sld [smem:$0x3FB5];
	_ =	sdelay $0x3  }
0x33: {  	p0 =	seq.s32 s10, $0x1;
	s10 =	sld [smem:$0x3FB7];
	_ =	sdelay $0x3  }
0x34: {  	[smem:$0x3FB7] =	sst s10  }
0x35: {  	s10 =	sld [smem:$0x3FB6];
	_ =	sdelay $0x3  }
0x36: {  	p1 =	seq.s32 s10, $0x1;
	s10 =	sld [smem:$0x3FB7];
	_ =	sdelay $0x3  }
0x37: {  	[smem:$0x3FB7] =	sst s10  }
0x38: {  	s10 =	sld [smem:$0x3FB8]  }
0x39: {  	_ = 	snop;
	(pc) =	sbr.ind lr, $3  }
0x3a: {  	_ = 	snop  }
0x3b: {  	_ = 	snop  }
0x3c: {  	p2 =	seq.s32 s10, $0x1;
	s10 =	sld [smem:$0x3FB7]  }
0x3d: {  	_ =	shalt  }
0x3e: {  	_ =	shalt  }
0x3f: {  	_ =	shalt  }
0x40: {  	_ =	shalt  }
0x41: {  	_ =	shalt  }
0x42: {  	_ =	shalt  }
0x43: {  	_ =	shalt  }
0x44: {  	_ =	shalt  }
0x45: {  	_ =	shalt  }
0x46: {  	_ =	shalt  }
0x47: {  	_ =	shalt  }
0x48: {  	_ =	shalt  }
0x49: {  	_ =	shalt  }
0x4a: {  	_ =	shalt  }
0x4b: {  	_ =	shalt  }
0x4c: {  	_ =	shalt  }
0x4d: {  	_ =	shalt  }
0x4e: {  	_ =	shalt  }
0x4f: {  	_ =	shalt  }
0x50: {  	_ =	shalt  }
0x51: {  	_ =	shalt  }
0x52: {  	_ =	shalt  }
0x53: {  	_ =	shalt  }
0x54: {  	_ =	shalt  }
0x55: {  	_ =	shalt  }
0x56: {  	_ =	shalt  }
0x57: {  	_ =	shalt  }
0x58: {  	_ =	shalt  }
0x59: {  	_ =	shalt  }
0x5a: {  	_ =	shalt  }
0x5b: {  	_ =	shalt  }
0x5c: {  	_ =	shalt  }
0x5d: {  	_ =	shalt  }
0x5e: {  	_ =	shalt  }
0x5f: {  	_ =	shalt  }
0x60: {  	_ =	shalt  }
0x61: {  	_ =	shalt  }
0x62: {  	_ =	shalt  }
0x63: {  	_ =	shalt  }
0x64: {  	_ =	shalt  }
0x65: {  	_ =	shalt  }
0x66: {  	_ =	shalt  }
0x67: {  	_ =	shalt  }
0x68: {  	_ =	shalt  }
0x69: {  	_ =	shalt  }
0x6a: {  	_ =	shalt  }
0x6b: {  	_ =	shalt  }
0x6c: {  	_ =	shalt  }
0x6d: {  	_ =	shalt  }
0x6e: {  	_ =	shalt  }
0x6f: {  	_ =	shalt  }
0x70: {  	_ =	shalt  }
0x71: {  	_ =	shalt  }
0x72: {  	_ =	shalt  }
0x73: {  	_ =	shalt  }
0x74: {  	_ =	shalt  }
0x75: {  	_ =	shalt  }
0x76: {  	_ =	shalt  }
0x77: {  	_ =	shalt  }
0x78: {  	_ =	shalt  }
0x79: {  	_ =	shalt  }
0x7a: {  	_ =	shalt  }
0x7b: {  	_ =	shalt  }
0x7c: {  	_ =	shalt  }
0x7d: {  	_ =	shalt  }
0x7e: {  	_ =	shalt  }
0x7f: {  	_ =	shalt  }
0x80: {  	_ =	shalt  }
0x81: {  	_ =	shalt  }
0x82: {  	_ =	shalt  }
0x83: {  	_ =	shalt  }
0x84: {  	_ =	shalt  }
0x85: {  	_ =	shalt  }
0x86: {  	_ =	shalt  }
0x87: {  	_ =	shalt  }
.Lfunc_end0:
.L_simem_size_0:
called_computation_lowered:
.L_overlay_start_0:
0x88: {  	s2 =	sld [smem:$0x3FD9]  }
0x89: {  	s3 =	sld [smem:$0x3FFE];
	_ =	sdelay $0x1  }
0x8a: {  	s1 =	srdreg.scid  }
0x8b: {  	s0 =	sand.u32 $0x1, s1  }
0x8c: {  	s16 =	sshll.u32 s0, $0xA;
	s2 =	sadd.s32 s3, s2  }
0x8d: {  	s2 =	sadd.s32 s2, s16  }
0x8e: {  	[smem:$0x3FC3] =	sst s2  }
0x8f: {  	_ = 	snop  }
0x90: {  	(tm) =	ssettm $0x1  }
0x91: {  	s17 =	sld [smem:$0x3FFB];
	_ =	sdelay $0x3  }
0x92: {  	_ =	strace s17  }
0x93: {  	s2 =	sld [smem:$0x3FFC];
	_ =	sdelay $0x3  }
0x94: {  	_ =	strace s2  }
0x95: {  	s2 =	sld [smem:$0x3FFD];
	_ =	sdelay $0x3  }
0x96: {  	_ =	strace s2  }
0x97: {  	_ =	strace $0x8FFFFFFF  }
0x98: {  	s18 =	sld [smem:$0x3FDB];
	_ =	sdelay $0x1  }
0x99: {  	s19 =	simm.s32 $_scs_section_size  }
0x9a: {  	s4 =	simm.s32 $_size__tile_overlayer_lowered;
	s5 =	simm.s32 $_tile_overlayer_lowered  }
0x9b: {  	s22 =	simm.s32 $0x1BFF;
	s21 =	sshll.u32 s5, $0x1;
	s2 =	sadd.s32 s19, s18  }
0x9c: {  	s6 =	simm.s32 $0x0;
	s20 =	sshll.u32 s4, $0x1;
	s4 =	sadd.s32 s21, s2  }
0x9d: {  	[timem:s6], [sflag:s22] =	dma.local [hbm:s4], s20  }
0x9e: {  	_ =	swait.ge [sflag:s22], s20  }
0x9f: {  	s3 =	ssub.s32 $0x0, s20;
	[sflag:s22] =	ssyncset.done $0x0  }
0xa0: {  	[sflag:s22] =	ssyncadd.s32 s3;
	_ =	sdelay $0x1  }
0xa1: {  	s23 =	simm.s32 $0x1B8B  }
0xa2: {  	_ =	swait.ge [sflag:s23], $0x1  }
0xa3: {  	[sflag:s23] =	ssyncset.done $0x0  }
0xa4: {  	s25 =	simm.s32 $0x1B8E;
	s24 =	sld [smem:$0x3FFE];
	[sflag:s23] =	ssyncadd.s32 $0xFFFFFFFF  }
0xa5: {  	s26 =	simm.s32 $execute0_lowered;
	[smem:$0x3FD2] =	sst s25  }
0xa6: {  	s4 =	sshll.u32 s26, $0x1;
	_ =	strace $0x80000046;
	[dreg:$0x1] =	wrdreg $0xFFFFFFFF  }
0xa7: {  	s28 =	simm.s32 $_size_execute0_lowered;
	s2 =	sadd.s32 s2, s4;
	[dreg:$0x0] =	wrdreg $0x0  }
0xa8: {  	s4 =	sshll.u32 s28, $0x1;
	[dreg:$0x2] =	wrdreg s2  }
0xa9: {  	[dreg:$0x3] =	wrdreg s4  }
0xaa: {  	[dreg:$0x4] =	wrdreg $0xC0  }
0xab: {  	_ =	task [dreg:s6], $0x5FFFF  }
0xac: {  	[dreg:$0x1] =	wrdreg $0xFFFFFFFF  }
0xad: {  	[dreg:$0x0] =	wrdreg $0x60  }
0xae: {  	[dreg:$0x2] =	wrdreg s24  }
0xaf: {  	[dreg:$0x3] =	wrdreg $0x9  }
0xb0: {  	_ =	task.clear_ibuf [dreg:s6], $0x4FFFF;
	_ =	strace $0x90000046  }
0xb1: {  	s29 =	simm.s32 $0x9;
	_ =	strace $0x80000048  }
0xb2: {  	_ =	swait.ge [sflag:s29], $0x1  }
0xb3: {  	[sflag:s29] =	ssyncadd.s32 $0xFFFFFFFF  }
0xb4: {  	_ =	strace $0x90000048  }
0xb5: {  	_ =	sfence  }
0xb6: {  	s30 =	sld [smem:$0x0];
	_ =	sdelay $0x2  }
0xb7: {  	s31 =	sshll.u32 s1, $0xD;
	s1 =	sshrl.u32 s1, $0x2  }
0xb8: {  	s3 =	sand.u32 $0x4000, s31;
	s1 =	sadd.s32 s1, s30  }
0xb9: {  	s0 =	sor.u32 s3, s0;
	s1 =	sshll.u32 s1, $0x11  }
0xba: {  	s0 =	sor.u32 s1, s0  }
0xbb: {  	s0 =	sadd.s32 $0x8F2B, s0  }
0xbc: {  	[sflag:s0] =	ssyncadd.remote.s32 $0x1  }
0xbd: {  	_ =	sfence.sel $0xFFFF  }
0xbe: {  	[dreg:$0x0] =	wrdreg $0xFFFFFFFF;
	(pc) =	sbr.abs _section_cstart, $3  }
0xbf: {  	[dreg:$0x1] =	wrdreg $0xFFFFFFFF  }
0xc0: {  	_ =	task.clear_ibuf [dreg:s6], $0x2FFFF;
	_ =	strace $0x9FFFFFFF  }
0xc1: {  	(tm) =	ssettm $0x7FFFFFFF  }
tec
execute0_lowered:
.L_overlay_start_1:
0x0: {  	(tag) =	ssettag $0x1  }
0x1: {  	s4 =	rddreg [dreg:$0x0]  }
0x2: {  	s0 =	rddreg [dreg:$0x1];
	s2 =	simm.s32 $0x0;
	s3 =	srdreg.scid  }
0x3: {  	s1 =	stileid.u32;
	s8 =	simm.s32 $0x4000;
	s9 =	simm.s32 $0x100  }
0x4: {  	s10 =	simm.s32 $0x2000;
	s11 =	simm.s32 $0x4100;
	s12 =	simm.s32 $0x0  }
0x5: {  	[smem:$0x7FF] =	sst s2;
	s3 =	sand.u32 $0x1, s3;
	s5 =	sshll.u32 s1, $0x6  }
0x6: {  	s6 =	sshll.u32 s3, $0x5;
	s7 =	ssub.s32 $0x2, s3;
	_ =	strace $0x80000047  }
0x7: {  	s3 =	sadd.s32 $0xC00, s4;
	s5 =	sor.u32 s6, s5;
	s31 =	sshrl.u32 s7, $0x1  }
0x8: {  	s5 =	sadd.s32 s5, s4;
	s6 =	ssub.s32 s7, s31;
	s7 =	simm.s32 $0x1  }
0x9: {  	s4 =	sadd.s32 $0x1400, s5;
	s5 =	sadd.s32 $0x1800, s5;
	s6 =	smax.u32 s6, $0x1  }
.LBB2_1:
0xa: {  	[tilespmem:s2], [sflag:$0x1] =	stream.linear.gather [hbm4b:s3+s2], $0x4000, $0x38;
	[tilespmem:$0x6100] =	vst v63  }
0xb: {  	_ =	swait.ge [sflag:s7], $0x4000  }
0xc: {  	[sflag:s7] =	ssyncset.done $0x0  }
0xd: {  	[sflag:s7] =	ssyncadd.s32 $0xFFFFC000  }
0xe: {  	[tilespmem:s8], [sflag:$0x1] =	stream.linear.gather [hbm4b:s4+s2], $0x100, $0x38;
	[tilespmem:$0x6100] =	vst v63  }
0xf: {  	_ =	swait.ge [sflag:s7], $0x100  }
0x10: {  	[sflag:s7] =	ssyncset.done $0x0  }
0x11: {  	s13 =	simm.s32 $0x0;
	[sflag:s7] =	ssyncadd.s32 $0xFFFFFF00  }
0x12: {  	v0 =	vld [tilespmem:s13+$0x4000];
	_ =	sdelay $0x7  }
0x13: {  	v1 =	vld.idx.msk [tilespmem:v0+s2+$0x0], $0xffff  }
0x14: {  	v2 =	vadd.s32 $0x200, v0;
	_ =	sdelay $0x3  }
0x15: {  	[tilespmem:s13+$0x4100] =	vst v1  }
0x16: {  	v1 =	vld.idx.msk [tilespmem:v2+s2+$0x0], $0xffff  }
0x17: {  	v2 =	vadd.s32 $0x400, v0;
	_ =	sdelay $0x3  }
0x18: {  	[tilespmem:s13+$0x4200] =	vst v1  }
0x19: {  	v1 =	vld.idx.msk [tilespmem:v2+s2+$0x0], $0xffff  }
0x1a: {  	v2 =	vadd.s32 $0x600, v0;
	_ =	sdelay $0x3  }
0x1b: {  	[tilespmem:s13+$0x4300] =	vst v1  }
0x1c: {  	v1 =	vld.idx.msk [tilespmem:v2+s2+$0x0], $0xffff  }
0x1d: {  	v2 =	vadd.s32 $0x800, v0;
	_ =	sdelay $0x3  }
0x1e: {  	[tilespmem:s13+$0x4400] =	vst v1  }
0x1f: {  	v1 =	vld.idx.msk [tilespmem:v2+s2+$0x0], $0xffff  }
0x20: {  	v2 =	vadd.s32 $0xA00, v0;
	_ =	sdelay $0x3  }
0x21: {  	[tilespmem:s13+$0x4500] =	vst v1  }
0x22: {  	v1 =	vld.idx.msk [tilespmem:v2+s2+$0x0], $0xffff  }
0x23: {  	v2 =	vadd.s32 $0xC00, v0;
	_ =	sdelay $0x3  }
0x24: {  	[tilespmem:s13+$0x4600] =	vst v1  }
0x25: {  	v1 =	vld.idx.msk [tilespmem:v2+s2+$0x0], $0xffff  }
0x26: {  	v2 =	vadd.s32 $0xE00, v0;
	_ =	sdelay $0x3  }
0x27: {  	[tilespmem:s13+$0x4700] =	vst v1  }
0x28: {  	v1 =	vld.idx.msk [tilespmem:v2+s2+$0x0], $0xffff  }
0x29: {  	v2 =	vadd.s32 $0x1000, v0;
	_ =	sdelay $0x3  }
0x2a: {  	[tilespmem:s13+$0x4800] =	vst v1  }
0x2b: {  	v1 =	vld.idx.msk [tilespmem:v2+s2+$0x0], $0xffff  }
0x2c: {  	v2 =	vadd.s32 $0x1200, v0;
	_ =	sdelay $0x3  }
0x2d: {  	[tilespmem:s13+$0x4900] =	vst v1  }
0x2e: {  	v1 =	vld.idx.msk [tilespmem:v2+s2+$0x0], $0xffff  }
0x2f: {  	v2 =	vadd.s32 $0x1400, v0;
	_ =	sdelay $0x3  }
0x30: {  	[tilespmem:s13+$0x4A00] =	vst v1  }
0x31: {  	v1 =	vld.idx.msk [tilespmem:v2+s2+$0x0], $0xffff  }
0x32: {  	v2 =	vadd.s32 $0x1600, v0;
	_ =	sdelay $0x3  }
0x33: {  	[tilespmem:s13+$0x4B00] =	vst v1  }
0x34: {  	v1 =	vld.idx.msk [tilespmem:v2+s2+$0x0], $0xffff  }
0x35: {  	v2 =	vadd.s32 $0x1800, v0;
	_ =	sdelay $0x3  }
0x36: {  	[tilespmem:s13+$0x4C00] =	vst v1  }
0x37: {  	v1 =	vld.idx.msk [tilespmem:v2+s2+$0x0], $0xffff  }
0x38: {  	v2 =	vadd.s32 $0x1A00, v0;
	_ =	sdelay $0x3  }
0x39: {  	[tilespmem:s13+$0x4D00] =	vst v1  }
0x3a: {  	v1 =	vld.idx.msk [tilespmem:v2+s2+$0x0], $0xffff  }
0x3b: {  	v2 =	vadd.s32 $0x1C00, v0;
	_ =	sdelay $0x3  }
0x3c: {  	[tilespmem:s13+$0x4E00] =	vst v1  }
0x3d: {  	v1 =	vld.idx.msk [tilespmem:v2+s2+$0x0], $0xffff  }
0x3e: {  	v2 =	vadd.s32 $0x1E00, v0;
	_ =	sdelay $0x3  }
0x3f: {  	[tilespmem:s13+$0x4F00] =	vst v1  }
0x40: {  	v1 =	vld.idx.msk [tilespmem:v2+s2+$0x0], $0xffff  }
0x41: {  	v2 =	vadd.s32 $0x2000, v0;
	_ =	sdelay $0x3  }
0x42: {  	[tilespmem:s13+$0x5000] =	vst v1  }
0x43: {  	v1 =	vld.idx.msk [tilespmem:v2+s2+$0x0], $0xffff  }
0x44: {  	v2 =	vadd.s32 $0x2200, v0;
	_ =	sdelay $0x3  }
0x45: {  	[tilespmem:s13+$0x5100] =	vst v1  }
0x46: {  	v1 =	vld.idx.msk [tilespmem:v2+s2+$0x0], $0xffff  }
0x47: {  	v2 =	vadd.s32 $0x2400, v0;
	_ =	sdelay $0x3  }
0x48: {  	[tilespmem:s13+$0x5200] =	vst v1  }
0x49: {  	v1 =	vld.idx.msk [tilespmem:v2+s2+$0x0], $0xffff  }
0x4a: {  	v2 =	vadd.s32 $0x2600, v0;
	_ =	sdelay $0x3  }
0x4b: {  	[tilespmem:s13+$0x5300] =	vst v1  }
0x4c: {  	v1 =	vld.idx.msk [tilespmem:v2+s2+$0x0], $0xffff  }
0x4d: {  	v2 =	vadd.s32 $0x2800, v0;
	_ =	sdelay $0x3  }
0x4e: {  	[tilespmem:s13+$0x5400] =	vst v1  }
0x4f: {  	v1 =	vld.idx.msk [tilespmem:v2+s2+$0x0], $0xffff  }
0x50: {  	v2 =	vadd.s32 $0x2A00, v0;
	_ =	sdelay $0x3  }
0x51: {  	[tilespmem:s13+$0x5500] =	vst v1  }
0x52: {  	v1 =	vld.idx.msk [tilespmem:v2+s2+$0x0], $0xffff  }
0x53: {  	v2 =	vadd.s32 $0x2C00, v0;
	_ =	sdelay $0x3  }
0x54: {  	[tilespmem:s13+$0x5600] =	vst v1  }
0x55: {  	v1 =	vld.idx.msk [tilespmem:v2+s2+$0x0], $0xffff  }
0x56: {  	v2 =	vadd.s32 $0x2E00, v0;
	_ =	sdelay $0x3  }
0x57: {  	[tilespmem:s13+$0x5700] =	vst v1  }
0x58: {  	v1 =	vld.idx.msk [tilespmem:v2+s2+$0x0], $0xffff  }
0x59: {  	v2 =	vadd.s32 $0x3000, v0;
	_ =	sdelay $0x3  }
0x5a: {  	[tilespmem:s13+$0x5800] =	vst v1  }
0x5b: {  	v1 =	vld.idx.msk [tilespmem:v2+s2+$0x0], $0xffff  }
0x5c: {  	v2 =	vadd.s32 $0x3200, v0;
	_ =	sdelay $0x3  }
0x5d: {  	[tilespmem:s13+$0x5900] =	vst v1  }
0x5e: {  	v1 =	vld.idx.msk [tilespmem:v2+s2+$0x0], $0xffff  }
0x5f: {  	v2 =	vadd.s32 $0x3400, v0;
	_ =	sdelay $0x3  }
0x60: {  	[tilespmem:s13+$0x5A00] =	vst v1  }
0x61: {  	v1 =	vld.idx.msk [tilespmem:v2+s2+$0x0], $0xffff  }
0x62: {  	v2 =	vadd.s32 $0x3600, v0;
	_ =	sdelay $0x3  }
0x63: {  	[tilespmem:s13+$0x5B00] =	vst v1  }
0x64: {  	v1 =	vld.idx.msk [tilespmem:v2+s2+$0x0], $0xffff  }
0x65: {  	v2 =	vadd.s32 $0x3800, v0;
	_ =	sdelay $0x3  }
0x66: {  	[tilespmem:s13+$0x5C00] =	vst v1  }
0x67: {  	v1 =	vld.idx.msk [tilespmem:v2+s2+$0x0], $0xffff  }
0x68: {  	v2 =	vadd.s32 $0x3A00, v0;
	_ =	sdelay $0x3  }
0x69: {  	[tilespmem:s13+$0x5D00] =	vst v1  }
0x6a: {  	v1 =	vld.idx.msk [tilespmem:v2+s2+$0x0], $0xffff  }
0x6b: {  	v2 =	vadd.s32 $0x3C00, v0;
	_ =	sdelay $0x3  }
0x6c: {  	[tilespmem:s13+$0x5E00] =	vst v1  }
0x6d: {  	v1 =	vld.idx.msk [tilespmem:v2+s2+$0x0], $0xffff  }
0x6e: {  	v2 =	vadd.s32 $0x3E00, v0;
	_ =	sdelay $0x2  }
0x6f: {  	s15 =	simm.s32 $0x10;
	s14 =	simm.s32 $0x80  }
.LBB2_2:
0x70: {  	p0 =	sne.s32 s14, $0x3C0;
	v0 =	vld [tilespmem:s15+$0x4000];
	[tilespmem:s13+$0x5F00] =	vst v1  }
0x71: {  	v1 =	vld.idx.msk [tilespmem:v2+s2+$0x0], $0xffff;
	_ =	sdelay $0x5  }
0x72: {  	[tilespmem:s13+$0x6000] =	vst v1;
	s13 =	smov.u32 s15  }
0x73: {  	v1 =	vld.idx.msk [tilespmem:v0+s2+$0x0], $0xffff;
	_ =	sdelay $0x1  }
0x74: {  	v2 =	vadd.s32 $0x200, v0;
	_ =	sdelay $0x3  }
0x75: {  	[tilespmem:s13+$0x4100] =	vst v1  }
0x76: {  	v1 =	vld.idx.msk [tilespmem:v2+s2+$0x0], $0xffff;
	_ =	sdelay $0x1  }
0x77: {  	v2 =	vadd.s32 $0x400, v0;
	_ =	sdelay $0x3  }
0x78: {  	[tilespmem:s13+$0x4200] =	vst v1  }
0x79: {  	v1 =	vld.idx.msk [tilespmem:v2+s2+$0x0], $0xffff;
	_ =	sdelay $0x1  }
0x7a: {  	v2 =	vadd.s32 $0x600, v0;
	_ =	sdelay $0x3  }
0x7b: {  	[tilespmem:s13+$0x4300] =	vst v1  }
0x7c: {  	v1 =	vld.idx.msk [tilespmem:v2+s2+$0x0], $0xffff;
	_ =	sdelay $0x1  }
0x7d: {  	v2 =	vadd.s32 $0x800, v0;
	_ =	sdelay $0x3  }
0x7e: {  	[tilespmem:s13+$0x4400] =	vst v1  }
0x7f: {  	v1 =	vld.idx.msk [tilespmem:v2+s2+$0x0], $0xffff;
	_ =	sdelay $0x1  }
0x80: {  	v2 =	vadd.s32 $0xA00, v0;
	_ =	sdelay $0x3  }
0x81: {  	[tilespmem:s13+$0x4500] =	vst v1  }
0x82: {  	v1 =	vld.idx.msk [tilespmem:v2+s2+$0x0], $0xffff;
	_ =	sdelay $0x1  }
0x83: {  	v2 =	vadd.s32 $0xC00, v0;
	_ =	sdelay $0x3  }
0x84: {  	[tilespmem:s13+$0x4600] =	vst v1  }
0x85: {  	v1 =	vld.idx.msk [tilespmem:v2+s2+$0x0], $0xffff;
	_ =	sdelay $0x1  }
0x86: {  	v2 =	vadd.s32 $0xE00, v0;
	_ =	sdelay $0x3  }
0x87: {  	[tilespmem:s13+$0x4700] =	vst v1  }
0x88: {  	v1 =	vld.idx.msk [tilespmem:v2+s2+$0x0], $0xffff;
	_ =	sdelay $0x1  }
0x89: {  	v2 =	vadd.s32 $0x1000, v0;
	_ =	sdelay $0x3  }
0x8a: {  	[tilespmem:s13+$0x4800] =	vst v1  }
0x8b: {  	v1 =	vld.idx.msk [tilespmem:v2+s2+$0x0], $0xffff;
	_ =	sdelay $0x1  }
0x8c: {  	v2 =	vadd.s32 $0x1200, v0;
	_ =	sdelay $0x3  }
0x8d: {  	[tilespmem:s13+$0x4900] =	vst v1  }
0x8e: {  	v1 =	vld.idx.msk [tilespmem:v2+s2+$0x0], $0xffff;
	_ =	sdelay $0x1  }
0x8f: {  	v2 =	vadd.s32 $0x1400, v0;
	_ =	sdelay $0x3  }
0x90: {  	[tilespmem:s13+$0x4A00] =	vst v1  }
0x91: {  	v1 =	vld.idx.msk [tilespmem:v2+s2+$0x0], $0xffff;
	_ =	sdelay $0x1  }
0x92: {  	v2 =	vadd.s32 $0x1600, v0;
	_ =	sdelay $0x3  }
0x93: {  	[tilespmem:s13+$0x4B00] =	vst v1  }
0x94: {  	v1 =	vld.idx.msk [tilespmem:v2+s2+$0x0], $0xffff;
	_ =	sdelay $0x1  }
0x95: {  	v2 =	vadd.s32 $0x1800, v0;
	_ =	sdelay $0x3  }
0x96: {  	[tilespmem:s13+$0x4C00] =	vst v1  }
0x97: {  	v1 =	vld.idx.msk [tilespmem:v2+s2+$0x0], $0xffff;
	_ =	sdelay $0x1  }
0x98: {  	v2 =	vadd.s32 $0x1A00, v0;
	_ =	sdelay $0x3  }
0x99: {  	[tilespmem:s13+$0x4D00] =	vst v1  }
0x9a: {  	v1 =	vld.idx.msk [tilespmem:v2+s2+$0x0], $0xffff;
	_ =	sdelay $0x1  }
0x9b: {  	v2 =	vadd.s32 $0x1C00, v0;
	_ =	sdelay $0x3  }
0x9c: {  	[tilespmem:s13+$0x4E00] =	vst v1  }
0x9d: {  	v1 =	vld.idx.msk [tilespmem:v2+s2+$0x0], $0xffff;
	_ =	sdelay $0x1  }
0x9e: {  	v2 =	vadd.s32 $0x1E00, v0;
	_ =	sdelay $0x3  }
0x9f: {  	[tilespmem:s13+$0x4F00] =	vst v1  }
0xa0: {  	v1 =	vld.idx.msk [tilespmem:v2+s2+$0x0], $0xffff;
	_ =	sdelay $0x1  }
0xa1: {  	v2 =	vadd.s32 $0x2000, v0;
	_ =	sdelay $0x3  }
0xa2: {  	[tilespmem:s13+$0x5000] =	vst v1  }
0xa3: {  	v1 =	vld.idx.msk [tilespmem:v2+s2+$0x0], $0xffff;
	_ =	sdelay $0x1  }
0xa4: {  	v2 =	vadd.s32 $0x2200, v0;
	_ =	sdelay $0x3  }
0xa5: {  	[tilespmem:s13+$0x5100] =	vst v1  }
0xa6: {  	v1 =	vld.idx.msk [tilespmem:v2+s2+$0x0], $0xffff;
	_ =	sdelay $0x1  }
0xa7: {  	v2 =	vadd.s32 $0x2400, v0;
	_ =	sdelay $0x3  }
0xa8: {  	[tilespmem:s13+$0x5200] =	vst v1  }
0xa9: {  	v1 =	vld.idx.msk [tilespmem:v2+s2+$0x0], $0xffff;
	_ =	sdelay $0x1  }
0xaa: {  	v2 =	vadd.s32 $0x2600, v0;
	_ =	sdelay $0x3  }
0xab: {  	[tilespmem:s13+$0x5300] =	vst v1  }
0xac: {  	v1 =	vld.idx.msk [tilespmem:v2+s2+$0x0], $0xffff;
	_ =	sdelay $0x1  }
0xad: {  	v2 =	vadd.s32 $0x2800, v0;
	_ =	sdelay $0x3  }
0xae: {  	[tilespmem:s13+$0x5400] =	vst v1  }
0xaf: {  	v1 =	vld.idx.msk [tilespmem:v2+s2+$0x0], $0xffff;
	_ =	sdelay $0x1  }
0xb0: {  	v2 =	vadd.s32 $0x2A00, v0;
	_ =	sdelay $0x3  }
0xb1: {  	[tilespmem:s13+$0x5500] =	vst v1  }
0xb2: {  	v1 =	vld.idx.msk [tilespmem:v2+s2+$0x0], $0xffff;
	_ =	sdelay $0x1  }
0xb3: {  	v2 =	vadd.s32 $0x2C00, v0;
	_ =	sdelay $0x3  }
0xb4: {  	[tilespmem:s13+$0x5600] =	vst v1  }
0xb5: {  	v1 =	vld.idx.msk [tilespmem:v2+s2+$0x0], $0xffff;
	_ =	sdelay $0x1  }
0xb6: {  	v2 =	vadd.s32 $0x2E00, v0;
	_ =	sdelay $0x3  }
0xb7: {  	[tilespmem:s13+$0x5700] =	vst v1  }
0xb8: {  	v1 =	vld.idx.msk [tilespmem:v2+s2+$0x0], $0xffff;
	_ =	sdelay $0x1  }
0xb9: {  	v2 =	vadd.s32 $0x3000, v0;
	_ =	sdelay $0x3  }
0xba: {  	[tilespmem:s13+$0x5800] =	vst v1  }
0xbb: {  	v1 =	vld.idx.msk [tilespmem:v2+s2+$0x0], $0xffff;
	_ =	sdelay $0x1  }
0xbc: {  	v2 =	vadd.s32 $0x3200, v0;
	_ =	sdelay $0x3  }
0xbd: {  	[tilespmem:s13+$0x5900] =	vst v1  }
0xbe: {  	v1 =	vld.idx.msk [tilespmem:v2+s2+$0x0], $0xffff;
	_ =	sdelay $0x1  }
0xbf: {  	v2 =	vadd.s32 $0x3400, v0;
	_ =	sdelay $0x3  }
0xc0: {  	[tilespmem:s13+$0x5A00] =	vst v1  }
0xc1: {  	v1 =	vld.idx.msk [tilespmem:v2+s2+$0x0], $0xffff;
	_ =	sdelay $0x1  }
0xc2: {  	v2 =	vadd.s32 $0x3600, v0;
	_ =	sdelay $0x3  }
0xc3: {  	[tilespmem:s13+$0x5B00] =	vst v1  }
0xc4: {  	v1 =	vld.idx.msk [tilespmem:v2+s2+$0x0], $0xffff;
	_ =	sdelay $0x1  }
0xc5: {  	v2 =	vadd.s32 $0x3800, v0;
	_ =	sdelay $0x3  }
0xc6: {  	[tilespmem:s13+$0x5C00] =	vst v1  }
0xc7: {  	v1 =	vld.idx.msk [tilespmem:v2+s2+$0x0], $0xffff;
	_ =	sdelay $0x1  }
0xc8: {  	v2 =	vadd.s32 $0x3A00, v0;
	_ =	sdelay $0x3  }
0xc9: {  	[tilespmem:s13+$0x5D00] =	vst v1  }
0xca: {  	v1 =	vld.idx.msk [tilespmem:v2+s2+$0x0], $0xffff;
	_ =	sdelay $0x1  }
0xcb: {  	v2 =	vadd.s32 $0x3C00, v0;
	_ =	sdelay $0x3  }
0xcc: {  	[tilespmem:s13+$0x5E00] =	vst v1  }
0xcd: {  	v1 =	vld.idx.msk [tilespmem:v2+s2+$0x0], $0xffff  }
.Ltmp0:
0xce: {  	(pc) =	sbr.rel @p0 .LBB2_2-.Ltmp0, $2  }
0xcf: {  	v2 =	vadd.s32 $0x3E00, v0;
	_ =	sdelay $0x2  }
0xd0: {  	s15 =	sshra.s32 s14, $0x2;
	s14 =	sadd.s32 $0x40, s14  }
0xd1: {  	_ =	sdelay $0x1  }
0xd2: {  	v0 =	vld [tilespmem:s15+$0x4000]  }
0xd3: {  	[tilespmem:s13+$0x5F00] =	vst v1  }
0xd4: {  	v1 =	vld.idx.msk [tilespmem:v2+s2+$0x0], $0xffff;
	_ =	sdelay $0x4  }
0xd5: {  	[tilespmem:s13+$0x6000] =	vst v1  }
0xd6: {  	v1 =	vld.idx.msk [tilespmem:v0+s2+$0x0], $0xffff  }
0xd7: {  	v34 =	vadd.s32 $0x200, v0;
	_ =	sdelay $0x3  }
0xd8: {  	[tilespmem:s15+$0x4100] =	vst v1  }
0xd9: {  	v1 =	vld.idx.msk [tilespmem:v34+s2+$0x0], $0xffff  }
0xda: {  	v35 =	vadd.s32 $0x400, v0;
	_ =	sdelay $0x3  }
0xdb: {  	[tilespmem:s15+$0x4200] =	vst v1  }
0xdc: {  	v1 =	vld.idx.msk [tilespmem:v35+s2+$0x0], $0xffff  }
0xdd: {  	v36 =	vadd.s32 $0x600, v0;
	_ =	sdelay $0x3  }
0xde: {  	[tilespmem:s15+$0x4300] =	vst v1  }
0xdf: {  	v1 =	vld.idx.msk [tilespmem:v36+s2+$0x0], $0xffff  }
0xe0: {  	v37 =	vadd.s32 $0x800, v0;
	_ =	sdelay $0x3  }
0xe1: {  	[tilespmem:s15+$0x4400] =	vst v1  }
0xe2: {  	v1 =	vld.idx.msk [tilespmem:v37+s2+$0x0], $0xffff  }
0xe3: {  	v38 =	vadd.s32 $0xA00, v0;
	_ =	sdelay $0x3  }
0xe4: {  	[tilespmem:s15+$0x4500] =	vst v1  }
0xe5: {  	v1 =	vld.idx.msk [tilespmem:v38+s2+$0x0], $0xffff  }
0xe6: {  	v39 =	vadd.s32 $0xC00, v0;
	_ =	sdelay $0x3  }
0xe7: {  	[tilespmem:s15+$0x4600] =	vst v1  }
0xe8: {  	v1 =	vld.idx.msk [tilespmem:v39+s2+$0x0], $0xffff  }
0xe9: {  	v40 =	vadd.s32 $0xE00, v0;
	_ =	sdelay $0x3  }
0xea: {  	[tilespmem:s15+$0x4700] =	vst v1  }
0xeb: {  	v1 =	vld.idx.msk [tilespmem:v40+s2+$0x0], $0xffff  }
0xec: {  	v41 =	vadd.s32 $0x1000, v0;
	_ =	sdelay $0x3  }
0xed: {  	[tilespmem:s15+$0x4800] =	vst v1  }
0xee: {  	v1 =	vld.idx.msk [tilespmem:v41+s2+$0x0], $0xffff  }
0xef: {  	v42 =	vadd.s32 $0x1200, v0;
	_ =	sdelay $0x3  }
0xf0: {  	[tilespmem:s15+$0x4900] =	vst v1  }
0xf1: {  	v1 =	vld.idx.msk [tilespmem:v42+s2+$0x0], $0xffff  }
0xf2: {  	v43 =	vadd.s32 $0x1400, v0;
	_ =	sdelay $0x3  }
0xf3: {  	[tilespmem:s15+$0x4A00] =	vst v1  }
0xf4: {  	v1 =	vld.idx.msk [tilespmem:v43+s2+$0x0], $0xffff  }
0xf5: {  	v44 =	vadd.s32 $0x1600, v0;
	_ =	sdelay $0x3  }
0xf6: {  	[tilespmem:s15+$0x4B00] =	vst v1  }
0xf7: {  	v1 =	vld.idx.msk [tilespmem:v44+s2+$0x0], $0xffff  }
0xf8: {  	v45 =	vadd.s32 $0x1800, v0;
	_ =	sdelay $0x3  }
0xf9: {  	[tilespmem:s15+$0x4C00] =	vst v1  }
0xfa: {  	v1 =	vld.idx.msk [tilespmem:v45+s2+$0x0], $0xffff  }
0xfb: {  	v46 =	vadd.s32 $0x1A00, v0;
	_ =	sdelay $0x3  }
0xfc: {  	[tilespmem:s15+$0x4D00] =	vst v1  }
0xfd: {  	v1 =	vld.idx.msk [tilespmem:v46+s2+$0x0], $0xffff  }
0xfe: {  	v47 =	vadd.s32 $0x1C00, v0;
	_ =	sdelay $0x3  }
0xff: {  	[tilespmem:s15+$0x4E00] =	vst v1  }
0x100: {  	v1 =	vld.idx.msk [tilespmem:v47+s2+$0x0], $0xffff  }
0x101: {  	v48 =	vadd.s32 $0x1E00, v0;
	_ =	sdelay $0x3  }
0x102: {  	[tilespmem:s15+$0x4F00] =	vst v1  }
0x103: {  	v1 =	vld.idx.msk [tilespmem:v48+s2+$0x0], $0xffff  }
0x104: {  	v49 =	vadd.s32 $0x2000, v0;
	_ =	sdelay $0x3  }
0x105: {  	[tilespmem:s15+$0x5000] =	vst v1  }
0x106: {  	v1 =	vld.idx.msk [tilespmem:v49+s2+$0x0], $0xffff  }
0x107: {  	v50 =	vadd.s32 $0x2200, v0;
	_ =	sdelay $0x3  }
0x108: {  	[tilespmem:s15+$0x5100] =	vst v1  }
0x109: {  	v1 =	vld.idx.msk [tilespmem:v50+s2+$0x0], $0xffff  }
0x10a: {  	v51 =	vadd.s32 $0x2400, v0;
	_ =	sdelay $0x3  }
0x10b: {  	[tilespmem:s15+$0x5200] =	vst v1  }
0x10c: {  	v1 =	vld.idx.msk [tilespmem:v51+s2+$0x0], $0xffff  }
0x10d: {  	v52 =	vadd.s32 $0x2600, v0;
	_ =	sdelay $0x3  }
0x10e: {  	[tilespmem:s15+$0x5300] =	vst v1  }
0x10f: {  	v1 =	vld.idx.msk [tilespmem:v52+s2+$0x0], $0xffff  }
0x110: {  	v53 =	vadd.s32 $0x2800, v0;
	_ =	sdelay $0x3  }
0x111: {  	[tilespmem:s15+$0x5400] =	vst v1  }
0x112: {  	v1 =	vld.idx.msk [tilespmem:v53+s2+$0x0], $0xffff  }
0x113: {  	v54 =	vadd.s32 $0x2A00, v0;
	_ =	sdelay $0x3  }
0x114: {  	[tilespmem:s15+$0x5500] =	vst v1  }
0x115: {  	v1 =	vld.idx.msk [tilespmem:v54+s2+$0x0], $0xffff  }
0x116: {  	v55 =	vadd.s32 $0x2C00, v0;
	_ =	sdelay $0x3  }
0x117: {  	[tilespmem:s15+$0x5600] =	vst v1  }
0x118: {  	v1 =	vld.idx.msk [tilespmem:v55+s2+$0x0], $0xffff  }
0x119: {  	v56 =	vadd.s32 $0x2E00, v0;
	_ =	sdelay $0x3  }
0x11a: {  	[tilespmem:s15+$0x5700] =	vst v1  }
0x11b: {  	v1 =	vld.idx.msk [tilespmem:v56+s2+$0x0], $0xffff  }
0x11c: {  	v57 =	vadd.s32 $0x3000, v0;
	_ =	sdelay $0x3  }
0x11d: {  	[tilespmem:s15+$0x5800] =	vst v1  }
0x11e: {  	v1 =	vld.idx.msk [tilespmem:v57+s2+$0x0], $0xffff  }
0x11f: {  	v58 =	vadd.s32 $0x3200, v0;
	_ =	sdelay $0x3  }
0x120: {  	[tilespmem:s15+$0x5900] =	vst v1  }
0x121: {  	v1 =	vld.idx.msk [tilespmem:v58+s2+$0x0], $0xffff  }
0x122: {  	v59 =	vadd.s32 $0x3400, v0;
	_ =	sdelay $0x3  }
0x123: {  	[tilespmem:s15+$0x5A00] =	vst v1  }
0x124: {  	v1 =	vld.idx.msk [tilespmem:v59+s2+$0x0], $0xffff  }
0x125: {  	v60 =	vadd.s32 $0x3600, v0;
	_ =	sdelay $0x3  }
0x126: {  	[tilespmem:s15+$0x5B00] =	vst v1  }
0x127: {  	v1 =	vld.idx.msk [tilespmem:v60+s2+$0x0], $0xffff  }
0x128: {  	v61 =	vadd.s32 $0x3800, v0;
	_ =	sdelay $0x3  }
0x129: {  	[tilespmem:s15+$0x5C00] =	vst v1  }
0x12a: {  	v1 =	vld.idx.msk [tilespmem:v61+s2+$0x0], $0xffff  }
0x12b: {  	v62 =	vadd.s32 $0x3A00, v0;
	_ =	sdelay $0x3  }
0x12c: {  	[tilespmem:s15+$0x5D00] =	vst v1  }
0x12d: {  	v1 =	vld.idx.msk [tilespmem:v62+s2+$0x0], $0xffff  }
0x12e: {  	v63 =	vadd.s32 $0x3C00, v0;
	_ =	sdelay $0x3  }
0x12f: {  	[tilespmem:s15+$0x5E00] =	vst v1  }
0x130: {  	v1 =	vld.idx.msk [tilespmem:v63+s2+$0x0], $0xffff  }
0x131: {  	v0 =	vadd.s32 $0x3E00, v0;
	_ =	sdelay $0x3  }
0x132: {  	[tilespmem:s15+$0x5F00] =	vst v1  }
0x133: {  	v0 =	vld.idx.msk [tilespmem:v0+s2+$0x0], $0xffff;
	_ =	sdelay $0x2  }
0x134: {  	s12 =	sadd.s32 $0x1, s12  }
0x135: {  	p0 =	sne.s32 s12, s6  }
.Ltmp1:
0x136: {  	[tilespmem:s15+$0x6000] =	vst v0;
	(pc) =	sbr.rel @p0 .LBB2_1-.Ltmp1, $4  }
0x137: {  	[hbm4b:s5+s9] =	stream.strided.scatter [tilespmem:s11], [sflag:$0x1], $0x2000, s10, s9, $0x38;
	[tilespmem:$0x6100] =	vst v63  }
0x138: {  	_ =	swait.ge [sflag:s7], $0x2000  }
0x139: {  	[sflag:s7] =	ssyncset.done $0x0  }
0x13a: {  	[sflag:s7] =	ssyncadd.s32 $0xFFFFE000  }
0x13b: {  	_ =	sfence.sel $0x180000  }
0x13c: {  	[bflag:$0x0] =	sbarrier.arrive $0xFFFF  }
0x13d: {  	p0 =	sne.s32 s1, $0x0;
	_ =	strace $0x90000047  }
0x13e: {  	s0 =	sadd.s32 @!p0 $0x100000, s0;
	[bflag:$0x2] =	sbarrier.arrive $0xFFFF  }
0x13f: {  	[sflag:s0] =	ssyncadd.tile.s32 @!p0 $0x1;
	_ =	shalt  }
.Lfunc_end2:
_tile_overlayer_lowered:
.L_overlay_start_2:
0x140: {  	(tag) =	ssettag $0x2  }
0x141: {  	s0 =	rddreg [dreg:$0x0];
	s2 =	stileid.u32  }
0x142: {  	s1 =	rddreg [dreg:$0x1];
	p0 =	sne.s32 s2, $0x0  }
0x143: {  	s3 =	rddreg [dreg:$0x2];
	[bflag:$0x3] =	sbarrier.arrive $0xFFFF;
	s2 =	simm.s32 @!p0 $0x1C01  }
0x144: {  	[timem:s3], [sflag:s2] =	dma.local @!p0 [hbm:s0], s1  }
0x145: {  	s0 =	simm.s32 @!p0 $0x1  }
0x146: {  	_ =	swait.ge @!p0 [sflag:s0], s1  }
0x147: {  	s1 =	ssub.s32 @!p0 $0x0, s1;
	[sflag:s0] =	ssyncset.done @!p0 $0x0  }
0x148: {  	[sflag:s0] =	ssyncadd.s32 @!p0 s1  }
0x149: {  	[bflag:$0x3] =	sbarrier.arrive $0xFFFF  }
0x14a: {  	_ =	shalt  }

</sc_bundles>
